<compile_context>
chip_gen: v7x
topology: tpu7x:2x2x1
jax: 0.10.2.dev20260603
libtpu: 0.0.44.dev20260713+nightly
codegen_flags: <defaults>
</compile_context>

<pallas_src>
import jax
import jax.numpy as jnp
from jax import lax
from jax.experimental import pallas as pl
from jax.experimental.pallas import tpu as pltpu
from jax.experimental.pallas import tpu_sc as plsc

B = 16384
D = 128
SD = 32
NC = 2
NS = 16
NW = NC * NS
BPW = B // NW
GCH = 128
NG = BPW // GCH
L = 16
SP = L + 1


def _body(dow_h, time_h, month_h, day_h, dest_h,
          wdow_h, wtime_h, wmonth_h, wday_h, witem_h, wp_h, b_h,
          out_h,
          dest_v, dow_v, time_v, month_v, day_v,
          wdow_v, wtime_v, wmonth_v, wday_v, wp_v, b_v,
          item_v, stage_v, out_v,
          sem_s, sem_d, sem_o, sem_g0, sem_g1, sem_g2, sem_g3):
    wid = lax.axis_index("s") * NC + lax.axis_index("c")
    base = wid * BPW

    gsems = (sem_g0, sem_g1, sem_g2, sem_g3)
    pltpu.sync_copy(dest_h.at[pl.ds(base, GCH)], dest_v.at[0])
    gathers = [pltpu.async_copy(witem_h.at[dest_v.at[0]],
                                item_v.at[pl.ds(0, GCH)], gsems[0])]

    small = [
        pltpu.async_copy(dow_h.at[pl.ds(base, BPW)], dow_v, sem_s),
        pltpu.async_copy(time_h.at[pl.ds(base, BPW)], time_v, sem_s),
        pltpu.async_copy(month_h.at[pl.ds(base, BPW)], month_v, sem_s),
        pltpu.async_copy(day_h.at[pl.ds(base, BPW)], day_v, sem_s),
        pltpu.async_copy(wdow_h, wdow_v, sem_s),
        pltpu.async_copy(wtime_h, wtime_v, sem_s),
        pltpu.async_copy(wmonth_h, wmonth_v, sem_s),
        pltpu.async_copy(wday_h, wday_v, sem_s),
        pltpu.async_copy(wp_h, wp_v, sem_s),
        pltpu.async_copy(b_h, b_v, sem_s),
    ]

    for j in range(1, NG):
        pltpu.sync_copy(dest_h.at[pl.ds(base + j * GCH, GCH)], dest_v.at[j])
        gathers.append(
            pltpu.async_copy(witem_h.at[dest_v.at[j]],
                             item_v.at[pl.ds(j * GCH, GCH)], gsems[j]))

    for c in small:
        c.wait()

    lanes = lax.iota(jnp.int32, L)
    zeros = jnp.zeros((L,), jnp.int32)
    wp = [plsc.load_gather(wp_v, [lanes + L * j, zeros]) for j in range(D // L)]
    bvec = plsc.load_gather(b_v, [zeros])
    tables = (wdow_v, wtime_v, wmonth_v, wday_v)
    idx_refs = (dow_v, time_v, month_v, day_v)
    lanes_sp = lanes * SP

    for seg, (tab, nrows) in enumerate(zip(tables, (7, 24, 12, 31))):
        wpa, wpb = wp[2 * seg], wp[2 * seg + 1]

        def scale_body(r, carry, tab=tab, wpa=wpa, wpb=wpb):
            tab[r, pl.ds(0, L)] = tab[r, pl.ds(0, L)] * wpa
            tab[r, pl.ds(L, L)] = tab[r, pl.ds(L, L)] * wpb
            return carry

        lax.fori_loop(0, nrows, scale_body, 0)

    GPC = GCH // L

    def group_body(g, carry):
        @pl.when(g % GPC == 0)
        def _():
            for j in range(NG):
                @pl.when(g == j * GPC)
                def _(j=j):
                    gathers[j].wait()
        gbase = g * L
        ivecs = [r[pl.ds(gbase, L)] for r in idx_refs]
        RI = 4
        for rp in range(0, L, RI):
            accs = [None] * RI
            for j in range(D // L):
                seg, half = j // 2, (j % 2) * L
                for t in range(RI):
                    r = rp + t
                    it = item_v[gbase + r, pl.ds(L * j, L)]
                    us = tables[seg][ivecs[seg][r], pl.ds(half, L)]
                    term = it * us
                    accs[t] = term if accs[t] is None else accs[t] + term
            for t in range(RI):
                stage_v[pl.ds((rp + t) * SP, L)] = accs[t]
        cols = [plsc.load_gather(stage_v, [lanes_sp + c]) for c in range(L)]
        while len(cols) > 1:
            cols = [a + b for a, b in zip(cols[::2], cols[1::2])]
        x = cols[0] + bvec
        out_v[pl.ds(gbase, L)] = jnp.where(x >= 0, x, x * 0.01)
        return carry

    lax.fori_loop(0, BPW // L, group_body, 0)

    pltpu.sync_copy(out_v, out_h.at[pl.ds(base, BPW)])


@jax.jit
def _run(dow, time, month, day, dest, W_dow, W_time, W_month, W_day,
         W_item, W_pred, b_pred):
    mesh = plsc.VectorSubcoreMesh(core_axis_name="c", subcore_axis_name="s")
    f = pl.kernel(
        _body,
        out_type=jax.ShapeDtypeStruct((B,), jnp.float32),
        mesh=mesh,
        scratch_types=[
            pltpu.VMEM((NG, GCH), jnp.int32),
            pltpu.VMEM((BPW,), jnp.int32),
            pltpu.VMEM((BPW,), jnp.int32),
            pltpu.VMEM((BPW,), jnp.int32),
            pltpu.VMEM((BPW,), jnp.int32),
            pltpu.VMEM((7, SD), jnp.float32),
            pltpu.VMEM((24, SD), jnp.float32),
            pltpu.VMEM((12, SD), jnp.float32),
            pltpu.VMEM((31, SD), jnp.float32),
            pltpu.VMEM((D, 1), jnp.float32),
            pltpu.VMEM((1,), jnp.float32),
            pltpu.VMEM((BPW, D), jnp.float32),
            pltpu.VMEM((SP * L,), jnp.float32),
            pltpu.VMEM((BPW,), jnp.float32),
            pltpu.SemaphoreType.DMA,
            pltpu.SemaphoreType.DMA,
            pltpu.SemaphoreType.DMA,
            pltpu.SemaphoreType.DMA,
            pltpu.SemaphoreType.DMA,
            pltpu.SemaphoreType.DMA,
            pltpu.SemaphoreType.DMA,
        ],
        compiler_params=pltpu.CompilerParams(needs_layout_passes=False),
    )
    return f(dow, time, month, day, dest, W_dow, W_time, W_month, W_day,
             W_item, W_pred, b_pred)


def kernel(dayofweek, time, month, day, destination, W_dow, W_time,
           W_month, W_day, W_item, W_pred, b_pred):
    return _run(
        dayofweek.astype(jnp.int32), time.astype(jnp.int32),
        month.astype(jnp.int32), day.astype(jnp.int32),
        destination.astype(jnp.int32),
        W_dow, W_time, W_month, W_day, W_item, W_pred, b_pred)

# --- scband reference (transcript-rebuilt; emitter-appended) ---
"""Pipeline reference for scband-generalized-matrix-factorization-10393820857074 (READ-ONLY COPY).

The authoritative reference and input builder live on the scoring server;
editing this copy changes nothing except your own understanding.
"""

import jax, jax.numpy as jnp
import numpy as np

B = 16384
NUM_FACTOR = 128
NUM_DIM = NUM_FACTOR // 4

def setup_inputs(seed: int = 0) -> dict:
    key = jax.random.key(seed)
    ks = [jax.random.fold_in(key, i) for i in range(12)]
    inp = {}
    inp['dayofweek'] = jax.random.randint(ks[0], (B,), 0, 7, dtype=jnp.int64 if jax.config.jax_enable_x64 else jnp.int32)
    inp['time'] = jax.random.randint(ks[1], (B,), 0, 24, dtype=jnp.int32)
    inp['month'] = jax.random.randint(ks[2], (B,), 0, 12, dtype=jnp.int32)
    inp['day'] = jax.random.randint(ks[3], (B,), 0, 31, dtype=jnp.int32)
    inp['destination'] = jax.random.randint(ks[4], (B,), 0, 100000, dtype=jnp.int32)
    inp['W_dow'] = 0.1 * jax.random.normal(ks[5], (7, NUM_DIM), dtype=jnp.float32)
    inp['W_time'] = 0.1 * jax.random.normal(ks[6], (24, NUM_DIM), dtype=jnp.float32)
    inp['W_month'] = 0.1 * jax.random.normal(ks[7], (12, NUM_DIM), dtype=jnp.float32)
    inp['W_day'] = 0.1 * jax.random.normal(ks[8], (31, NUM_DIM), dtype=jnp.float32)
    inp['W_item'] = 0.1 * jax.random.normal(ks[9], (100000, NUM_FACTOR), dtype=jnp.float32)
    lim = 1.0 / np.sqrt(NUM_FACTOR)
    inp['W_pred'] = jax.random.uniform(ks[10], (NUM_FACTOR, 1), dtype=jnp.float32, minval=-lim, maxval=lim)
    inp['b_pred'] = jax.random.uniform(ks[11], (1,), dtype=jnp.float32, minval=-lim, maxval=lim)
    return inp

def reference(dayofweek, time, month, day, destination, W_dow, W_time, W_month, W_day, W_item, W_pred, b_pred):
    dow_e = jnp.take(W_dow, dayofweek, axis=0)
    time_e = jnp.take(W_time, time, axis=0)
    month_e = jnp.take(W_month, month, axis=0)
    day_e = jnp.take(W_day, day, axis=0)
    user_embedding = jnp.concatenate([dow_e, time_e, month_e, day_e], axis=-1)
    item_embedding = jnp.take(W_item, destination, axis=0)
    out = user_embedding * item_embedding
    out = out @ W_pred + b_pred
    out = jax.nn.leaky_relu(out, negative_slope=0.01)
    return out.reshape(-1)

if __name__ == "__main__":
    import jax
    _d = setup_inputs()
    print(jax.jit(kernel)(*tuple(_d.values())))

</pallas_src>

<mosaic_0001>
#map = affine_map<(d0, d1) -> (0)>
#map1 = affine_map<(d0, d1) -> (0, 0)>
module attributes {stable_mosaic.version = 14 : i64} {
  func.func @_body(%arg0: i32, %arg1: i32, %arg2: memref<16384xi32, #tpu.memory_space<hbm>>, %arg3: memref<16384xi32, #tpu.memory_space<hbm>>, %arg4: memref<16384xi32, #tpu.memory_space<hbm>>, %arg5: memref<16384xi32, #tpu.memory_space<hbm>>, %arg6: memref<16384xi32, #tpu.memory_space<hbm>>, %arg7: memref<7x32xf32, #tpu.memory_space<hbm>>, %arg8: memref<24x32xf32, #tpu.memory_space<hbm>>, %arg9: memref<12x32xf32, #tpu.memory_space<hbm>>, %arg10: memref<31x32xf32, #tpu.memory_space<hbm>>, %arg11: memref<100000x128xf32, #tpu.memory_space<hbm>>, %arg12: memref<128x1xf32, #tpu.memory_space<hbm>>, %arg13: memref<1xf32, #tpu.memory_space<hbm>>, %arg14: memref<16384xf32, #tpu.memory_space<hbm>>, %arg15: memref<4x128xi32, #tpu.memory_space<vmem>>, %arg16: memref<512xi32, #tpu.memory_space<vmem>>, %arg17: memref<512xi32, #tpu.memory_space<vmem>>, %arg18: memref<512xi32, #tpu.memory_space<vmem>>, %arg19: memref<512xi32, #tpu.memory_space<vmem>>, %arg20: memref<7x32xf32, #tpu.memory_space<vmem>>, %arg21: memref<24x32xf32, #tpu.memory_space<vmem>>, %arg22: memref<12x32xf32, #tpu.memory_space<vmem>>, %arg23: memref<31x32xf32, #tpu.memory_space<vmem>>, %arg24: memref<128x1xf32, #tpu.memory_space<vmem>>, %arg25: memref<1xf32, #tpu.memory_space<vmem>>, %arg26: memref<512x128xf32, #tpu.memory_space<vmem>>, %arg27: memref<272xf32, #tpu.memory_space<vmem>>, %arg28: memref<512xf32, #tpu.memory_space<vmem>>, %arg29: memref<!tpu.dma_semaphore, #tpu.memory_space<semaphore_mem>>, %arg30: memref<!tpu.dma_semaphore, #tpu.memory_space<semaphore_mem>>, %arg31: memref<!tpu.dma_semaphore, #tpu.memory_space<semaphore_mem>>, %arg32: memref<!tpu.dma_semaphore, #tpu.memory_space<semaphore_mem>>, %arg33: memref<!tpu.dma_semaphore, #tpu.memory_space<semaphore_mem>>, %arg34: memref<!tpu.dma_semaphore, #tpu.memory_space<semaphore_mem>>, %arg35: memref<!tpu.dma_semaphore, #tpu.memory_space<semaphore_mem>>) attributes {dimension_semantics = [#tpu.dimension_semantics<core_parallel>, #tpu.dimension_semantics<subcore_parallel>], iteration_bounds = array<i64: 2, 16>, scalar_prefetch = 0 : i64, scratch_operands = 21 : i64, tpu.core_type = #tpu.core_type<sc_vector_subcore>, window_params = [{transform_indices = #map}, {transform_indices = #map}, {transform_indices = #map}, {transform_indices = #map}, {transform_indices = #map}, {transform_indices = #map1}, {transform_indices = #map1}, {transform_indices = #map1}, {transform_indices = #map1}, {transform_indices = #map1}, {transform_indices = #map1}, {transform_indices = #map}, {transform_indices = #map}]} {
    %mul3A = arith.constant 2 : i32
    %mul3A_0 = arith.muli %arg1, %mul3A : i32
    %add3A = arith.addi %mul3A_0, %arg0 : i32
    %mul3A_1 = arith.constant 512 : i32
    %mul3A_2 = arith.muli %add3A, %mul3A_1 : i32
    %run_scoped3A = arith.constant 0 : i32
    "tpu.region"() ({
      %run_scoped3A_135 = tpu.sem_alloc : memref<!tpu.dma_semaphore, #tpu.memory_space<semaphore_mem>>
      %dma_start3A_136 = arith.constant 0 : i32
      %dma_start3A_137 = tpu.memref_slice %arg15[%run_scoped3A, %dma_start3A_136] : memref<4x128xi32, #tpu.memory_space<vmem>> -> memref<1x128xi32, #tpu.memory_space<vmem>>
      %dma_start3A_138 = tpu.memref_squeeze %dma_start3A_137 : memref<1x128xi32, #tpu.memory_space<vmem>> -> memref<128xi32, #tpu.memory_space<vmem>>
      %dma_start3A_139 = tpu.memref_slice %arg6[%mul3A_2] : memref<16384xi32, #tpu.memory_space<hbm>> -> memref<128xi32, #tpu.memory_space<hbm>>
      %dma_start3A_140 = arith.constant 0 : i32
      %dma_start3A_141 = tpu.memref_slice %arg15[%run_scoped3A, %dma_start3A_140] : memref<4x128xi32, #tpu.memory_space<vmem>> -> memref<1x128xi32, #tpu.memory_space<vmem>>
      %dma_start3A_142 = tpu.memref_squeeze %dma_start3A_141 : memref<1x128xi32, #tpu.memory_space<vmem>> -> memref<128xi32, #tpu.memory_space<vmem>>
      %dma_start3A_143 = tpu.memref_slice %arg6[%mul3A_2] : memref<16384xi32, #tpu.memory_space<hbm>> -> memref<128xi32, #tpu.memory_space<hbm>>
      tpu.enqueue_dma source(%dma_start3A_143 : memref<128xi32, #tpu.memory_space<hbm>>) target(%dma_start3A_142 : memref<128xi32, #tpu.memory_space<vmem>>) target_semaphore(%run_scoped3A_135 : memref<!tpu.dma_semaphore, #tpu.memory_space<semaphore_mem>>)
      %dma_wait3A_144 = arith.constant 0 : i32
      %dma_wait3A_145 = tpu.memref_slice %arg15[%run_scoped3A, %dma_wait3A_144] : memref<4x128xi32, #tpu.memory_space<vmem>> -> memref<1x128xi32, #tpu.memory_space<vmem>>
      %dma_wait3A_146 = tpu.memref_squeeze %dma_wait3A_145 : memref<1x128xi32, #tpu.memory_space<vmem>> -> memref<128xi32, #tpu.memory_space<vmem>>
      %dma_wait3A_147 = tpu.memref_slice %arg6[%mul3A_2] : memref<16384xi32, #tpu.memory_space<hbm>> -> memref<128xi32, #tpu.memory_space<hbm>>
      %dma_wait3A_148 = arith.constant 0 : i32
      %dma_wait3A_149 = tpu.memref_slice %arg15[%run_scoped3A, %dma_wait3A_148] : memref<4x128xi32, #tpu.memory_space<vmem>> -> memref<1x128xi32, #tpu.memory_space<vmem>>
      %dma_wait3A_150 = tpu.memref_squeeze %dma_wait3A_149 : memref<1x128xi32, #tpu.memory_space<vmem>> -> memref<128xi32, #tpu.memory_space<vmem>>
      %dma_wait3A_151 = tpu.memref_slice %arg6[%mul3A_2] : memref<16384xi32, #tpu.memory_space<hbm>> -> memref<128xi32, #tpu.memory_space<hbm>>
      tpu.wait_dma2 semaphore(%run_scoped3A_135 : memref<!tpu.dma_semaphore, #tpu.memory_space<semaphore_mem>>) src(%dma_wait3A_151 : memref<128xi32, #tpu.memory_space<hbm>>) dst(%dma_wait3A_150 : memref<128xi32, #tpu.memory_space<vmem>>)
      tpu.yield
    }) : () -> ()
    %dma_start3A = arith.constant 0 : i32
    %dma_start3A_3 = arith.constant 0 : i32
    %dma_start3A_4 = arith.constant 0 : i32
    %dma_start3A_5 = tpu.memref_slice %arg26[%dma_start3A_3, %dma_start3A_4] : memref<512x128xf32, #tpu.memory_space<vmem>> -> memref<128x128xf32, #tpu.memory_space<vmem>>
    %dma_start3A_6 = arith.constant 0 : i32
    %dma_start3A_7 = tpu.memref_slice %arg15[%dma_start3A, %dma_start3A_6] : memref<4x128xi32, #tpu.memory_space<vmem>> -> memref<1x128xi32, #tpu.memory_space<vmem>>
    %dma_start3A_8 = tpu.memref_squeeze %dma_start3A_7 : memref<1x128xi32, #tpu.memory_space<vmem>> -> memref<128xi32, #tpu.memory_space<vmem>>
    %dma_start3A_9 = arith.constant 0 : i32
    %dma_start3A_10 = arith.constant 0 : i32
    %dma_start3A_11 = tpu.memref_slice %arg11[%dma_start3A_9, %dma_start3A_10] : memref<100000x128xf32, #tpu.memory_space<hbm>> -> memref<100000x128xf32, #tpu.memory_space<hbm>>
    tpu.enqueue_indirect_dma source(%dma_start3A_11 : memref<100000x128xf32, #tpu.memory_space<hbm>>) target(%dma_start3A_5 : memref<128x128xf32, #tpu.memory_space<vmem>>) offsets(%dma_start3A_8 : memref<128xi32, #tpu.memory_space<vmem>>) semaphore(%arg32 : memref<!tpu.dma_semaphore, #tpu.memory_space<semaphore_mem>>)
    %dma_start3A_12 = tpu.memref_slice %arg2[%mul3A_2] : memref<16384xi32, #tpu.memory_space<hbm>> -> memref<512xi32, #tpu.memory_space<hbm>>
    %dma_start3A_13 = tpu.memref_slice %arg2[%mul3A_2] : memref<16384xi32, #tpu.memory_space<hbm>> -> memref<512xi32, #tpu.memory_space<hbm>>
    tpu.enqueue_dma source(%dma_start3A_13 : memref<512xi32, #tpu.memory_space<hbm>>) target(%arg16 : memref<512xi32, #tpu.memory_space<vmem>>) target_semaphore(%arg29 : memref<!tpu.dma_semaphore, #tpu.memory_space<semaphore_mem>>)
    %dma_start3A_14 = tpu.memref_slice %arg3[%mul3A_2] : memref<16384xi32, #tpu.memory_space<hbm>> -> memref<512xi32, #tpu.memory_space<hbm>>
    %dma_start3A_15 = tpu.memref_slice %arg3[%mul3A_2] : memref<16384xi32, #tpu.memory_space<hbm>> -> memref<512xi32, #tpu.memory_space<hbm>>
    tpu.enqueue_dma source(%dma_start3A_15 : memref<512xi32, #tpu.memory_space<hbm>>) target(%arg17 : memref<512xi32, #tpu.memory_space<vmem>>) target_semaphore(%arg29 : memref<!tpu.dma_semaphore, #tpu.memory_space<semaphore_mem>>)
    %dma_start3A_16 = tpu.memref_slice %arg4[%mul3A_2] : memref<16384xi32, #tpu.memory_space<hbm>> -> memref<512xi32, #tpu.memory_space<hbm>>
    %dma_start3A_17 = tpu.memref_slice %arg4[%mul3A_2] : memref<16384xi32, #tpu.memory_space<hbm>> -> memref<512xi32, #tpu.memory_space<hbm>>
    tpu.enqueue_dma source(%dma_start3A_17 : memref<512xi32, #tpu.memory_space<hbm>>) target(%arg18 : memref<512xi32, #tpu.memory_space<vmem>>) target_semaphore(%arg29 : memref<!tpu.dma_semaphore, #tpu.memory_space<semaphore_mem>>)
    %dma_start3A_18 = tpu.memref_slice %arg5[%mul3A_2] : memref<16384xi32, #tpu.memory_space<hbm>> -> memref<512xi32, #tpu.memory_space<hbm>>
    %dma_start3A_19 = tpu.memref_slice %arg5[%mul3A_2] : memref<16384xi32, #tpu.memory_space<hbm>> -> memref<512xi32, #tpu.memory_space<hbm>>
    tpu.enqueue_dma source(%dma_start3A_19 : memref<512xi32, #tpu.memory_space<hbm>>) target(%arg19 : memref<512xi32, #tpu.memory_space<vmem>>) target_semaphore(%arg29 : memref<!tpu.dma_semaphore, #tpu.memory_space<semaphore_mem>>)
    tpu.enqueue_dma source(%arg7 : memref<7x32xf32, #tpu.memory_space<hbm>>) target(%arg20 : memref<7x32xf32, #tpu.memory_space<vmem>>) target_semaphore(%arg29 : memref<!tpu.dma_semaphore, #tpu.memory_space<semaphore_mem>>)
    tpu.enqueue_dma source(%arg8 : memref<24x32xf32, #tpu.memory_space<hbm>>) target(%arg21 : memref<24x32xf32, #tpu.memory_space<vmem>>) target_semaphore(%arg29 : memref<!tpu.dma_semaphore, #tpu.memory_space<semaphore_mem>>)
    tpu.enqueue_dma source(%arg9 : memref<12x32xf32, #tpu.memory_space<hbm>>) target(%arg22 : memref<12x32xf32, #tpu.memory_space<vmem>>) target_semaphore(%arg29 : memref<!tpu.dma_semaphore, #tpu.memory_space<semaphore_mem>>)
    tpu.enqueue_dma source(%arg10 : memref<31x32xf32, #tpu.memory_space<hbm>>) target(%arg23 : memref<31x32xf32, #tpu.memory_space<vmem>>) target_semaphore(%arg29 : memref<!tpu.dma_semaphore, #tpu.memory_space<semaphore_mem>>)
    tpu.enqueue_dma source(%arg12 : memref<128x1xf32, #tpu.memory_space<hbm>>) target(%arg24 : memref<128x1xf32, #tpu.memory_space<vmem>>) target_semaphore(%arg29 : memref<!tpu.dma_semaphore, #tpu.memory_space<semaphore_mem>>)
    tpu.enqueue_dma source(%arg13 : memref<1xf32, #tpu.memory_space<hbm>>) target(%arg25 : memref<1xf32, #tpu.memory_space<vmem>>) target_semaphore(%arg29 : memref<!tpu.dma_semaphore, #tpu.memory_space<semaphore_mem>>)
    %add3A_20 = arith.constant 128 : i32
    %add3A_21 = arith.addi %mul3A_2, %add3A_20 : i32
    %run_scoped3A_22 = arith.constant 1 : i32
    "tpu.region"() ({
      %run_scoped3A_135 = tpu.sem_alloc : memref<!tpu.dma_semaphore, #tpu.memory_space<semaphore_mem>>
      %dma_start3A_136 = arith.constant 0 : i32
      %dma_start3A_137 = tpu.memref_slice %arg15[%run_scoped3A_22, %dma_start3A_136] : memref<4x128xi32, #tpu.memory_space<vmem>> -> memref<1x128xi32, #tpu.memory_space<vmem>>
      %dma_start3A_138 = tpu.memref_squeeze %dma_start3A_137 : memref<1x128xi32, #tpu.memory_space<vmem>> -> memref<128xi32, #tpu.memory_space<vmem>>
      %dma_start3A_139 = tpu.memref_slice %arg6[%add3A_21] : memref<16384xi32, #tpu.memory_space<hbm>> -> memref<128xi32, #tpu.memory_space<hbm>>
      %dma_start3A_140 = arith.constant 0 : i32
      %dma_start3A_141 = tpu.memref_slice %arg15[%run_scoped3A_22, %dma_start3A_140] : memref<4x128xi32, #tpu.memory_space<vmem>> -> memref<1x128xi32, #tpu.memory_space<vmem>>
      %dma_start3A_142 = tpu.memref_squeeze %dma_start3A_141 : memref<1x128xi32, #tpu.memory_space<vmem>> -> memref<128xi32, #tpu.memory_space<vmem>>
      %dma_start3A_143 = tpu.memref_slice %arg6[%add3A_21] : memref<16384xi32, #tpu.memory_space<hbm>> -> memref<128xi32, #tpu.memory_space<hbm>>
      tpu.enqueue_dma source(%dma_start3A_143 : memref<128xi32, #tpu.memory_space<hbm>>) target(%dma_start3A_142 : memref<128xi32, #tpu.memory_space<vmem>>) target_semaphore(%run_scoped3A_135 : memref<!tpu.dma_semaphore, #tpu.memory_space<semaphore_mem>>)
      %dma_wait3A_144 = arith.constant 0 : i32
      %dma_wait3A_145 = tpu.memref_slice %arg15[%run_scoped3A_22, %dma_wait3A_144] : memref<4x128xi32, #tpu.memory_space<vmem>> -> memref<1x128xi32, #tpu.memory_space<vmem>>
      %dma_wait3A_146 = tpu.memref_squeeze %dma_wait3A_145 : memref<1x128xi32, #tpu.memory_space<vmem>> -> memref<128xi32, #tpu.memory_space<vmem>>
      %dma_wait3A_147 = tpu.memref_slice %arg6[%add3A_21] : memref<16384xi32, #tpu.memory_space<hbm>> -> memref<128xi32, #tpu.memory_space<hbm>>
      %dma_wait3A_148 = arith.constant 0 : i32
      %dma_wait3A_149 = tpu.memref_slice %arg15[%run_scoped3A_22, %dma_wait3A_148] : memref<4x128xi32, #tpu.memory_space<vmem>> -> memref<1x128xi32, #tpu.memory_space<vmem>>
      %dma_wait3A_150 = tpu.memref_squeeze %dma_wait3A_149 : memref<1x128xi32, #tpu.memory_space<vmem>> -> memref<128xi32, #tpu.memory_space<vmem>>
      %dma_wait3A_151 = tpu.memref_slice %arg6[%add3A_21] : memref<16384xi32, #tpu.memory_space<hbm>> -> memref<128xi32, #tpu.memory_space<hbm>>
      tpu.wait_dma2 semaphore(%run_scoped3A_135 : memref<!tpu.dma_semaphore, #tpu.memory_space<semaphore_mem>>) src(%dma_wait3A_151 : memref<128xi32, #tpu.memory_space<hbm>>) dst(%dma_wait3A_150 : memref<128xi32, #tpu.memory_space<vmem>>)
      tpu.yield
    }) : () -> ()
    %dma_start3A_23 = arith.constant 1 : i32
    %dma_start3A_24 = arith.constant 128 : i32
    %dma_start3A_25 = arith.constant 0 : i32
    %dma_start3A_26 = tpu.memref_slice %arg26[%dma_start3A_24, %dma_start3A_25] : memref<512x128xf32, #tpu.memory_space<vmem>> -> memref<128x128xf32, #tpu.memory_space<vmem>>
    %dma_start3A_27 = arith.constant 0 : i32
    %dma_start3A_28 = tpu.memref_slice %arg15[%dma_start3A_23, %dma_start3A_27] : memref<4x128xi32, #tpu.memory_space<vmem>> -> memref<1x128xi32, #tpu.memory_space<vmem>>
    %dma_start3A_29 = tpu.memref_squeeze %dma_start3A_28 : memref<1x128xi32, #tpu.memory_space<vmem>> -> memref<128xi32, #tpu.memory_space<vmem>>
    %dma_start3A_30 = arith.constant 0 : i32
    %dma_start3A_31 = arith.constant 0 : i32
    %dma_start3A_32 = tpu.memref_slice %arg11[%dma_start3A_30, %dma_start3A_31] : memref<100000x128xf32, #tpu.memory_space<hbm>> -> memref<100000x128xf32, #tpu.memory_space<hbm>>
    tpu.enqueue_indirect_dma source(%dma_start3A_32 : memref<100000x128xf32, #tpu.memory_space<hbm>>) target(%dma_start3A_26 : memref<128x128xf32, #tpu.memory_space<vmem>>) offsets(%dma_start3A_29 : memref<128xi32, #tpu.memory_space<vmem>>) semaphore(%arg33 : memref<!tpu.dma_semaphore, #tpu.memory_space<semaphore_mem>>)
    %add3A_33 = arith.constant 256 : i32
    %add3A_34 = arith.addi %mul3A_2, %add3A_33 : i32
    %run_scoped3A_35 = arith.constant 2 : i32
    "tpu.region"() ({
      %run_scoped3A_135 = tpu.sem_alloc : memref<!tpu.dma_semaphore, #tpu.memory_space<semaphore_mem>>
      %dma_start3A_136 = arith.constant 0 : i32
      %dma_start3A_137 = tpu.memref_slice %arg15[%run_scoped3A_35, %dma_start3A_136] : memref<4x128xi32, #tpu.memory_space<vmem>> -> memref<1x128xi32, #tpu.memory_space<vmem>>
      %dma_start3A_138 = tpu.memref_squeeze %dma_start3A_137 : memref<1x128xi32, #tpu.memory_space<vmem>> -> memref<128xi32, #tpu.memory_space<vmem>>
      %dma_start3A_139 = tpu.memref_slice %arg6[%add3A_34] : memref<16384xi32, #tpu.memory_space<hbm>> -> memref<128xi32, #tpu.memory_space<hbm>>
      %dma_start3A_140 = arith.constant 0 : i32
      %dma_start3A_141 = tpu.memref_slice %arg15[%run_scoped3A_35, %dma_start3A_140] : memref<4x128xi32, #tpu.memory_space<vmem>> -> memref<1x128xi32, #tpu.memory_space<vmem>>
      %dma_start3A_142 = tpu.memref_squeeze %dma_start3A_141 : memref<1x128xi32, #tpu.memory_space<vmem>> -> memref<128xi32, #tpu.memory_space<vmem>>
      %dma_start3A_143 = tpu.memref_slice %arg6[%add3A_34] : memref<16384xi32, #tpu.memory_space<hbm>> -> memref<128xi32, #tpu.memory_space<hbm>>
      tpu.enqueue_dma source(%dma_start3A_143 : memref<128xi32, #tpu.memory_space<hbm>>) target(%dma_start3A_142 : memref<128xi32, #tpu.memory_space<vmem>>) target_semaphore(%run_scoped3A_135 : memref<!tpu.dma_semaphore, #tpu.memory_space<semaphore_mem>>)
      %dma_wait3A_144 = arith.constant 0 : i32
      %dma_wait3A_145 = tpu.memref_slice %arg15[%run_scoped3A_35, %dma_wait3A_144] : memref<4x128xi32, #tpu.memory_space<vmem>> -> memref<1x128xi32, #tpu.memory_space<vmem>>
      %dma_wait3A_146 = tpu.memref_squeeze %dma_wait3A_145 : memref<1x128xi32, #tpu.memory_space<vmem>> -> memref<128xi32, #tpu.memory_space<vmem>>
      %dma_wait3A_147 = tpu.memref_slice %arg6[%add3A_34] : memref<16384xi32, #tpu.memory_space<hbm>> -> memref<128xi32, #tpu.memory_space<hbm>>
      %dma_wait3A_148 = arith.constant 0 : i32
      %dma_wait3A_149 = tpu.memref_slice %arg15[%run_scoped3A_35, %dma_wait3A_148] : memref<4x128xi32, #tpu.memory_space<vmem>> -> memref<1x128xi32, #tpu.memory_space<vmem>>
      %dma_wait3A_150 = tpu.memref_squeeze %dma_wait3A_149 : memref<1x128xi32, #tpu.memory_space<vmem>> -> memref<128xi32, #tpu.memory_space<vmem>>
      %dma_wait3A_151 = tpu.memref_slice %arg6[%add3A_34] : memref<16384xi32, #tpu.memory_space<hbm>> -> memref<128xi32, #tpu.memory_space<hbm>>
      tpu.wait_dma2 semaphore(%run_scoped3A_135 : memref<!tpu.dma_semaphore, #tpu.memory_space<semaphore_mem>>) src(%dma_wait3A_151 : memref<128xi32, #tpu.memory_space<hbm>>) dst(%dma_wait3A_150 : memref<128xi32, #tpu.memory_space<vmem>>)
      tpu.yield
    }) : () -> ()
    %dma_start3A_36 = arith.constant 2 : i32
    %dma_start3A_37 = arith.constant 256 : i32
    %dma_start3A_38 = arith.constant 0 : i32
    %dma_start3A_39 = tpu.memref_slice %arg26[%dma_start3A_37, %dma_start3A_38] : memref<512x128xf32, #tpu.memory_space<vmem>> -> memref<128x128xf32, #tpu.memory_space<vmem>>
    %dma_start3A_40 = arith.constant 0 : i32
    %dma_start3A_41 = tpu.memref_slice %arg15[%dma_start3A_36, %dma_start3A_40] : memref<4x128xi32, #tpu.memory_space<vmem>> -> memref<1x128xi32, #tpu.memory_space<vmem>>
    %dma_start3A_42 = tpu.memref_squeeze %dma_start3A_41 : memref<1x128xi32, #tpu.memory_space<vmem>> -> memref<128xi32, #tpu.memory_space<vmem>>
    %dma_start3A_43 = arith.constant 0 : i32
    %dma_start3A_44 = arith.constant 0 : i32
    %dma_start3A_45 = tpu.memref_slice %arg11[%dma_start3A_43, %dma_start3A_44] : memref<100000x128xf32, #tpu.memory_space<hbm>> -> memref<100000x128xf32, #tpu.memory_space<hbm>>
    tpu.enqueue_indirect_dma source(%dma_start3A_45 : memref<100000x128xf32, #tpu.memory_space<hbm>>) target(%dma_start3A_39 : memref<128x128xf32, #tpu.memory_space<vmem>>) offsets(%dma_start3A_42 : memref<128xi32, #tpu.memory_space<vmem>>) semaphore(%arg34 : memref<!tpu.dma_semaphore, #tpu.memory_space<semaphore_mem>>)
    %add3A_46 = arith.constant 384 : i32
    %add3A_47 = arith.addi %mul3A_2, %add3A_46 : i32
    %run_scoped3A_48 = arith.constant 3 : i32
    "tpu.region"() ({
      %run_scoped3A_135 = tpu.sem_alloc : memref<!tpu.dma_semaphore, #tpu.memory_space<semaphore_mem>>
      %dma_start3A_136 = arith.constant 0 : i32
      %dma_start3A_137 = tpu.memref_slice %arg15[%run_scoped3A_48, %dma_start3A_136] : memref<4x128xi32, #tpu.memory_space<vmem>> -> memref<1x128xi32, #tpu.memory_space<vmem>>
      %dma_start3A_138 = tpu.memref_squeeze %dma_start3A_137 : memref<1x128xi32, #tpu.memory_space<vmem>> -> memref<128xi32, #tpu.memory_space<vmem>>
      %dma_start3A_139 = tpu.memref_slice %arg6[%add3A_47] : memref<16384xi32, #tpu.memory_space<hbm>> -> memref<128xi32, #tpu.memory_space<hbm>>
      %dma_start3A_140 = arith.constant 0 : i32
      %dma_start3A_141 = tpu.memref_slice %arg15[%run_scoped3A_48, %dma_start3A_140] : memref<4x128xi32, #tpu.memory_space<vmem>> -> memref<1x128xi32, #tpu.memory_space<vmem>>
      %dma_start3A_142 = tpu.memref_squeeze %dma_start3A_141 : memref<1x128xi32, #tpu.memory_space<vmem>> -> memref<128xi32, #tpu.memory_space<vmem>>
      %dma_start3A_143 = tpu.memref_slice %arg6[%add3A_47] : memref<16384xi32, #tpu.memory_space<hbm>> -> memref<128xi32, #tpu.memory_space<hbm>>
      tpu.enqueue_dma source(%dma_start3A_143 : memref<128xi32, #tpu.memory_space<hbm>>) target(%dma_start3A_142 : memref<128xi32, #tpu.memory_space<vmem>>) target_semaphore(%run_scoped3A_135 : memref<!tpu.dma_semaphore, #tpu.memory_space<semaphore_mem>>)
      %dma_wait3A_144 = arith.constant 0 : i32
      %dma_wait3A_145 = tpu.memref_slice %arg15[%run_scoped3A_48, %dma_wait3A_144] : memref<4x128xi32, #tpu.memory_space<vmem>> -> memref<1x128xi32, #tpu.memory_space<vmem>>
      %dma_wait3A_146 = tpu.memref_squeeze %dma_wait3A_145 : memref<1x128xi32, #tpu.memory_space<vmem>> -> memref<128xi32, #tpu.memory_space<vmem>>
      %dma_wait3A_147 = tpu.memref_slice %arg6[%add3A_47] : memref<16384xi32, #tpu.memory_space<hbm>> -> memref<128xi32, #tpu.memory_space<hbm>>
      %dma_wait3A_148 = arith.constant 0 : i32
      %dma_wait3A_149 = tpu.memref_slice %arg15[%run_scoped3A_48, %dma_wait3A_148] : memref<4x128xi32, #tpu.memory_space<vmem>> -> memref<1x128xi32, #tpu.memory_space<vmem>>
      %dma_wait3A_150 = tpu.memref_squeeze %dma_wait3A_149 : memref<1x128xi32, #tpu.memory_space<vmem>> -> memref<128xi32, #tpu.memory_space<vmem>>
      %dma_wait3A_151 = tpu.memref_slice %arg6[%add3A_47] : memref<16384xi32, #tpu.memory_space<hbm>> -> memref<128xi32, #tpu.memory_space<hbm>>
      tpu.wait_dma2 semaphore(%run_scoped3A_135 : memref<!tpu.dma_semaphore, #tpu.memory_space<semaphore_mem>>) src(%dma_wait3A_151 : memref<128xi32, #tpu.memory_space<hbm>>) dst(%dma_wait3A_150 : memref<128xi32, #tpu.memory_space<vmem>>)
      tpu.yield
    }) : () -> ()
    %dma_start3A_49 = arith.constant 3 : i32
    %dma_start3A_50 = arith.constant 384 : i32
    %dma_start3A_51 = arith.constant 0 : i32
    %dma_start3A_52 = tpu.memref_slice %arg26[%dma_start3A_50, %dma_start3A_51] : memref<512x128xf32, #tpu.memory_space<vmem>> -> memref<128x128xf32, #tpu.memory_space<vmem>>
    %dma_start3A_53 = arith.constant 0 : i32
    %dma_start3A_54 = tpu.memref_slice %arg15[%dma_start3A_49, %dma_start3A_53] : memref<4x128xi32, #tpu.memory_space<vmem>> -> memref<1x128xi32, #tpu.memory_space<vmem>>
    %dma_start3A_55 = tpu.memref_squeeze %dma_start3A_54 : memref<1x128xi32, #tpu.memory_space<vmem>> -> memref<128xi32, #tpu.memory_space<vmem>>
    %dma_start3A_56 = arith.constant 0 : i32
    %dma_start3A_57 = arith.constant 0 : i32
    %dma_start3A_58 = tpu.memref_slice %arg11[%dma_start3A_56, %dma_start3A_57] : memref<100000x128xf32, #tpu.memory_space<hbm>> -> memref<100000x128xf32, #tpu.memory_space<hbm>>
    tpu.enqueue_indirect_dma source(%dma_start3A_58 : memref<100000x128xf32, #tpu.memory_space<hbm>>) target(%dma_start3A_52 : memref<128x128xf32, #tpu.memory_space<vmem>>) offsets(%dma_start3A_55 : memref<128xi32, #tpu.memory_space<vmem>>) semaphore(%arg35 : memref<!tpu.dma_semaphore, #tpu.memory_space<semaphore_mem>>)
    %dma_wait3A = tpu.memref_slice %arg2[%mul3A_2] : memref<16384xi32, #tpu.memory_space<hbm>> -> memref<512xi32, #tpu.memory_space<hbm>>
    %dma_wait3A_59 = tpu.memref_slice %arg2[%mul3A_2] : memref<16384xi32, #tpu.memory_space<hbm>> -> memref<512xi32, #tpu.memory_space<hbm>>
    tpu.wait_dma2 semaphore(%arg29 : memref<!tpu.dma_semaphore, #tpu.memory_space<semaphore_mem>>) src(%dma_wait3A_59 : memref<512xi32, #tpu.memory_space<hbm>>) dst(%arg16 : memref<512xi32, #tpu.memory_space<vmem>>)
    %dma_wait3A_60 = tpu.memref_slice %arg3[%mul3A_2] : memref<16384xi32, #tpu.memory_space<hbm>> -> memref<512xi32, #tpu.memory_space<hbm>>
    %dma_wait3A_61 = tpu.memref_slice %arg3[%mul3A_2] : memref<16384xi32, #tpu.memory_space<hbm>> -> memref<512xi32, #tpu.memory_space<hbm>>
    tpu.wait_dma2 semaphore(%arg29 : memref<!tpu.dma_semaphore, #tpu.memory_space<semaphore_mem>>) src(%dma_wait3A_61 : memref<512xi32, #tpu.memory_space<hbm>>) dst(%arg17 : memref<512xi32, #tpu.memory_space<vmem>>)
    %dma_wait3A_62 = tpu.memref_slice %arg4[%mul3A_2] : memref<16384xi32, #tpu.memory_space<hbm>> -> memref<512xi32, #tpu.memory_space<hbm>>
    %dma_wait3A_63 = tpu.memref_slice %arg4[%mul3A_2] : memref<16384xi32, #tpu.memory_space<hbm>> -> memref<512xi32, #tpu.memory_space<hbm>>
    tpu.wait_dma2 semaphore(%arg29 : memref<!tpu.dma_semaphore, #tpu.memory_space<semaphore_mem>>) src(%dma_wait3A_63 : memref<512xi32, #tpu.memory_space<hbm>>) dst(%arg18 : memref<512xi32, #tpu.memory_space<vmem>>)
    %dma_wait3A_64 = tpu.memref_slice %arg5[%mul3A_2] : memref<16384xi32, #tpu.memory_space<hbm>> -> memref<512xi32, #tpu.memory_space<hbm>>
    %dma_wait3A_65 = tpu.memref_slice %arg5[%mul3A_2] : memref<16384xi32, #tpu.memory_space<hbm>> -> memref<512xi32, #tpu.memory_space<hbm>>
    tpu.wait_dma2 semaphore(%arg29 : memref<!tpu.dma_semaphore, #tpu.memory_space<semaphore_mem>>) src(%dma_wait3A_65 : memref<512xi32, #tpu.memory_space<hbm>>) dst(%arg19 : memref<512xi32, #tpu.memory_space<vmem>>)
    tpu.wait_dma2 semaphore(%arg29 : memref<!tpu.dma_semaphore, #tpu.memory_space<semaphore_mem>>) src(%arg7 : memref<7x32xf32, #tpu.memory_space<hbm>>) dst(%arg20 : memref<7x32xf32, #tpu.memory_space<vmem>>)
    tpu.wait_dma2 semaphore(%arg29 : memref<!tpu.dma_semaphore, #tpu.memory_space<semaphore_mem>>) src(%arg8 : memref<24x32xf32, #tpu.memory_space<hbm>>) dst(%arg21 : memref<24x32xf32, #tpu.memory_space<vmem>>)
    tpu.wait_dma2 semaphore(%arg29 : memref<!tpu.dma_semaphore, #tpu.memory_space<semaphore_mem>>) src(%arg9 : memref<12x32xf32, #tpu.memory_space<hbm>>) dst(%arg22 : memref<12x32xf32, #tpu.memory_space<vmem>>)
    tpu.wait_dma2 semaphore(%arg29 : memref<!tpu.dma_semaphore, #tpu.memory_space<semaphore_mem>>) src(%arg10 : memref<31x32xf32, #tpu.memory_space<hbm>>) dst(%arg23 : memref<31x32xf32, #tpu.memory_space<vmem>>)
    tpu.wait_dma2 semaphore(%arg29 : memref<!tpu.dma_semaphore, #tpu.memory_space<semaphore_mem>>) src(%arg12 : memref<128x1xf32, #tpu.memory_space<hbm>>) dst(%arg24 : memref<128x1xf32, #tpu.memory_space<vmem>>)
    tpu.wait_dma2 semaphore(%arg29 : memref<!tpu.dma_semaphore, #tpu.memory_space<semaphore_mem>>) src(%arg13 : memref<1xf32, #tpu.memory_space<hbm>>) dst(%arg25 : memref<1xf32, #tpu.memory_space<vmem>>)
    %iota3A = tpu.iota {dimensions = array<i32: 0>} : vector<16xi32>
    %broadcast_in_dim3A = arith.constant 0 : i32
    %broadcast_in_dim3A_66 = vector.broadcast %broadcast_in_dim3A : i32 to vector<16xi32>
    %add3A_67 = arith.constant 0 : i32
    %add3A_68 = vector.broadcast %add3A_67 : i32 to vector<16xi32>
    %add3A_69 = arith.addi %iota3A, %add3A_68 : vector<16xi32>
    %gather3A = tpu.vector_load_idx %arg24[%add3A_69, %broadcast_in_dim3A_66] : memref<128x1xf32, #tpu.memory_space<vmem>>[vector<16xi32>, vector<16xi32>], vector<16xf32>,
    %add3A_70 = arith.constant 16 : i32
    %add3A_71 = vector.broadcast %add3A_70 : i32 to vector<16xi32>
    %add3A_72 = arith.addi %iota3A, %add3A_71 : vector<16xi32>
    %gather3A_73 = tpu.vector_load_idx %arg24[%add3A_72, %broadcast_in_dim3A_66] : memref<128x1xf32, #tpu.memory_space<vmem>>[vector<16xi32>, vector<16xi32>], vector<16xf32>,
    %add3A_74 = arith.constant 32 : i32
    %add3A_75 = vector.broadcast %add3A_74 : i32 to vector<16xi32>
    %add3A_76 = arith.addi %iota3A, %add3A_75 : vector<16xi32>
    %gather3A_77 = tpu.vector_load_idx %arg24[%add3A_76, %broadcast_in_dim3A_66] : memref<128x1xf32, #tpu.memory_space<vmem>>[vector<16xi32>, vector<16xi32>], vector<16xf32>,
    %add3A_78 = arith.constant 48 : i32
    %add3A_79 = vector.broadcast %add3A_78 : i32 to vector<16xi32>
    %add3A_80 = arith.addi %iota3A, %add3A_79 : vector<16xi32>
    %gather3A_81 = tpu.vector_load_idx %arg24[%add3A_80, %broadcast_in_dim3A_66] : memref<128x1xf32, #tpu.memory_space<vmem>>[vector<16xi32>, vector<16xi32>], vector<16xf32>,
    %add3A_82 = arith.constant 64 : i32
    %add3A_83 = vector.broadcast %add3A_82 : i32 to vector<16xi32>
    %add3A_84 = arith.addi %iota3A, %add3A_83 : vector<16xi32>
    %gather3A_85 = tpu.vector_load_idx %arg24[%add3A_84, %broadcast_in_dim3A_66] : memref<128x1xf32, #tpu.memory_space<vmem>>[vector<16xi32>, vector<16xi32>], vector<16xf32>,
    %add3A_86 = arith.constant 80 : i32
    %add3A_87 = vector.broadcast %add3A_86 : i32 to vector<16xi32>
    %add3A_88 = arith.addi %iota3A, %add3A_87 : vector<16xi32>
    %gather3A_89 = tpu.vector_load_idx %arg24[%add3A_88, %broadcast_in_dim3A_66] : memref<128x1xf32, #tpu.memory_space<vmem>>[vector<16xi32>, vector<16xi32>], vector<16xf32>,
    %add3A_90 = arith.constant 96 : i32
    %add3A_91 = vector.broadcast %add3A_90 : i32 to vector<16xi32>
    %add3A_92 = arith.addi %iota3A, %add3A_91 : vector<16xi32>
    %gather3A_93 = tpu.vector_load_idx %arg24[%add3A_92, %broadcast_in_dim3A_66] : memref<128x1xf32, #tpu.memory_space<vmem>>[vector<16xi32>, vector<16xi32>], vector<16xf32>,
    %add3A_94 = arith.constant 112 : i32
    %add3A_95 = vector.broadcast %add3A_94 : i32 to vector<16xi32>
    %add3A_96 = arith.addi %iota3A, %add3A_95 : vector<16xi32>
    %gather3A_97 = tpu.vector_load_idx %arg24[%add3A_96, %broadcast_in_dim3A_66] : memref<128x1xf32, #tpu.memory_space<vmem>>[vector<16xi32>, vector<16xi32>], vector<16xf32>,
    %gather3A_98 = tpu.vector_load_idx %arg25[%broadcast_in_dim3A_66] : memref<1xf32, #tpu.memory_space<vmem>>[vector<16xi32>], vector<16xf32>,
    %mul3A_99 = arith.constant 17 : i32
    %mul3A_100 = vector.broadcast %mul3A_99 : i32 to vector<16xi32>
    %mul3A_101 = arith.muli %iota3A, %mul3A_100 : vector<16xi32>
    %scan3A = arith.constant 0 : i32
    %scan3A_102 = arith.constant 0 : i32
    %scan3A_103 = arith.constant 7 : i32
    %scan3A_104 = arith.addi %scan3A_102, %scan3A_103 : i32
    %scan3A_105 = arith.constant 1 : i32
    scf.for %scan3A_135 = %scan3A_102 to %scan3A_104 step %scan3A_105  : i32 {
      %get3A = arith.index_cast %scan3A_135 : i32 to index
      %get3A_136 = arith.constant 0 : index
      %get3A_137 = tpu.vector_load %arg20[%get3A, %get3A_136] {strides = array<i32>} : memref<7x32xf32, #tpu.memory_space<vmem>>, vector<16xf32>,
      %mul3A_138 = arith.mulf %get3A_137, %gather3A : vector<16xf32>
      %swap3A = arith.index_cast %scan3A_135 : i32 to index
      %swap3A_139 = arith.constant 0 : index
      %swap3A_140 = tpu.vector_load %arg20[%swap3A, %swap3A_139] {strides = array<i32>} : memref<7x32xf32, #tpu.memory_space<vmem>>, vector<16xf32>,
      tpu.vector_store %arg20[%swap3A, %swap3A_139], %mul3A_138 {strides = array<i32>} : memref<7x32xf32, #tpu.memory_space<vmem>>, vector<16xf32>,
      %get3A_141 = arith.index_cast %scan3A_135 : i32 to index
      %get3A_142 = arith.constant 16 : index
      %get3A_143 = tpu.vector_load %arg20[%get3A_141, %get3A_142] {strides = array<i32>} : memref<7x32xf32, #tpu.memory_space<vmem>>, vector<16xf32>,
      %mul3A_144 = arith.mulf %get3A_143, %gather3A_73 : vector<16xf32>
      %swap3A_145 = arith.index_cast %scan3A_135 : i32 to index
      %swap3A_146 = arith.constant 16 : index
      %swap3A_147 = tpu.vector_load %arg20[%swap3A_145, %swap3A_146] {strides = array<i32>} : memref<7x32xf32, #tpu.memory_space<vmem>>, vector<16xf32>,
      tpu.vector_store %arg20[%swap3A_145, %swap3A_146], %mul3A_144 {strides = array<i32>} : memref<7x32xf32, #tpu.memory_space<vmem>>, vector<16xf32>,
    }
    %scan3A_106 = arith.constant 7 : i32
    %scan3A_107 = arith.constant 0 : i32
    %scan3A_108 = arith.constant 0 : i32
    %scan3A_109 = arith.constant 24 : i32
    %scan3A_110 = arith.addi %scan3A_108, %scan3A_109 : i32
    %scan3A_111 = arith.constant 1 : i32
    scf.for %scan3A_135 = %scan3A_108 to %scan3A_110 step %scan3A_111  : i32 {
      %get3A = arith.index_cast %scan3A_135 : i32 to index
      %get3A_136 = arith.constant 0 : index
      %get3A_137 = tpu.vector_load %arg21[%get3A, %get3A_136] {strides = array<i32>} : memref<24x32xf32, #tpu.memory_space<vmem>>, vector<16xf32>,
      %mul3A_138 = arith.mulf %get3A_137, %gather3A_77 : vector<16xf32>
      %swap3A = arith.index_cast %scan3A_135 : i32 to index
      %swap3A_139 = arith.constant 0 : index
      %swap3A_140 = tpu.vector_load %arg21[%swap3A, %swap3A_139] {strides = array<i32>} : memref<24x32xf32, #tpu.memory_space<vmem>>, vector<16xf32>,
      tpu.vector_store %arg21[%swap3A, %swap3A_139], %mul3A_138 {strides = array<i32>} : memref<24x32xf32, #tpu.memory_space<vmem>>, vector<16xf32>,
      %get3A_141 = arith.index_cast %scan3A_135 : i32 to index
      %get3A_142 = arith.constant 16 : index
      %get3A_143 = tpu.vector_load %arg21[%get3A_141, %get3A_142] {strides = array<i32>} : memref<24x32xf32, #tpu.memory_space<vmem>>, vector<16xf32>,
      %mul3A_144 = arith.mulf %get3A_143, %gather3A_81 : vector<16xf32>
      %swap3A_145 = arith.index_cast %scan3A_135 : i32 to index
      %swap3A_146 = arith.constant 16 : index
      %swap3A_147 = tpu.vector_load %arg21[%swap3A_145, %swap3A_146] {strides = array<i32>} : memref<24x32xf32, #tpu.memory_space<vmem>>, vector<16xf32>,
      tpu.vector_store %arg21[%swap3A_145, %swap3A_146], %mul3A_144 {strides = array<i32>} : memref<24x32xf32, #tpu.memory_space<vmem>>, vector<16xf32>,
    }
    %scan3A_112 = arith.constant 24 : i32
    %scan3A_113 = arith.constant 0 : i32
    %scan3A_114 = arith.constant 0 : i32
    %scan3A_115 = arith.constant 12 : i32
    %scan3A_116 = arith.addi %scan3A_114, %scan3A_115 : i32
    %scan3A_117 = arith.constant 1 : i32
    scf.for %scan3A_135 = %scan3A_114 to %scan3A_116 step %scan3A_117  : i32 {
      %get3A = arith.index_cast %scan3A_135 : i32 to index
      %get3A_136 = arith.constant 0 : index
      %get3A_137 = tpu.vector_load %arg22[%get3A, %get3A_136] {strides = array<i32>} : memref<12x32xf32, #tpu.memory_space<vmem>>, vector<16xf32>,
      %mul3A_138 = arith.mulf %get3A_137, %gather3A_85 : vector<16xf32>
      %swap3A = arith.index_cast %scan3A_135 : i32 to index
      %swap3A_139 = arith.constant 0 : index
      %swap3A_140 = tpu.vector_load %arg22[%swap3A, %swap3A_139] {strides = array<i32>} : memref<12x32xf32, #tpu.memory_space<vmem>>, vector<16xf32>,
      tpu.vector_store %arg22[%swap3A, %swap3A_139], %mul3A_138 {strides = array<i32>} : memref<12x32xf32, #tpu.memory_space<vmem>>, vector<16xf32>,
      %get3A_141 = arith.index_cast %scan3A_135 : i32 to index
      %get3A_142 = arith.constant 16 : index
      %get3A_143 = tpu.vector_load %arg22[%get3A_141, %get3A_142] {strides = array<i32>} : memref<12x32xf32, #tpu.memory_space<vmem>>, vector<16xf32>,
      %mul3A_144 = arith.mulf %get3A_143, %gather3A_89 : vector<16xf32>
      %swap3A_145 = arith.index_cast %scan3A_135 : i32 to index
      %swap3A_146 = arith.constant 16 : index
      %swap3A_147 = tpu.vector_load %arg22[%swap3A_145, %swap3A_146] {strides = array<i32>} : memref<12x32xf32, #tpu.memory_space<vmem>>, vector<16xf32>,
      tpu.vector_store %arg22[%swap3A_145, %swap3A_146], %mul3A_144 {strides = array<i32>} : memref<12x32xf32, #tpu.memory_space<vmem>>, vector<16xf32>,
    }
    %scan3A_118 = arith.constant 12 : i32
    %scan3A_119 = arith.constant 0 : i32
    %scan3A_120 = arith.constant 0 : i32
    %scan3A_121 = arith.constant 31 : i32
    %scan3A_122 = arith.addi %scan3A_120, %scan3A_121 : i32
    %scan3A_123 = arith.constant 1 : i32
    scf.for %scan3A_135 = %scan3A_120 to %scan3A_122 step %scan3A_123  : i32 {
      %get3A = arith.index_cast %scan3A_135 : i32 to index
      %get3A_136 = arith.constant 0 : index
      %get3A_137 = tpu.vector_load %arg23[%get3A, %get3A_136] {strides = array<i32>} : memref<31x32xf32, #tpu.memory_space<vmem>>, vector<16xf32>,
      %mul3A_138 = arith.mulf %get3A_137, %gather3A_93 : vector<16xf32>
      %swap3A = arith.index_cast %scan3A_135 : i32 to index
      %swap3A_139 = arith.constant 0 : index
      %swap3A_140 = tpu.vector_load %arg23[%swap3A, %swap3A_139] {strides = array<i32>} : memref<31x32xf32, #tpu.memory_space<vmem>>, vector<16xf32>,
      tpu.vector_store %arg23[%swap3A, %swap3A_139], %mul3A_138 {strides = array<i32>} : memref<31x32xf32, #tpu.memory_space<vmem>>, vector<16xf32>,
      %get3A_141 = arith.index_cast %scan3A_135 : i32 to index
      %get3A_142 = arith.constant 16 : index
      %get3A_143 = tpu.vector_load %arg23[%get3A_141, %get3A_142] {strides = array<i32>} : memref<31x32xf32, #tpu.memory_space<vmem>>, vector<16xf32>,
      %mul3A_144 = arith.mulf %get3A_143, %gather3A_97 : vector<16xf32>
      %swap3A_145 = arith.index_cast %scan3A_135 : i32 to index
      %swap3A_146 = arith.constant 16 : index
      %swap3A_147 = tpu.vector_load %arg23[%swap3A_145, %swap3A_146] {strides = array<i32>} : memref<31x32xf32, #tpu.memory_space<vmem>>, vector<16xf32>,
      tpu.vector_store %arg23[%swap3A_145, %swap3A_146], %mul3A_144 {strides = array<i32>} : memref<31x32xf32, #tpu.memory_space<vmem>>, vector<16xf32>,
    }
    %scan3A_124 = arith.constant 31 : i32
    %scan3A_125 = arith.constant 0 : i32
    %scan3A_126 = arith.constant 0 : i32
    %scan3A_127 = arith.constant 1 : i32
    %scan3A_128 = arith.constant 2 : i32
    %scan3A_129 = arith.constant 3 : i32
    %scan3A_130 = arith.constant 0 : i32
    %scan3A_131 = arith.constant 32 : i32
    %scan3A_132 = arith.addi %scan3A_130, %scan3A_131 : i32
    %scan3A_133 = arith.constant 1 : i32
    scf.for %scan3A_135 = %scan3A_130 to %scan3A_132 step %scan3A_133  : i32 {
      %jit3A = arith.constant 8 : i32
      %eq3A = arith.constant 0 : i32
      %eq3A_136 = arith.cmpi eq, %jit3A, %eq3A : i32
      %jit3A_137 = arith.constant 1 : i32
      %select_n3A = arith.select %eq3A_136, %jit3A_137, %jit3A : i32
      %rem3A = arith.remsi %scan3A_135, %select_n3A : i32
      %ne3A = arith.constant 0 : i32
      %ne3A_138 = arith.cmpi ne, %rem3A, %ne3A : i32
      %lt3A = arith.constant 0 : i32
      %lt3A_139 = arith.cmpi slt, %rem3A, %lt3A : i32
      %lt3A_140 = arith.constant 0 : i32
      %lt3A_141 = arith.cmpi slt, %select_n3A, %lt3A_140 : i32
      %ne3A_142 = arith.xori %lt3A_139, %lt3A_141 : i1
      %and3A = arith.andi %ne3A_142, %ne3A_138 : i1
      %add3A_143 = arith.addi %rem3A, %select_n3A : i32
      %select_n3A_144 = arith.select %and3A, %add3A_143, %rem3A : i32
      %eq3A_145 = arith.constant 0 : i32
      %eq3A_146 = arith.cmpi eq, %select_n3A_144, %eq3A_145 : i32
      %convert_element_type3A = arith.extui %eq3A_146 : i1 to i32
      %cond3A = arith.constant 0 : i32
      %cond3A_147 = arith.cmpi ne, %convert_element_type3A, %cond3A : i32
      scf.if %cond3A_147 {
        %eq3A_1794 = arith.constant 0 : i32
        %eq3A_1795 = arith.cmpi eq, %scan3A_135, %eq3A_1794 : i32
        %convert_element_type3A_1796 = arith.extui %eq3A_1795 : i1 to i32
        %cond3A_1797 = arith.constant 0 : i32
        %cond3A_1798 = arith.cmpi ne, %convert_element_type3A_1796, %cond3A_1797 : i32
        scf.if %cond3A_1798 {
          %dma_wait3A_1814 = arith.constant 0 : i32
          %dma_wait3A_1815 = arith.constant 0 : i32
          %dma_wait3A_1816 = tpu.memref_slice %arg26[%dma_wait3A_1814, %dma_wait3A_1815] : memref<512x128xf32, #tpu.memory_space<vmem>> -> memref<128x128xf32, #tpu.memory_space<vmem>>
          %dma_wait3A_1817 = arith.constant 0 : i32
          %dma_wait3A_1818 = tpu.memref_slice %arg15[%scan3A_126, %dma_wait3A_1817] : memref<4x128xi32, #tpu.memory_space<vmem>> -> memref<1x128xi32, #tpu.memory_space<vmem>>
          %dma_wait3A_1819 = tpu.memref_squeeze %dma_wait3A_1818 : memref<1x128xi32, #tpu.memory_space<vmem>> -> memref<128xi32, #tpu.memory_space<vmem>>
          %dma_wait3A_1820 = arith.constant 0 : i32
          %dma_wait3A_1821 = arith.constant 0 : i32
          %dma_wait3A_1822 = tpu.memref_slice %arg11[%dma_wait3A_1820, %dma_wait3A_1821] : memref<100000x128xf32, #tpu.memory_space<hbm>> -> memref<100000x128xf32, #tpu.memory_space<hbm>>
          tpu.wait_indirect_dma semaphore(%arg32 : memref<!tpu.dma_semaphore, #tpu.memory_space<semaphore_mem>>) src(%dma_wait3A_1822 : memref<100000x128xf32, #tpu.memory_space<hbm>>) dst(%dma_wait3A_1816 : memref<128x128xf32, #tpu.memory_space<vmem>>)
        } else {
        }
        %eq3A_1799 = arith.constant 8 : i32
        %eq3A_1800 = arith.cmpi eq, %scan3A_135, %eq3A_1799 : i32
        %convert_element_type3A_1801 = arith.extui %eq3A_1800 : i1 to i32
        %cond3A_1802 = arith.constant 0 : i32
        %cond3A_1803 = arith.cmpi ne, %convert_element_type3A_1801, %cond3A_1802 : i32
        scf.if %cond3A_1803 {
          %dma_wait3A_1814 = arith.constant 128 : i32
          %dma_wait3A_1815 = arith.constant 0 : i32
          %dma_wait3A_1816 = tpu.memref_slice %arg26[%dma_wait3A_1814, %dma_wait3A_1815] : memref<512x128xf32, #tpu.memory_space<vmem>> -> memref<128x128xf32, #tpu.memory_space<vmem>>
          %dma_wait3A_1817 = arith.constant 0 : i32
          %dma_wait3A_1818 = tpu.memref_slice %arg15[%scan3A_127, %dma_wait3A_1817] : memref<4x128xi32, #tpu.memory_space<vmem>> -> memref<1x128xi32, #tpu.memory_space<vmem>>
          %dma_wait3A_1819 = tpu.memref_squeeze %dma_wait3A_1818 : memref<1x128xi32, #tpu.memory_space<vmem>> -> memref<128xi32, #tpu.memory_space<vmem>>
          %dma_wait3A_1820 = arith.constant 0 : i32
          %dma_wait3A_1821 = arith.constant 0 : i32
          %dma_wait3A_1822 = tpu.memref_slice %arg11[%dma_wait3A_1820, %dma_wait3A_1821] : memref<100000x128xf32, #tpu.memory_space<hbm>> -> memref<100000x128xf32, #tpu.memory_space<hbm>>
          tpu.wait_indirect_dma semaphore(%arg33 : memref<!tpu.dma_semaphore, #tpu.memory_space<semaphore_mem>>) src(%dma_wait3A_1822 : memref<100000x128xf32, #tpu.memory_space<hbm>>) dst(%dma_wait3A_1816 : memref<128x128xf32, #tpu.memory_space<vmem>>)
        } else {
        }
        %eq3A_1804 = arith.constant 16 : i32
        %eq3A_1805 = arith.cmpi eq, %scan3A_135, %eq3A_1804 : i32
        %convert_element_type3A_1806 = arith.extui %eq3A_1805 : i1 to i32
        %cond3A_1807 = arith.constant 0 : i32
        %cond3A_1808 = arith.cmpi ne, %convert_element_type3A_1806, %cond3A_1807 : i32
        scf.if %cond3A_1808 {
          %dma_wait3A_1814 = arith.constant 256 : i32
          %dma_wait3A_1815 = arith.constant 0 : i32
          %dma_wait3A_1816 = tpu.memref_slice %arg26[%dma_wait3A_1814, %dma_wait3A_1815] : memref<512x128xf32, #tpu.memory_space<vmem>> -> memref<128x128xf32, #tpu.memory_space<vmem>>
          %dma_wait3A_1817 = arith.constant 0 : i32
          %dma_wait3A_1818 = tpu.memref_slice %arg15[%scan3A_128, %dma_wait3A_1817] : memref<4x128xi32, #tpu.memory_space<vmem>> -> memref<1x128xi32, #tpu.memory_space<vmem>>
          %dma_wait3A_1819 = tpu.memref_squeeze %dma_wait3A_1818 : memref<1x128xi32, #tpu.memory_space<vmem>> -> memref<128xi32, #tpu.memory_space<vmem>>
          %dma_wait3A_1820 = arith.constant 0 : i32
          %dma_wait3A_1821 = arith.constant 0 : i32
          %dma_wait3A_1822 = tpu.memref_slice %arg11[%dma_wait3A_1820, %dma_wait3A_1821] : memref<100000x128xf32, #tpu.memory_space<hbm>> -> memref<100000x128xf32, #tpu.memory_space<hbm>>
          tpu.wait_indirect_dma semaphore(%arg34 : memref<!tpu.dma_semaphore, #tpu.memory_space<semaphore_mem>>) src(%dma_wait3A_1822 : memref<100000x128xf32, #tpu.memory_space<hbm>>) dst(%dma_wait3A_1816 : memref<128x128xf32, #tpu.memory_space<vmem>>)
        } else {
        }
        %eq3A_1809 = arith.constant 24 : i32
        %eq3A_1810 = arith.cmpi eq, %scan3A_135, %eq3A_1809 : i32
        %convert_element_type3A_1811 = arith.extui %eq3A_1810 : i1 to i32
        %cond3A_1812 = arith.constant 0 : i32
        %cond3A_1813 = arith.cmpi ne, %convert_element_type3A_1811, %cond3A_1812 : i32
        scf.if %cond3A_1813 {
          %dma_wait3A_1814 = arith.constant 384 : i32
          %dma_wait3A_1815 = arith.constant 0 : i32
          %dma_wait3A_1816 = tpu.memref_slice %arg26[%dma_wait3A_1814, %dma_wait3A_1815] : memref<512x128xf32, #tpu.memory_space<vmem>> -> memref<128x128xf32, #tpu.memory_space<vmem>>
          %dma_wait3A_1817 = arith.constant 0 : i32
          %dma_wait3A_1818 = tpu.memref_slice %arg15[%scan3A_129, %dma_wait3A_1817] : memref<4x128xi32, #tpu.memory_space<vmem>> -> memref<1x128xi32, #tpu.memory_space<vmem>>
          %dma_wait3A_1819 = tpu.memref_squeeze %dma_wait3A_1818 : memref<1x128xi32, #tpu.memory_space<vmem>> -> memref<128xi32, #tpu.memory_space<vmem>>
          %dma_wait3A_1820 = arith.constant 0 : i32
          %dma_wait3A_1821 = arith.constant 0 : i32
          %dma_wait3A_1822 = tpu.memref_slice %arg11[%dma_wait3A_1820, %dma_wait3A_1821] : memref<100000x128xf32, #tpu.memory_space<hbm>> -> memref<100000x128xf32, #tpu.memory_space<hbm>>
          tpu.wait_indirect_dma semaphore(%arg35 : memref<!tpu.dma_semaphore, #tpu.memory_space<semaphore_mem>>) src(%dma_wait3A_1822 : memref<100000x128xf32, #tpu.memory_space<hbm>>) dst(%dma_wait3A_1816 : memref<128x128xf32, #tpu.memory_space<vmem>>)
        } else {
        }
      } else {
      }
      %mul3A_148 = arith.constant 16 : i32
      %mul3A_149 = arith.muli %scan3A_135, %mul3A_148 : i32
      %get3A = arith.index_cast %mul3A_149 : i32 to index
      %get3A_150 = tpu.vector_load %arg16[%get3A] {strides = array<i32>} : memref<512xi32, #tpu.memory_space<vmem>>, vector<16xi32>,
      %get3A_151 = arith.index_cast %mul3A_149 : i32 to index
      %get3A_152 = tpu.vector_load %arg17[%get3A_151] {strides = array<i32>} : memref<512xi32, #tpu.memory_space<vmem>>, vector<16xi32>,
      %get3A_153 = arith.index_cast %mul3A_149 : i32 to index
      %get3A_154 = tpu.vector_load %arg18[%get3A_153] {strides = array<i32>} : memref<512xi32, #tpu.memory_space<vmem>>, vector<16xi32>,
      %get3A_155 = arith.index_cast %mul3A_149 : i32 to index
      %get3A_156 = tpu.vector_load %arg19[%get3A_155] {strides = array<i32>} : memref<512xi32, #tpu.memory_space<vmem>>, vector<16xi32>,
      %add3A_157 = arith.constant 0 : i32
      %add3A_158 = arith.addi %mul3A_149, %add3A_157 : i32
      %get3A_159 = arith.index_cast %add3A_158 : i32 to index
      %get3A_160 = arith.constant 0 : index
      %get3A_161 = tpu.vector_load %arg26[%get3A_159, %get3A_160] {strides = array<i32>} : memref<512x128xf32, #tpu.memory_space<vmem>>, vector<16xf32>,
      %slice3A = vector.extract_strided_slice %get3A_150 {offsets = [0], sizes = [1], strides = [1]} : vector<16xi32> to vector<1xi32>
      %squeeze3A = vector.extract %slice3A[0] : i32 from vector<1xi32>
      %get3A_162 = arith.index_cast %squeeze3A : i32 to index
      %get3A_163 = arith.constant 0 : index
      %get3A_164 = tpu.vector_load %arg20[%get3A_162, %get3A_163] {strides = array<i32>} : memref<7x32xf32, #tpu.memory_space<vmem>>, vector<16xf32>,
      %mul3A_165 = arith.mulf %get3A_161, %get3A_164 : vector<16xf32>
      %add3A_166 = arith.constant 1 : i32
      %add3A_167 = arith.addi %mul3A_149, %add3A_166 : i32
      %get3A_168 = arith.index_cast %add3A_167 : i32 to index
      %get3A_169 = arith.constant 0 : index
      %get3A_170 = tpu.vector_load %arg26[%get3A_168, %get3A_169] {strides = array<i32>} : memref<512x128xf32, #tpu.memory_space<vmem>>, vector<16xf32>,
      %slice3A_171 = vector.extract_strided_slice %get3A_150 {offsets = [1], sizes = [1], strides = [1]} : vector<16xi32> to vector<1xi32>
      %squeeze3A_172 = vector.extract %slice3A_171[0] : i32 from vector<1xi32>
      %get3A_173 = arith.index_cast %squeeze3A_172 : i32 to index
      %get3A_174 = arith.constant 0 : index
      %get3A_175 = tpu.vector_load %arg20[%get3A_173, %get3A_174] {strides = array<i32>} : memref<7x32xf32, #tpu.memory_space<vmem>>, vector<16xf32>,
      %mul3A_176 = arith.mulf %get3A_170, %get3A_175 : vector<16xf32>
      %add3A_177 = arith.constant 2 : i32
      %add3A_178 = arith.addi %mul3A_149, %add3A_177 : i32
      %get3A_179 = arith.index_cast %add3A_178 : i32 to index
      %get3A_180 = arith.constant 0 : index
      %get3A_181 = tpu.vector_load %arg26[%get3A_179, %get3A_180] {strides = array<i32>} : memref<512x128xf32, #tpu.memory_space<vmem>>, vector<16xf32>,
      %slice3A_182 = vector.extract_strided_slice %get3A_150 {offsets = [2], sizes = [1], strides = [1]} : vector<16xi32> to vector<1xi32>
      %squeeze3A_183 = vector.extract %slice3A_182[0] : i32 from vector<1xi32>
      %get3A_184 = arith.index_cast %squeeze3A_183 : i32 to index
      %get3A_185 = arith.constant 0 : index
      %get3A_186 = tpu.vector_load %arg20[%get3A_184, %get3A_185] {strides = array<i32>} : memref<7x32xf32, #tpu.memory_space<vmem>>, vector<16xf32>,
      %mul3A_187 = arith.mulf %get3A_181, %get3A_186 : vector<16xf32>
      %add3A_188 = arith.constant 3 : i32
      %add3A_189 = arith.addi %mul3A_149, %add3A_188 : i32
      %get3A_190 = arith.index_cast %add3A_189 : i32 to index
      %get3A_191 = arith.constant 0 : index
      %get3A_192 = tpu.vector_load %arg26[%get3A_190, %get3A_191] {strides = array<i32>} : memref<512x128xf32, #tpu.memory_space<vmem>>, vector<16xf32>,
      %slice3A_193 = vector.extract_strided_slice %get3A_150 {offsets = [3], sizes = [1], strides = [1]} : vector<16xi32> to vector<1xi32>
      %squeeze3A_194 = vector.extract %slice3A_193[0] : i32 from vector<1xi32>
      %get3A_195 = arith.index_cast %squeeze3A_194 : i32 to index
      %get3A_196 = arith.constant 0 : index
      %get3A_197 = tpu.vector_load %arg20[%get3A_195, %get3A_196] {strides = array<i32>} : memref<7x32xf32, #tpu.memory_space<vmem>>, vector<16xf32>,
      %mul3A_198 = arith.mulf %get3A_192, %get3A_197 : vector<16xf32>
      %add3A_199 = arith.constant 0 : i32
      %add3A_200 = arith.addi %mul3A_149, %add3A_199 : i32
      %get3A_201 = arith.index_cast %add3A_200 : i32 to index
      %get3A_202 = arith.constant 16 : index
      %get3A_203 = tpu.vector_load %arg26[%get3A_201, %get3A_202] {strides = array<i32>} : memref<512x128xf32, #tpu.memory_space<vmem>>, vector<16xf32>,
      %slice3A_204 = vector.extract_strided_slice %get3A_150 {offsets = [0], sizes = [1], strides = [1]} : vector<16xi32> to vector<1xi32>
      %squeeze3A_205 = vector.extract %slice3A_204[0] : i32 from vector<1xi32>
      %get3A_206 = arith.index_cast %squeeze3A_205 : i32 to index
      %get3A_207 = arith.constant 16 : index
      %get3A_208 = tpu.vector_load %arg20[%get3A_206, %get3A_207] {strides = array<i32>} : memref<7x32xf32, #tpu.memory_space<vmem>>, vector<16xf32>,
      %mul3A_209 = arith.mulf %get3A_203, %get3A_208 : vector<16xf32>
      %add3A_210 = arith.addf %mul3A_165, %mul3A_209 : vector<16xf32>
      %add3A_211 = arith.constant 1 : i32
      %add3A_212 = arith.addi %mul3A_149, %add3A_211 : i32
      %get3A_213 = arith.index_cast %add3A_212 : i32 to index
      %get3A_214 = arith.constant 16 : index
      %get3A_215 = tpu.vector_load %arg26[%get3A_213, %get3A_214] {strides = array<i32>} : memref<512x128xf32, #tpu.memory_space<vmem>>, vector<16xf32>,
      %slice3A_216 = vector.extract_strided_slice %get3A_150 {offsets = [1], sizes = [1], strides = [1]} : vector<16xi32> to vector<1xi32>
      %squeeze3A_217 = vector.extract %slice3A_216[0] : i32 from vector<1xi32>
      %get3A_218 = arith.index_cast %squeeze3A_217 : i32 to index
      %get3A_219 = arith.constant 16 : index
      %get3A_220 = tpu.vector_load %arg20[%get3A_218, %get3A_219] {strides = array<i32>} : memref<7x32xf32, #tpu.memory_space<vmem>>, vector<16xf32>,
      %mul3A_221 = arith.mulf %get3A_215, %get3A_220 : vector<16xf32>
      %add3A_222 = arith.addf %mul3A_176, %mul3A_221 : vector<16xf32>
      %add3A_223 = arith.constant 2 : i32
      %add3A_224 = arith.addi %mul3A_149, %add3A_223 : i32
      %get3A_225 = arith.index_cast %add3A_224 : i32 to index
      %get3A_226 = arith.constant 16 : index
      %get3A_227 = tpu.vector_load %arg26[%get3A_225, %get3A_226] {strides = array<i32>} : memref<512x128xf32, #tpu.memory_space<vmem>>, vector<16xf32>,
      %slice3A_228 = vector.extract_strided_slice %get3A_150 {offsets = [2], sizes = [1], strides = [1]} : vector<16xi32> to vector<1xi32>
      %squeeze3A_229 = vector.extract %slice3A_228[0] : i32 from vector<1xi32>
      %get3A_230 = arith.index_cast %squeeze3A_229 : i32 to index
      %get3A_231 = arith.constant 16 : index
      %get3A_232 = tpu.vector_load %arg20[%get3A_230, %get3A_231] {strides = array<i32>} : memref<7x32xf32, #tpu.memory_space<vmem>>, vector<16xf32>,
      %mul3A_233 = arith.mulf %get3A_227, %get3A_232 : vector<16xf32>
      %add3A_234 = arith.addf %mul3A_187, %mul3A_233 : vector<16xf32>
      %add3A_235 = arith.constant 3 : i32
      %add3A_236 = arith.addi %mul3A_149, %add3A_235 : i32
      %get3A_237 = arith.index_cast %add3A_236 : i32 to index
      %get3A_238 = arith.constant 16 : index
      %get3A_239 = tpu.vector_load %arg26[%get3A_237, %get3A_238] {strides = array<i32>} : memref<512x128xf32, #tpu.memory_space<vmem>>, vector<16xf32>,
      %slice3A_240 = vector.extract_strided_slice %get3A_150 {offsets = [3], sizes = [1], strides = [1]} : vector<16xi32> to vector<1xi32>
      %squeeze3A_241 = vector.extract %slice3A_240[0] : i32 from vector<1xi32>
      %get3A_242 = arith.index_cast %squeeze3A_241 : i32 to index
      %get3A_243 = arith.constant 16 : index
      %get3A_244 = tpu.vector_load %arg20[%get3A_242, %get3A_243] {strides = array<i32>} : memref<7x32xf32, #tpu.memory_space<vmem>>, vector<16xf32>,
      %mul3A_245 = arith.mulf %get3A_239, %get3A_244 : vector<16xf32>
      %add3A_246 = arith.addf %mul3A_198, %mul3A_245 : vector<16xf32>
      %add3A_247 = arith.constant 0 : i32
      %add3A_248 = arith.addi %mul3A_149, %add3A_247 : i32
      %get3A_249 = arith.index_cast %add3A_248 : i32 to index
      %get3A_250 = arith.constant 32 : index
      %get3A_251 = tpu.vector_load %arg26[%get3A_249, %get3A_250] {strides = array<i32>} : memref<512x128xf32, #tpu.memory_space<vmem>>, vector<16xf32>,
      %slice3A_252 = vector.extract_strided_slice %get3A_152 {offsets = [0], sizes = [1], strides = [1]} : vector<16xi32> to vector<1xi32>
      %squeeze3A_253 = vector.extract %slice3A_252[0] : i32 from vector<1xi32>
      %get3A_254 = arith.index_cast %squeeze3A_253 : i32 to index
      %get3A_255 = arith.constant 0 : index
      %get3A_256 = tpu.vector_load %arg21[%get3A_254, %get3A_255] {strides = array<i32>} : memref<24x32xf32, #tpu.memory_space<vmem>>, vector<16xf32>,
      %mul3A_257 = arith.mulf %get3A_251, %get3A_256 : vector<16xf32>
      %add3A_258 = arith.addf %add3A_210, %mul3A_257 : vector<16xf32>
      %add3A_259 = arith.constant 1 : i32
      %add3A_260 = arith.addi %mul3A_149, %add3A_259 : i32
      %get3A_261 = arith.index_cast %add3A_260 : i32 to index
      %get3A_262 = arith.constant 32 : index
      %get3A_263 = tpu.vector_load %arg26[%get3A_261, %get3A_262] {strides = array<i32>} : memref<512x128xf32, #tpu.memory_space<vmem>>, vector<16xf32>,
      %slice3A_264 = vector.extract_strided_slice %get3A_152 {offsets = [1], sizes = [1], strides = [1]} : vector<16xi32> to vector<1xi32>
      %squeeze3A_265 = vector.extract %slice3A_264[0] : i32 from vector<1xi32>
      %get3A_266 = arith.index_cast %squeeze3A_265 : i32 to index
      %get3A_267 = arith.constant 0 : index
      %get3A_268 = tpu.vector_load %arg21[%get3A_266, %get3A_267] {strides = array<i32>} : memref<24x32xf32, #tpu.memory_space<vmem>>, vector<16xf32>,
      %mul3A_269 = arith.mulf %get3A_263, %get3A_268 : vector<16xf32>
      %add3A_270 = arith.addf %add3A_222, %mul3A_269 : vector<16xf32>
      %add3A_271 = arith.constant 2 : i32
      %add3A_272 = arith.addi %mul3A_149, %add3A_271 : i32
      %get3A_273 = arith.index_cast %add3A_272 : i32 to index
      %get3A_274 = arith.constant 32 : index
      %get3A_275 = tpu.vector_load %arg26[%get3A_273, %get3A_274] {strides = array<i32>} : memref<512x128xf32, #tpu.memory_space<vmem>>, vector<16xf32>,
      %slice3A_276 = vector.extract_strided_slice %get3A_152 {offsets = [2], sizes = [1], strides = [1]} : vector<16xi32> to vector<1xi32>
      %squeeze3A_277 = vector.extract %slice3A_276[0] : i32 from vector<1xi32>
      %get3A_278 = arith.index_cast %squeeze3A_277 : i32 to index
      %get3A_279 = arith.constant 0 : index
      %get3A_280 = tpu.vector_load %arg21[%get3A_278, %get3A_279] {strides = array<i32>} : memref<24x32xf32, #tpu.memory_space<vmem>>, vector<16xf32>,
      %mul3A_281 = arith.mulf %get3A_275, %get3A_280 : vector<16xf32>
      %add3A_282 = arith.addf %add3A_234, %mul3A_281 : vector<16xf32>
      %add3A_283 = arith.constant 3 : i32
      %add3A_284 = arith.addi %mul3A_149, %add3A_283 : i32
      %get3A_285 = arith.index_cast %add3A_284 : i32 to index
      %get3A_286 = arith.constant 32 : index
      %get3A_287 = tpu.vector_load %arg26[%get3A_285, %get3A_286] {strides = array<i32>} : memref<512x128xf32, #tpu.memory_space<vmem>>, vector<16xf32>,
      %slice3A_288 = vector.extract_strided_slice %get3A_152 {offsets = [3], sizes = [1], strides = [1]} : vector<16xi32> to vector<1xi32>
      %squeeze3A_289 = vector.extract %slice3A_288[0] : i32 from vector<1xi32>
      %get3A_290 = arith.index_cast %squeeze3A_289 : i32 to index
      %get3A_291 = arith.constant 0 : index
      %get3A_292 = tpu.vector_load %arg21[%get3A_290, %get3A_291] {strides = array<i32>} : memref<24x32xf32, #tpu.memory_space<vmem>>, vector<16xf32>,
      %mul3A_293 = arith.mulf %get3A_287, %get3A_292 : vector<16xf32>
      %add3A_294 = arith.addf %add3A_246, %mul3A_293 : vector<16xf32>
      %add3A_295 = arith.constant 0 : i32
      %add3A_296 = arith.addi %mul3A_149, %add3A_295 : i32
      %get3A_297 = arith.index_cast %add3A_296 : i32 to index
      %get3A_298 = arith.constant 48 : index
      %get3A_299 = tpu.vector_load %arg26[%get3A_297, %get3A_298] {strides = array<i32>} : memref<512x128xf32, #tpu.memory_space<vmem>>, vector<16xf32>,
      %slice3A_300 = vector.extract_strided_slice %get3A_152 {offsets = [0], sizes = [1], strides = [1]} : vector<16xi32> to vector<1xi32>
      %squeeze3A_301 = vector.extract %slice3A_300[0] : i32 from vector<1xi32>
      %get3A_302 = arith.index_cast %squeeze3A_301 : i32 to index
      %get3A_303 = arith.constant 16 : index
      %get3A_304 = tpu.vector_load %arg21[%get3A_302, %get3A_303] {strides = array<i32>} : memref<24x32xf32, #tpu.memory_space<vmem>>, vector<16xf32>,
      %mul3A_305 = arith.mulf %get3A_299, %get3A_304 : vector<16xf32>
      %add3A_306 = arith.addf %add3A_258, %mul3A_305 : vector<16xf32>
      %add3A_307 = arith.constant 1 : i32
      %add3A_308 = arith.addi %mul3A_149, %add3A_307 : i32
      %get3A_309 = arith.index_cast %add3A_308 : i32 to index
      %get3A_310 = arith.constant 48 : index
      %get3A_311 = tpu.vector_load %arg26[%get3A_309, %get3A_310] {strides = array<i32>} : memref<512x128xf32, #tpu.memory_space<vmem>>, vector<16xf32>,
      %slice3A_312 = vector.extract_strided_slice %get3A_152 {offsets = [1], sizes = [1], strides = [1]} : vector<16xi32> to vector<1xi32>
      %squeeze3A_313 = vector.extract %slice3A_312[0] : i32 from vector<1xi32>
      %get3A_314 = arith.index_cast %squeeze3A_313 : i32 to index
      %get3A_315 = arith.constant 16 : index
      %get3A_316 = tpu.vector_load %arg21[%get3A_314, %get3A_315] {strides = array<i32>} : memref<24x32xf32, #tpu.memory_space<vmem>>, vector<16xf32>,
      %mul3A_317 = arith.mulf %get3A_311, %get3A_316 : vector<16xf32>
      %add3A_318 = arith.addf %add3A_270, %mul3A_317 : vector<16xf32>
      %add3A_319 = arith.constant 2 : i32
      %add3A_320 = arith.addi %mul3A_149, %add3A_319 : i32
      %get3A_321 = arith.index_cast %add3A_320 : i32 to index
      %get3A_322 = arith.constant 48 : index
      %get3A_323 = tpu.vector_load %arg26[%get3A_321, %get3A_322] {strides = array<i32>} : memref<512x128xf32, #tpu.memory_space<vmem>>, vector<16xf32>,
      %slice3A_324 = vector.extract_strided_slice %get3A_152 {offsets = [2], sizes = [1], strides = [1]} : vector<16xi32> to vector<1xi32>
      %squeeze3A_325 = vector.extract %slice3A_324[0] : i32 from vector<1xi32>
      %get3A_326 = arith.index_cast %squeeze3A_325 : i32 to index
      %get3A_327 = arith.constant 16 : index
      %get3A_328 = tpu.vector_load %arg21[%get3A_326, %get3A_327] {strides = array<i32>} : memref<24x32xf32, #tpu.memory_space<vmem>>, vector<16xf32>,
      %mul3A_329 = arith.mulf %get3A_323, %get3A_328 : vector<16xf32>
      %add3A_330 = arith.addf %add3A_282, %mul3A_329 : vector<16xf32>
      %add3A_331 = arith.constant 3 : i32
      %add3A_332 = arith.addi %mul3A_149, %add3A_331 : i32
      %get3A_333 = arith.index_cast %add3A_332 : i32 to index
      %get3A_334 = arith.constant 48 : index
      %get3A_335 = tpu.vector_load %arg26[%get3A_333, %get3A_334] {strides = array<i32>} : memref<512x128xf32, #tpu.memory_space<vmem>>, vector<16xf32>,
      %slice3A_336 = vector.extract_strided_slice %get3A_152 {offsets = [3], sizes = [1], strides = [1]} : vector<16xi32> to vector<1xi32>
      %squeeze3A_337 = vector.extract %slice3A_336[0] : i32 from vector<1xi32>
      %get3A_338 = arith.index_cast %squeeze3A_337 : i32 to index
      %get3A_339 = arith.constant 16 : index
      %get3A_340 = tpu.vector_load %arg21[%get3A_338, %get3A_339] {strides = array<i32>} : memref<24x32xf32, #tpu.memory_space<vmem>>, vector<16xf32>,
      %mul3A_341 = arith.mulf %get3A_335, %get3A_340 : vector<16xf32>
      %add3A_342 = arith.addf %add3A_294, %mul3A_341 : vector<16xf32>
      %add3A_343 = arith.constant 0 : i32
      %add3A_344 = arith.addi %mul3A_149, %add3A_343 : i32
      %get3A_345 = arith.index_cast %add3A_344 : i32 to index
      %get3A_346 = arith.constant 64 : index
      %get3A_347 = tpu.vector_load %arg26[%get3A_345, %get3A_346] {strides = array<i32>} : memref<512x128xf32, #tpu.memory_space<vmem>>, vector<16xf32>,
      %slice3A_348 = vector.extract_strided_slice %get3A_154 {offsets = [0], sizes = [1], strides = [1]} : vector<16xi32> to vector<1xi32>
      %squeeze3A_349 = vector.extract %slice3A_348[0] : i32 from vector<1xi32>
      %get3A_350 = arith.index_cast %squeeze3A_349 : i32 to index
      %get3A_351 = arith.constant 0 : index
      %get3A_352 = tpu.vector_load %arg22[%get3A_350, %get3A_351] {strides = array<i32>} : memref<12x32xf32, #tpu.memory_space<vmem>>, vector<16xf32>,
      %mul3A_353 = arith.mulf %get3A_347, %get3A_352 : vector<16xf32>
      %add3A_354 = arith.addf %add3A_306, %mul3A_353 : vector<16xf32>
      %add3A_355 = arith.constant 1 : i32
      %add3A_356 = arith.addi %mul3A_149, %add3A_355 : i32
      %get3A_357 = arith.index_cast %add3A_356 : i32 to index
      %get3A_358 = arith.constant 64 : index
      %get3A_359 = tpu.vector_load %arg26[%get3A_357, %get3A_358] {strides = array<i32>} : memref<512x128xf32, #tpu.memory_space<vmem>>, vector<16xf32>,
      %slice3A_360 = vector.extract_strided_slice %get3A_154 {offsets = [1], sizes = [1], strides = [1]} : vector<16xi32> to vector<1xi32>
      %squeeze3A_361 = vector.extract %slice3A_360[0] : i32 from vector<1xi32>
      %get3A_362 = arith.index_cast %squeeze3A_361 : i32 to index
      %get3A_363 = arith.constant 0 : index
      %get3A_364 = tpu.vector_load %arg22[%get3A_362, %get3A_363] {strides = array<i32>} : memref<12x32xf32, #tpu.memory_space<vmem>>, vector<16xf32>,
      %mul3A_365 = arith.mulf %get3A_359, %get3A_364 : vector<16xf32>
      %add3A_366 = arith.addf %add3A_318, %mul3A_365 : vector<16xf32>
      %add3A_367 = arith.constant 2 : i32
      %add3A_368 = arith.addi %mul3A_149, %add3A_367 : i32
      %get3A_369 = arith.index_cast %add3A_368 : i32 to index
      %get3A_370 = arith.constant 64 : index
      %get3A_371 = tpu.vector_load %arg26[%get3A_369, %get3A_370] {strides = array<i32>} : memref<512x128xf32, #tpu.memory_space<vmem>>, vector<16xf32>,
      %slice3A_372 = vector.extract_strided_slice %get3A_154 {offsets = [2], sizes = [1], strides = [1]} : vector<16xi32> to vector<1xi32>
      %squeeze3A_373 = vector.extract %slice3A_372[0] : i32 from vector<1xi32>
      %get3A_374 = arith.index_cast %squeeze3A_373 : i32 to index
      %get3A_375 = arith.constant 0 : index
      %get3A_376 = tpu.vector_load %arg22[%get3A_374, %get3A_375] {strides = array<i32>} : memref<12x32xf32, #tpu.memory_space<vmem>>, vector<16xf32>,
      %mul3A_377 = arith.mulf %get3A_371, %get3A_376 : vector<16xf32>
      %add3A_378 = arith.addf %add3A_330, %mul3A_377 : vector<16xf32>
      %add3A_379 = arith.constant 3 : i32
      %add3A_380 = arith.addi %mul3A_149, %add3A_379 : i32
      %get3A_381 = arith.index_cast %add3A_380 : i32 to index
      %get3A_382 = arith.constant 64 : index
      %get3A_383 = tpu.vector_load %arg26[%get3A_381, %get3A_382] {strides = array<i32>} : memref<512x128xf32, #tpu.memory_space<vmem>>, vector<16xf32>,
      %slice3A_384 = vector.extract_strided_slice %get3A_154 {offsets = [3], sizes = [1], strides = [1]} : vector<16xi32> to vector<1xi32>
      %squeeze3A_385 = vector.extract %slice3A_384[0] : i32 from vector<1xi32>
      %get3A_386 = arith.index_cast %squeeze3A_385 : i32 to index
      %get3A_387 = arith.constant 0 : index
      %get3A_388 = tpu.vector_load %arg22[%get3A_386, %get3A_387] {strides = array<i32>} : memref<12x32xf32, #tpu.memory_space<vmem>>, vector<16xf32>,
      %mul3A_389 = arith.mulf %get3A_383, %get3A_388 : vector<16xf32>
      %add3A_390 = arith.addf %add3A_342, %mul3A_389 : vector<16xf32>
      %add3A_391 = arith.constant 0 : i32
      %add3A_392 = arith.addi %mul3A_149, %add3A_391 : i32
      %get3A_393 = arith.index_cast %add3A_392 : i32 to index
      %get3A_394 = arith.constant 80 : index
      %get3A_395 = tpu.vector_load %arg26[%get3A_393, %get3A_394] {strides = array<i32>} : memref<512x128xf32, #tpu.memory_space<vmem>>, vector<16xf32>,
      %slice3A_396 = vector.extract_strided_slice %get3A_154 {offsets = [0], sizes = [1], strides = [1]} : vector<16xi32> to vector<1xi32>
      %squeeze3A_397 = vector.extract %slice3A_396[0] : i32 from vector<1xi32>
      %get3A_398 = arith.index_cast %squeeze3A_397 : i32 to index
      %get3A_399 = arith.constant 16 : index
      %get3A_400 = tpu.vector_load %arg22[%get3A_398, %get3A_399] {strides = array<i32>} : memref<12x32xf32, #tpu.memory_space<vmem>>, vector<16xf32>,
      %mul3A_401 = arith.mulf %get3A_395, %get3A_400 : vector<16xf32>
      %add3A_402 = arith.addf %add3A_354, %mul3A_401 : vector<16xf32>
      %add3A_403 = arith.constant 1 : i32
      %add3A_404 = arith.addi %mul3A_149, %add3A_403 : i32
      %get3A_405 = arith.index_cast %add3A_404 : i32 to index
      %get3A_406 = arith.constant 80 : index
      %get3A_407 = tpu.vector_load %arg26[%get3A_405, %get3A_406] {strides = array<i32>} : memref<512x128xf32, #tpu.memory_space<vmem>>, vector<16xf32>,
      %slice3A_408 = vector.extract_strided_slice %get3A_154 {offsets = [1], sizes = [1], strides = [1]} : vector<16xi32> to vector<1xi32>
      %squeeze3A_409 = vector.extract %slice3A_408[0] : i32 from vector<1xi32>
      %get3A_410 = arith.index_cast %squeeze3A_409 : i32 to index
      %get3A_411 = arith.constant 16 : index
      %get3A_412 = tpu.vector_load %arg22[%get3A_410, %get3A_411] {strides = array<i32>} : memref<12x32xf32, #tpu.memory_space<vmem>>, vector<16xf32>,
      %mul3A_413 = arith.mulf %get3A_407, %get3A_412 : vector<16xf32>
      %add3A_414 = arith.addf %add3A_366, %mul3A_413 : vector<16xf32>
      %add3A_415 = arith.constant 2 : i32
      %add3A_416 = arith.addi %mul3A_149, %add3A_415 : i32
      %get3A_417 = arith.index_cast %add3A_416 : i32 to index
      %get3A_418 = arith.constant 80 : index
      %get3A_419 = tpu.vector_load %arg26[%get3A_417, %get3A_418] {strides = array<i32>} : memref<512x128xf32, #tpu.memory_space<vmem>>, vector<16xf32>,
      %slice3A_420 = vector.extract_strided_slice %get3A_154 {offsets = [2], sizes = [1], strides = [1]} : vector<16xi32> to vector<1xi32>
      %squeeze3A_421 = vector.extract %slice3A_420[0] : i32 from vector<1xi32>
      %get3A_422 = arith.index_cast %squeeze3A_421 : i32 to index
      %get3A_423 = arith.constant 16 : index
      %get3A_424 = tpu.vector_load %arg22[%get3A_422, %get3A_423] {strides = array<i32>} : memref<12x32xf32, #tpu.memory_space<vmem>>, vector<16xf32>,
      %mul3A_425 = arith.mulf %get3A_419, %get3A_424 : vector<16xf32>
      %add3A_426 = arith.addf %add3A_378, %mul3A_425 : vector<16xf32>
      %add3A_427 = arith.constant 3 : i32
      %add3A_428 = arith.addi %mul3A_149, %add3A_427 : i32
      %get3A_429 = arith.index_cast %add3A_428 : i32 to index
      %get3A_430 = arith.constant 80 : index
      %get3A_431 = tpu.vector_load %arg26[%get3A_429, %get3A_430] {strides = array<i32>} : memref<512x128xf32, #tpu.memory_space<vmem>>, vector<16xf32>,
      %slice3A_432 = vector.extract_strided_slice %get3A_154 {offsets = [3], sizes = [1], strides = [1]} : vector<16xi32> to vector<1xi32>
      %squeeze3A_433 = vector.extract %slice3A_432[0] : i32 from vector<1xi32>
      %get3A_434 = arith.index_cast %squeeze3A_433 : i32 to index
      %get3A_435 = arith.constant 16 : index
      %get3A_436 = tpu.vector_load %arg22[%get3A_434, %get3A_435] {strides = array<i32>} : memref<12x32xf32, #tpu.memory_space<vmem>>, vector<16xf32>,
      %mul3A_437 = arith.mulf %get3A_431, %get3A_436 : vector<16xf32>
      %add3A_438 = arith.addf %add3A_390, %mul3A_437 : vector<16xf32>
      %add3A_439 = arith.constant 0 : i32
      %add3A_440 = arith.addi %mul3A_149, %add3A_439 : i32
      %get3A_441 = arith.index_cast %add3A_440 : i32 to index
      %get3A_442 = arith.constant 96 : index
      %get3A_443 = tpu.vector_load %arg26[%get3A_441, %get3A_442] {strides = array<i32>} : memref<512x128xf32, #tpu.memory_space<vmem>>, vector<16xf32>,
      %slice3A_444 = vector.extract_strided_slice %get3A_156 {offsets = [0], sizes = [1], strides = [1]} : vector<16xi32> to vector<1xi32>
      %squeeze3A_445 = vector.extract %slice3A_444[0] : i32 from vector<1xi32>
      %get3A_446 = arith.index_cast %squeeze3A_445 : i32 to index
      %get3A_447 = arith.constant 0 : index
      %get3A_448 = tpu.vector_load %arg23[%get3A_446, %get3A_447] {strides = array<i32>} : memref<31x32xf32, #tpu.memory_space<vmem>>, vector<16xf32>,
      %mul3A_449 = arith.mulf %get3A_443, %get3A_448 : vector<16xf32>
      %add3A_450 = arith.addf %add3A_402, %mul3A_449 : vector<16xf32>
      %add3A_451 = arith.constant 1 : i32
      %add3A_452 = arith.addi %mul3A_149, %add3A_451 : i32
      %get3A_453 = arith.index_cast %add3A_452 : i32 to index
      %get3A_454 = arith.constant 96 : index
      %get3A_455 = tpu.vector_load %arg26[%get3A_453, %get3A_454] {strides = array<i32>} : memref<512x128xf32, #tpu.memory_space<vmem>>, vector<16xf32>,
      %slice3A_456 = vector.extract_strided_slice %get3A_156 {offsets = [1], sizes = [1], strides = [1]} : vector<16xi32> to vector<1xi32>
      %squeeze3A_457 = vector.extract %slice3A_456[0] : i32 from vector<1xi32>
      %get3A_458 = arith.index_cast %squeeze3A_457 : i32 to index
      %get3A_459 = arith.constant 0 : index
      %get3A_460 = tpu.vector_load %arg23[%get3A_458, %get3A_459] {strides = array<i32>} : memref<31x32xf32, #tpu.memory_space<vmem>>, vector<16xf32>,
      %mul3A_461 = arith.mulf %get3A_455, %get3A_460 : vector<16xf32>
      %add3A_462 = arith.addf %add3A_414, %mul3A_461 : vector<16xf32>
      %add3A_463 = arith.constant 2 : i32
      %add3A_464 = arith.addi %mul3A_149, %add3A_463 : i32
      %get3A_465 = arith.index_cast %add3A_464 : i32 to index
      %get3A_466 = arith.constant 96 : index
      %get3A_467 = tpu.vector_load %arg26[%get3A_465, %get3A_466] {strides = array<i32>} : memref<512x128xf32, #tpu.memory_space<vmem>>, vector<16xf32>,
      %slice3A_468 = vector.extract_strided_slice %get3A_156 {offsets = [2], sizes = [1], strides = [1]} : vector<16xi32> to vector<1xi32>
      %squeeze3A_469 = vector.extract %slice3A_468[0] : i32 from vector<1xi32>
      %get3A_470 = arith.index_cast %squeeze3A_469 : i32 to index
      %get3A_471 = arith.constant 0 : index
      %get3A_472 = tpu.vector_load %arg23[%get3A_470, %get3A_471] {strides = array<i32>} : memref<31x32xf32, #tpu.memory_space<vmem>>, vector<16xf32>,
      %mul3A_473 = arith.mulf %get3A_467, %get3A_472 : vector<16xf32>
      %add3A_474 = arith.addf %add3A_426, %mul3A_473 : vector<16xf32>
      %add3A_475 = arith.constant 3 : i32
      %add3A_476 = arith.addi %mul3A_149, %add3A_475 : i32
      %get3A_477 = arith.index_cast %add3A_476 : i32 to index
      %get3A_478 = arith.constant 96 : index
      %get3A_479 = tpu.vector_load %arg26[%get3A_477, %get3A_478] {strides = array<i32>} : memref<512x128xf32, #tpu.memory_space<vmem>>, vector<16xf32>,
      %slice3A_480 = vector.extract_strided_slice %get3A_156 {offsets = [3], sizes = [1], strides = [1]} : vector<16xi32> to vector<1xi32>
      %squeeze3A_481 = vector.extract %slice3A_480[0] : i32 from vector<1xi32>
      %get3A_482 = arith.index_cast %squeeze3A_481 : i32 to index
      %get3A_483 = arith.constant 0 : index
      %get3A_484 = tpu.vector_load %arg23[%get3A_482, %get3A_483] {strides = array<i32>} : memref<31x32xf32, #tpu.memory_space<vmem>>, vector<16xf32>,
      %mul3A_485 = arith.mulf %get3A_479, %get3A_484 : vector<16xf32>
      %add3A_486 = arith.addf %add3A_438, %mul3A_485 : vector<16xf32>
      %add3A_487 = arith.constant 0 : i32
      %add3A_488 = arith.addi %mul3A_149, %add3A_487 : i32
      %get3A_489 = arith.index_cast %add3A_488 : i32 to index
      %get3A_490 = arith.constant 112 : index
      %get3A_491 = tpu.vector_load %arg26[%get3A_489, %get3A_490] {strides = array<i32>} : memref<512x128xf32, #tpu.memory_space<vmem>>, vector<16xf32>,
      %slice3A_492 = vector.extract_strided_slice %get3A_156 {offsets = [0], sizes = [1], strides = [1]} : vector<16xi32> to vector<1xi32>
      %squeeze3A_493 = vector.extract %slice3A_492[0] : i32 from vector<1xi32>
      %get3A_494 = arith.index_cast %squeeze3A_493 : i32 to index
      %get3A_495 = arith.constant 16 : index
      %get3A_496 = tpu.vector_load %arg23[%get3A_494, %get3A_495] {strides = array<i32>} : memref<31x32xf32, #tpu.memory_space<vmem>>, vector<16xf32>,
      %mul3A_497 = arith.mulf %get3A_491, %get3A_496 : vector<16xf32>
      %add3A_498 = arith.addf %add3A_450, %mul3A_497 : vector<16xf32>
      %add3A_499 = arith.constant 1 : i32
      %add3A_500 = arith.addi %mul3A_149, %add3A_499 : i32
      %get3A_501 = arith.index_cast %add3A_500 : i32 to index
      %get3A_502 = arith.constant 112 : index
      %get3A_503 = tpu.vector_load %arg26[%get3A_501, %get3A_502] {strides = array<i32>} : memref<512x128xf32, #tpu.memory_space<vmem>>, vector<16xf32>,
      %slice3A_504 = vector.extract_strided_slice %get3A_156 {offsets = [1], sizes = [1], strides = [1]} : vector<16xi32> to vector<1xi32>
      %squeeze3A_505 = vector.extract %slice3A_504[0] : i32 from vector<1xi32>
      %get3A_506 = arith.index_cast %squeeze3A_505 : i32 to index
      %get3A_507 = arith.constant 16 : index
      %get3A_508 = tpu.vector_load %arg23[%get3A_506, %get3A_507] {strides = array<i32>} : memref<31x32xf32, #tpu.memory_space<vmem>>, vector<16xf32>,
      %mul3A_509 = arith.mulf %get3A_503, %get3A_508 : vector<16xf32>
      %add3A_510 = arith.addf %add3A_462, %mul3A_509 : vector<16xf32>
      %add3A_511 = arith.constant 2 : i32
      %add3A_512 = arith.addi %mul3A_149, %add3A_511 : i32
      %get3A_513 = arith.index_cast %add3A_512 : i32 to index
      %get3A_514 = arith.constant 112 : index
      %get3A_515 = tpu.vector_load %arg26[%get3A_513, %get3A_514] {strides = array<i32>} : memref<512x128xf32, #tpu.memory_space<vmem>>, vector<16xf32>,
      %slice3A_516 = vector.extract_strided_slice %get3A_156 {offsets = [2], sizes = [1], strides = [1]} : vector<16xi32> to vector<1xi32>
      %squeeze3A_517 = vector.extract %slice3A_516[0] : i32 from vector<1xi32>
      %get3A_518 = arith.index_cast %squeeze3A_517 : i32 to index
      %get3A_519 = arith.constant 16 : index
      %get3A_520 = tpu.vector_load %arg23[%get3A_518, %get3A_519] {strides = array<i32>} : memref<31x32xf32, #tpu.memory_space<vmem>>, vector<16xf32>,
      %mul3A_521 = arith.mulf %get3A_515, %get3A_520 : vector<16xf32>
      %add3A_522 = arith.addf %add3A_474, %mul3A_521 : vector<16xf32>
      %add3A_523 = arith.constant 3 : i32
      %add3A_524 = arith.addi %mul3A_149, %add3A_523 : i32
      %get3A_525 = arith.index_cast %add3A_524 : i32 to index
      %get3A_526 = arith.constant 112 : index
      %get3A_527 = tpu.vector_load %arg26[%get3A_525, %get3A_526] {strides = array<i32>} : memref<512x128xf32, #tpu.memory_space<vmem>>, vector<16xf32>,
      %slice3A_528 = vector.extract_strided_slice %get3A_156 {offsets = [3], sizes = [1], strides = [1]} : vector<16xi32> to vector<1xi32>
      %squeeze3A_529 = vector.extract %slice3A_528[0] : i32 from vector<1xi32>
      %get3A_530 = arith.index_cast %squeeze3A_529 : i32 to index
      %get3A_531 = arith.constant 16 : index
      %get3A_532 = tpu.vector_load %arg23[%get3A_530, %get3A_531] {strides = array<i32>} : memref<31x32xf32, #tpu.memory_space<vmem>>, vector<16xf32>,
      %mul3A_533 = arith.mulf %get3A_527, %get3A_532 : vector<16xf32>
      %add3A_534 = arith.addf %add3A_486, %mul3A_533 : vector<16xf32>
      %swap3A = arith.constant 0 : index
      %swap3A_535 = tpu.vector_load %arg27[%swap3A] {strides = array<i32>} : memref<272xf32, #tpu.memory_space<vmem>>, vector<16xf32>,
      tpu.vector_store %arg27[%swap3A], %add3A_498 {strides = array<i32>} : memref<272xf32, #tpu.memory_space<vmem>>, vector<16xf32>,
      %swap3A_536 = arith.constant 17 : index
      %swap3A_537 = tpu.vector_load %arg27[%swap3A_536] {strides = array<i32>} : memref<272xf32, #tpu.memory_space<vmem>>, vector<16xf32>,
      tpu.vector_store %arg27[%swap3A_536], %add3A_510 {strides = array<i32>} : memref<272xf32, #tpu.memory_space<vmem>>, vector<16xf32>,
      %swap3A_538 = arith.constant 34 : index
      %swap3A_539 = tpu.vector_load %arg27[%swap3A_538] {strides = array<i32>} : memref<272xf32, #tpu.memory_space<vmem>>, vector<16xf32>,
      tpu.vector_store %arg27[%swap3A_538], %add3A_522 {strides = array<i32>} : memref<272xf32, #tpu.memory_space<vmem>>, vector<16xf32>,
      %swap3A_540 = arith.constant 51 : index
      %swap3A_541 = tpu.vector_load %arg27[%swap3A_540] {strides = array<i32>} : memref<272xf32, #tpu.memory_space<vmem>>, vector<16xf32>,
      tpu.vector_store %arg27[%swap3A_540], %add3A_534 {strides = array<i32>} : memref<272xf32, #tpu.memory_space<vmem>>, vector<16xf32>,
      %add3A_542 = arith.constant 4 : i32
      %add3A_543 = arith.addi %mul3A_149, %add3A_542 : i32
      %get3A_544 = arith.index_cast %add3A_543 : i32 to index
      %get3A_545 = arith.constant 0 : index
      %get3A_546 = tpu.vector_load %arg26[%get3A_544, %get3A_545] {strides = array<i32>} : memref<512x128xf32, #tpu.memory_space<vmem>>, vector<16xf32>,
      %slice3A_547 = vector.extract_strided_slice %get3A_150 {offsets = [4], sizes = [1], strides = [1]} : vector<16xi32> to vector<1xi32>
      %squeeze3A_548 = vector.extract %slice3A_547[0] : i32 from vector<1xi32>
      %get3A_549 = arith.index_cast %squeeze3A_548 : i32 to index
      %get3A_550 = arith.constant 0 : index
      %get3A_551 = tpu.vector_load %arg20[%get3A_549, %get3A_550] {strides = array<i32>} : memref<7x32xf32, #tpu.memory_space<vmem>>, vector<16xf32>,
      %mul3A_552 = arith.mulf %get3A_546, %get3A_551 : vector<16xf32>
      %add3A_553 = arith.constant 5 : i32
      %add3A_554 = arith.addi %mul3A_149, %add3A_553 : i32
      %get3A_555 = arith.index_cast %add3A_554 : i32 to index
      %get3A_556 = arith.constant 0 : index
      %get3A_557 = tpu.vector_load %arg26[%get3A_555, %get3A_556] {strides = array<i32>} : memref<512x128xf32, #tpu.memory_space<vmem>>, vector<16xf32>,
      %slice3A_558 = vector.extract_strided_slice %get3A_150 {offsets = [5], sizes = [1], strides = [1]} : vector<16xi32> to vector<1xi32>
      %squeeze3A_559 = vector.extract %slice3A_558[0] : i32 from vector<1xi32>
      %get3A_560 = arith.index_cast %squeeze3A_559 : i32 to index
      %get3A_561 = arith.constant 0 : index
      %get3A_562 = tpu.vector_load %arg20[%get3A_560, %get3A_561] {strides = array<i32>} : memref<7x32xf32, #tpu.memory_space<vmem>>, vector<16xf32>,
      %mul3A_563 = arith.mulf %get3A_557, %get3A_562 : vector<16xf32>
      %add3A_564 = arith.constant 6 : i32
      %add3A_565 = arith.addi %mul3A_149, %add3A_564 : i32
      %get3A_566 = arith.index_cast %add3A_565 : i32 to index
      %get3A_567 = arith.constant 0 : index
      %get3A_568 = tpu.vector_load %arg26[%get3A_566, %get3A_567] {strides = array<i32>} : memref<512x128xf32, #tpu.memory_space<vmem>>, vector<16xf32>,
      %slice3A_569 = vector.extract_strided_slice %get3A_150 {offsets = [6], sizes = [1], strides = [1]} : vector<16xi32> to vector<1xi32>
      %squeeze3A_570 = vector.extract %slice3A_569[0] : i32 from vector<1xi32>
      %get3A_571 = arith.index_cast %squeeze3A_570 : i32 to index
      %get3A_572 = arith.constant 0 : index
      %get3A_573 = tpu.vector_load %arg20[%get3A_571, %get3A_572] {strides = array<i32>} : memref<7x32xf32, #tpu.memory_space<vmem>>, vector<16xf32>,
      %mul3A_574 = arith.mulf %get3A_568, %get3A_573 : vector<16xf32>
      %add3A_575 = arith.constant 7 : i32
      %add3A_576 = arith.addi %mul3A_149, %add3A_575 : i32
      %get3A_577 = arith.index_cast %add3A_576 : i32 to index
      %get3A_578 = arith.constant 0 : index
      %get3A_579 = tpu.vector_load %arg26[%get3A_577, %get3A_578] {strides = array<i32>} : memref<512x128xf32, #tpu.memory_space<vmem>>, vector<16xf32>,
      %slice3A_580 = vector.extract_strided_slice %get3A_150 {offsets = [7], sizes = [1], strides = [1]} : vector<16xi32> to vector<1xi32>
      %squeeze3A_581 = vector.extract %slice3A_580[0] : i32 from vector<1xi32>
      %get3A_582 = arith.index_cast %squeeze3A_581 : i32 to index
      %get3A_583 = arith.constant 0 : index
      %get3A_584 = tpu.vector_load %arg20[%get3A_582, %get3A_583] {strides = array<i32>} : memref<7x32xf32, #tpu.memory_space<vmem>>, vector<16xf32>,
      %mul3A_585 = arith.mulf %get3A_579, %get3A_584 : vector<16xf32>
      %add3A_586 = arith.constant 4 : i32
      %add3A_587 = arith.addi %mul3A_149, %add3A_586 : i32
      %get3A_588 = arith.index_cast %add3A_587 : i32 to index
      %get3A_589 = arith.constant 16 : index
      %get3A_590 = tpu.vector_load %arg26[%get3A_588, %get3A_589] {strides = array<i32>} : memref<512x128xf32, #tpu.memory_space<vmem>>, vector<16xf32>,
      %slice3A_591 = vector.extract_strided_slice %get3A_150 {offsets = [4], sizes = [1], strides = [1]} : vector<16xi32> to vector<1xi32>
      %squeeze3A_592 = vector.extract %slice3A_591[0] : i32 from vector<1xi32>
      %get3A_593 = arith.index_cast %squeeze3A_592 : i32 to index
      %get3A_594 = arith.constant 16 : index
      %get3A_595 = tpu.vector_load %arg20[%get3A_593, %get3A_594] {strides = array<i32>} : memref<7x32xf32, #tpu.memory_space<vmem>>, vector<16xf32>,
      %mul3A_596 = arith.mulf %get3A_590, %get3A_595 : vector<16xf32>
      %add3A_597 = arith.addf %mul3A_552, %mul3A_596 : vector<16xf32>
      %add3A_598 = arith.constant 5 : i32
      %add3A_599 = arith.addi %mul3A_149, %add3A_598 : i32
      %get3A_600 = arith.index_cast %add3A_599 : i32 to index
      %get3A_601 = arith.constant 16 : index
      %get3A_602 = tpu.vector_load %arg26[%get3A_600, %get3A_601] {strides = array<i32>} : memref<512x128xf32, #tpu.memory_space<vmem>>, vector<16xf32>,
      %slice3A_603 = vector.extract_strided_slice %get3A_150 {offsets = [5], sizes = [1], strides = [1]} : vector<16xi32> to vector<1xi32>
      %squeeze3A_604 = vector.extract %slice3A_603[0] : i32 from vector<1xi32>
      %get3A_605 = arith.index_cast %squeeze3A_604 : i32 to index
      %get3A_606 = arith.constant 16 : index
      %get3A_607 = tpu.vector_load %arg20[%get3A_605, %get3A_606] {strides = array<i32>} : memref<7x32xf32, #tpu.memory_space<vmem>>, vector<16xf32>,
      %mul3A_608 = arith.mulf %get3A_602, %get3A_607 : vector<16xf32>
      %add3A_609 = arith.addf %mul3A_563, %mul3A_608 : vector<16xf32>
      %add3A_610 = arith.constant 6 : i32
      %add3A_611 = arith.addi %mul3A_149, %add3A_610 : i32
      %get3A_612 = arith.index_cast %add3A_611 : i32 to index
      %get3A_613 = arith.constant 16 : index
      %get3A_614 = tpu.vector_load %arg26[%get3A_612, %get3A_613] {strides = array<i32>} : memref<512x128xf32, #tpu.memory_space<vmem>>, vector<16xf32>,
      %slice3A_615 = vector.extract_strided_slice %get3A_150 {offsets = [6], sizes = [1], strides = [1]} : vector<16xi32> to vector<1xi32>
      %squeeze3A_616 = vector.extract %slice3A_615[0] : i32 from vector<1xi32>
      %get3A_617 = arith.index_cast %squeeze3A_616 : i32 to index
      %get3A_618 = arith.constant 16 : index
      %get3A_619 = tpu.vector_load %arg20[%get3A_617, %get3A_618] {strides = array<i32>} : memref<7x32xf32, #tpu.memory_space<vmem>>, vector<16xf32>,
      %mul3A_620 = arith.mulf %get3A_614, %get3A_619 : vector<16xf32>
      %add3A_621 = arith.addf %mul3A_574, %mul3A_620 : vector<16xf32>
      %add3A_622 = arith.constant 7 : i32
      %add3A_623 = arith.addi %mul3A_149, %add3A_622 : i32
      %get3A_624 = arith.index_cast %add3A_623 : i32 to index
      %get3A_625 = arith.constant 16 : index
      %get3A_626 = tpu.vector_load %arg26[%get3A_624, %get3A_625] {strides = array<i32>} : memref<512x128xf32, #tpu.memory_space<vmem>>, vector<16xf32>,
      %slice3A_627 = vector.extract_strided_slice %get3A_150 {offsets = [7], sizes = [1], strides = [1]} : vector<16xi32> to vector<1xi32>
      %squeeze3A_628 = vector.extract %slice3A_627[0] : i32 from vector<1xi32>
      %get3A_629 = arith.index_cast %squeeze3A_628 : i32 to index
      %get3A_630 = arith.constant 16 : index
      %get3A_631 = tpu.vector_load %arg20[%get3A_629, %get3A_630] {strides = array<i32>} : memref<7x32xf32, #tpu.memory_space<vmem>>, vector<16xf32>,
      %mul3A_632 = arith.mulf %get3A_626, %get3A_631 : vector<16xf32>
      %add3A_633 = arith.addf %mul3A_585, %mul3A_632 : vector<16xf32>
      %add3A_634 = arith.constant 4 : i32
      %add3A_635 = arith.addi %mul3A_149, %add3A_634 : i32
      %get3A_636 = arith.index_cast %add3A_635 : i32 to index
      %get3A_637 = arith.constant 32 : index
      %get3A_638 = tpu.vector_load %arg26[%get3A_636, %get3A_637] {strides = array<i32>} : memref<512x128xf32, #tpu.memory_space<vmem>>, vector<16xf32>,
      %slice3A_639 = vector.extract_strided_slice %get3A_152 {offsets = [4], sizes = [1], strides = [1]} : vector<16xi32> to vector<1xi32>
      %squeeze3A_640 = vector.extract %slice3A_639[0] : i32 from vector<1xi32>
      %get3A_641 = arith.index_cast %squeeze3A_640 : i32 to index
      %get3A_642 = arith.constant 0 : index
      %get3A_643 = tpu.vector_load %arg21[%get3A_641, %get3A_642] {strides = array<i32>} : memref<24x32xf32, #tpu.memory_space<vmem>>, vector<16xf32>,
      %mul3A_644 = arith.mulf %get3A_638, %get3A_643 : vector<16xf32>
      %add3A_645 = arith.addf %add3A_597, %mul3A_644 : vector<16xf32>
      %add3A_646 = arith.constant 5 : i32
      %add3A_647 = arith.addi %mul3A_149, %add3A_646 : i32
      %get3A_648 = arith.index_cast %add3A_647 : i32 to index
      %get3A_649 = arith.constant 32 : index
      %get3A_650 = tpu.vector_load %arg26[%get3A_648, %get3A_649] {strides = array<i32>} : memref<512x128xf32, #tpu.memory_space<vmem>>, vector<16xf32>,
      %slice3A_651 = vector.extract_strided_slice %get3A_152 {offsets = [5], sizes = [1], strides = [1]} : vector<16xi32> to vector<1xi32>
      %squeeze3A_652 = vector.extract %slice3A_651[0] : i32 from vector<1xi32>
      %get3A_653 = arith.index_cast %squeeze3A_652 : i32 to index
      %get3A_654 = arith.constant 0 : index
      %get3A_655 = tpu.vector_load %arg21[%get3A_653, %get3A_654] {strides = array<i32>} : memref<24x32xf32, #tpu.memory_space<vmem>>, vector<16xf32>,
      %mul3A_656 = arith.mulf %get3A_650, %get3A_655 : vector<16xf32>
      %add3A_657 = arith.addf %add3A_609, %mul3A_656 : vector<16xf32>
      %add3A_658 = arith.constant 6 : i32
      %add3A_659 = arith.addi %mul3A_149, %add3A_658 : i32
      %get3A_660 = arith.index_cast %add3A_659 : i32 to index
      %get3A_661 = arith.constant 32 : index
      %get3A_662 = tpu.vector_load %arg26[%get3A_660, %get3A_661] {strides = array<i32>} : memref<512x128xf32, #tpu.memory_space<vmem>>, vector<16xf32>,
      %slice3A_663 = vector.extract_strided_slice %get3A_152 {offsets = [6], sizes = [1], strides = [1]} : vector<16xi32> to vector<1xi32>
      %squeeze3A_664 = vector.extract %slice3A_663[0] : i32 from vector<1xi32>
      %get3A_665 = arith.index_cast %squeeze3A_664 : i32 to index
      %get3A_666 = arith.constant 0 : index
      %get3A_667 = tpu.vector_load %arg21[%get3A_665, %get3A_666] {strides = array<i32>} : memref<24x32xf32, #tpu.memory_space<vmem>>, vector<16xf32>,
      %mul3A_668 = arith.mulf %get3A_662, %get3A_667 : vector<16xf32>
      %add3A_669 = arith.addf %add3A_621, %mul3A_668 : vector<16xf32>
      %add3A_670 = arith.constant 7 : i32
      %add3A_671 = arith.addi %mul3A_149, %add3A_670 : i32
      %get3A_672 = arith.index_cast %add3A_671 : i32 to index
      %get3A_673 = arith.constant 32 : index
      %get3A_674 = tpu.vector_load %arg26[%get3A_672, %get3A_673] {strides = array<i32>} : memref<512x128xf32, #tpu.memory_space<vmem>>, vector<16xf32>,
      %slice3A_675 = vector.extract_strided_slice %get3A_152 {offsets = [7], sizes = [1], strides = [1]} : vector<16xi32> to vector<1xi32>
      %squeeze3A_676 = vector.extract %slice3A_675[0] : i32 from vector<1xi32>
      %get3A_677 = arith.index_cast %squeeze3A_676 : i32 to index
      %get3A_678 = arith.constant 0 : index
      %get3A_679 = tpu.vector_load %arg21[%get3A_677, %get3A_678] {strides = array<i32>} : memref<24x32xf32, #tpu.memory_space<vmem>>, vector<16xf32>,
      %mul3A_680 = arith.mulf %get3A_674, %get3A_679 : vector<16xf32>
      %add3A_681 = arith.addf %add3A_633, %mul3A_680 : vector<16xf32>
      %add3A_682 = arith.constant 4 : i32
      %add3A_683 = arith.addi %mul3A_149, %add3A_682 : i32
      %get3A_684 = arith.index_cast %add3A_683 : i32 to index
      %get3A_685 = arith.constant 48 : index
      %get3A_686 = tpu.vector_load %arg26[%get3A_684, %get3A_685] {strides = array<i32>} : memref<512x128xf32, #tpu.memory_space<vmem>>, vector<16xf32>,
      %slice3A_687 = vector.extract_strided_slice %get3A_152 {offsets = [4], sizes = [1], strides = [1]} : vector<16xi32> to vector<1xi32>
      %squeeze3A_688 = vector.extract %slice3A_687[0] : i32 from vector<1xi32>
      %get3A_689 = arith.index_cast %squeeze3A_688 : i32 to index
      %get3A_690 = arith.constant 16 : index
      %get3A_691 = tpu.vector_load %arg21[%get3A_689, %get3A_690] {strides = array<i32>} : memref<24x32xf32, #tpu.memory_space<vmem>>, vector<16xf32>,
      %mul3A_692 = arith.mulf %get3A_686, %get3A_691 : vector<16xf32>
      %add3A_693 = arith.addf %add3A_645, %mul3A_692 : vector<16xf32>
      %add3A_694 = arith.constant 5 : i32
      %add3A_695 = arith.addi %mul3A_149, %add3A_694 : i32
      %get3A_696 = arith.index_cast %add3A_695 : i32 to index
      %get3A_697 = arith.constant 48 : index
      %get3A_698 = tpu.vector_load %arg26[%get3A_696, %get3A_697] {strides = array<i32>} : memref<512x128xf32, #tpu.memory_space<vmem>>, vector<16xf32>,
      %slice3A_699 = vector.extract_strided_slice %get3A_152 {offsets = [5], sizes = [1], strides = [1]} : vector<16xi32> to vector<1xi32>
      %squeeze3A_700 = vector.extract %slice3A_699[0] : i32 from vector<1xi32>
      %get3A_701 = arith.index_cast %squeeze3A_700 : i32 to index
      %get3A_702 = arith.constant 16 : index
      %get3A_703 = tpu.vector_load %arg21[%get3A_701, %get3A_702] {strides = array<i32>} : memref<24x32xf32, #tpu.memory_space<vmem>>, vector<16xf32>,
      %mul3A_704 = arith.mulf %get3A_698, %get3A_703 : vector<16xf32>
      %add3A_705 = arith.addf %add3A_657, %mul3A_704 : vector<16xf32>
      %add3A_706 = arith.constant 6 : i32
      %add3A_707 = arith.addi %mul3A_149, %add3A_706 : i32
      %get3A_708 = arith.index_cast %add3A_707 : i32 to index
      %get3A_709 = arith.constant 48 : index
      %get3A_710 = tpu.vector_load %arg26[%get3A_708, %get3A_709] {strides = array<i32>} : memref<512x128xf32, #tpu.memory_space<vmem>>, vector<16xf32>,
      %slice3A_711 = vector.extract_strided_slice %get3A_152 {offsets = [6], sizes = [1], strides = [1]} : vector<16xi32> to vector<1xi32>
      %squeeze3A_712 = vector.extract %slice3A_711[0] : i32 from vector<1xi32>
      %get3A_713 = arith.index_cast %squeeze3A_712 : i32 to index
      %get3A_714 = arith.constant 16 : index
      %get3A_715 = tpu.vector_load %arg21[%get3A_713, %get3A_714] {strides = array<i32>} : memref<24x32xf32, #tpu.memory_space<vmem>>, vector<16xf32>,
      %mul3A_716 = arith.mulf %get3A_710, %get3A_715 : vector<16xf32>
      %add3A_717 = arith.addf %add3A_669, %mul3A_716 : vector<16xf32>
      %add3A_718 = arith.constant 7 : i32
      %add3A_719 = arith.addi %mul3A_149, %add3A_718 : i32
      %get3A_720 = arith.index_cast %add3A_719 : i32 to index
      %get3A_721 = arith.constant 48 : index
      %get3A_722 = tpu.vector_load %arg26[%get3A_720, %get3A_721] {strides = array<i32>} : memref<512x128xf32, #tpu.memory_space<vmem>>, vector<16xf32>,
      %slice3A_723 = vector.extract_strided_slice %get3A_152 {offsets = [7], sizes = [1], strides = [1]} : vector<16xi32> to vector<1xi32>
      %squeeze3A_724 = vector.extract %slice3A_723[0] : i32 from vector<1xi32>
      %get3A_725 = arith.index_cast %squeeze3A_724 : i32 to index
      %get3A_726 = arith.constant 16 : index
      %get3A_727 = tpu.vector_load %arg21[%get3A_725, %get3A_726] {strides = array<i32>} : memref<24x32xf32, #tpu.memory_space<vmem>>, vector<16xf32>,
      %mul3A_728 = arith.mulf %get3A_722, %get3A_727 : vector<16xf32>
      %add3A_729 = arith.addf %add3A_681, %mul3A_728 : vector<16xf32>
      %add3A_730 = arith.constant 4 : i32
      %add3A_731 = arith.addi %mul3A_149, %add3A_730 : i32
      %get3A_732 = arith.index_cast %add3A_731 : i32 to index
      %get3A_733 = arith.constant 64 : index
      %get3A_734 = tpu.vector_load %arg26[%get3A_732, %get3A_733] {strides = array<i32>} : memref<512x128xf32, #tpu.memory_space<vmem>>, vector<16xf32>,
      %slice3A_735 = vector.extract_strided_slice %get3A_154 {offsets = [4], sizes = [1], strides = [1]} : vector<16xi32> to vector<1xi32>
      %squeeze3A_736 = vector.extract %slice3A_735[0] : i32 from vector<1xi32>
      %get3A_737 = arith.index_cast %squeeze3A_736 : i32 to index
      %get3A_738 = arith.constant 0 : index
      %get3A_739 = tpu.vector_load %arg22[%get3A_737, %get3A_738] {strides = array<i32>} : memref<12x32xf32, #tpu.memory_space<vmem>>, vector<16xf32>,
      %mul3A_740 = arith.mulf %get3A_734, %get3A_739 : vector<16xf32>
      %add3A_741 = arith.addf %add3A_693, %mul3A_740 : vector<16xf32>
      %add3A_742 = arith.constant 5 : i32
      %add3A_743 = arith.addi %mul3A_149, %add3A_742 : i32
      %get3A_744 = arith.index_cast %add3A_743 : i32 to index
      %get3A_745 = arith.constant 64 : index
      %get3A_746 = tpu.vector_load %arg26[%get3A_744, %get3A_745] {strides = array<i32>} : memref<512x128xf32, #tpu.memory_space<vmem>>, vector<16xf32>,
      %slice3A_747 = vector.extract_strided_slice %get3A_154 {offsets = [5], sizes = [1], strides = [1]} : vector<16xi32> to vector<1xi32>
      %squeeze3A_748 = vector.extract %slice3A_747[0] : i32 from vector<1xi32>
      %get3A_749 = arith.index_cast %squeeze3A_748 : i32 to index
      %get3A_750 = arith.constant 0 : index
      %get3A_751 = tpu.vector_load %arg22[%get3A_749, %get3A_750] {strides = array<i32>} : memref<12x32xf32, #tpu.memory_space<vmem>>, vector<16xf32>,
      %mul3A_752 = arith.mulf %get3A_746, %get3A_751 : vector<16xf32>
      %add3A_753 = arith.addf %add3A_705, %mul3A_752 : vector<16xf32>
      %add3A_754 = arith.constant 6 : i32
      %add3A_755 = arith.addi %mul3A_149, %add3A_754 : i32
      %get3A_756 = arith.index_cast %add3A_755 : i32 to index
      %get3A_757 = arith.constant 64 : index
      %get3A_758 = tpu.vector_load %arg26[%get3A_756, %get3A_757] {strides = array<i32>} : memref<512x128xf32, #tpu.memory_space<vmem>>, vector<16xf32>,
      %slice3A_759 = vector.extract_strided_slice %get3A_154 {offsets = [6], sizes = [1], strides = [1]} : vector<16xi32> to vector<1xi32>
      %squeeze3A_760 = vector.extract %slice3A_759[0] : i32 from vector<1xi32>
      %get3A_761 = arith.index_cast %squeeze3A_760 : i32 to index
      %get3A_762 = arith.constant 0 : index
      %get3A_763 = tpu.vector_load %arg22[%get3A_761, %get3A_762] {strides = array<i32>} : memref<12x32xf32, #tpu.memory_space<vmem>>, vector<16xf32>,
      %mul3A_764 = arith.mulf %get3A_758, %get3A_763 : vector<16xf32>
      %add3A_765 = arith.addf %add3A_717, %mul3A_764 : vector<16xf32>
      %add3A_766 = arith.constant 7 : i32
      %add3A_767 = arith.addi %mul3A_149, %add3A_766 : i32
      %get3A_768 = arith.index_cast %add3A_767 : i32 to index
      %get3A_769 = arith.constant 64 : index
      %get3A_770 = tpu.vector_load %arg26[%get3A_768, %get3A_769] {strides = array<i32>} : memref<512x128xf32, #tpu.memory_space<vmem>>, vector<16xf32>,
      %slice3A_771 = vector.extract_strided_slice %get3A_154 {offsets = [7], sizes = [1], strides = [1]} : vector<16xi32> to vector<1xi32>
      %squeeze3A_772 = vector.extract %slice3A_771[0] : i32 from vector<1xi32>
      %get3A_773 = arith.index_cast %squeeze3A_772 : i32 to index
      %get3A_774 = arith.constant 0 : index
      %get3A_775 = tpu.vector_load %arg22[%get3A_773, %get3A_774] {strides = array<i32>} : memref<12x32xf32, #tpu.memory_space<vmem>>, vector<16xf32>,
      %mul3A_776 = arith.mulf %get3A_770, %get3A_775 : vector<16xf32>
      %add3A_777 = arith.addf %add3A_729, %mul3A_776 : vector<16xf32>
      %add3A_778 = arith.constant 4 : i32
      %add3A_779 = arith.addi %mul3A_149, %add3A_778 : i32
      %get3A_780 = arith.index_cast %add3A_779 : i32 to index
      %get3A_781 = arith.constant 80 : index
      %get3A_782 = tpu.vector_load %arg26[%get3A_780, %get3A_781] {strides = array<i32>} : memref<512x128xf32, #tpu.memory_space<vmem>>, vector<16xf32>,
      %slice3A_783 = vector.extract_strided_slice %get3A_154 {offsets = [4], sizes = [1], strides = [1]} : vector<16xi32> to vector<1xi32>
      %squeeze3A_784 = vector.extract %slice3A_783[0] : i32 from vector<1xi32>
      %get3A_785 = arith.index_cast %squeeze3A_784 : i32 to index
      %get3A_786 = arith.constant 16 : index
      %get3A_787 = tpu.vector_load %arg22[%get3A_785, %get3A_786] {strides = array<i32>} : memref<12x32xf32, #tpu.memory_space<vmem>>, vector<16xf32>,
      %mul3A_788 = arith.mulf %get3A_782, %get3A_787 : vector<16xf32>
      %add3A_789 = arith.addf %add3A_741, %mul3A_788 : vector<16xf32>
      %add3A_790 = arith.constant 5 : i32
      %add3A_791 = arith.addi %mul3A_149, %add3A_790 : i32
      %get3A_792 = arith.index_cast %add3A_791 : i32 to index
      %get3A_793 = arith.constant 80 : index
      %get3A_794 = tpu.vector_load %arg26[%get3A_792, %get3A_793] {strides = array<i32>} : memref<512x128xf32, #tpu.memory_space<vmem>>, vector<16xf32>,
      %slice3A_795 = vector.extract_strided_slice %get3A_154 {offsets = [5], sizes = [1], strides = [1]} : vector<16xi32> to vector<1xi32>
      %squeeze3A_796 = vector.extract %slice3A_795[0] : i32 from vector<1xi32>
      %get3A_797 = arith.index_cast %squeeze3A_796 : i32 to index
      %get3A_798 = arith.constant 16 : index
      %get3A_799 = tpu.vector_load %arg22[%get3A_797, %get3A_798] {strides = array<i32>} : memref<12x32xf32, #tpu.memory_space<vmem>>, vector<16xf32>,
      %mul3A_800 = arith.mulf %get3A_794, %get3A_799 : vector<16xf32>
      %add3A_801 = arith.addf %add3A_753, %mul3A_800 : vector<16xf32>
      %add3A_802 = arith.constant 6 : i32
      %add3A_803 = arith.addi %mul3A_149, %add3A_802 : i32
      %get3A_804 = arith.index_cast %add3A_803 : i32 to index
      %get3A_805 = arith.constant 80 : index
      %get3A_806 = tpu.vector_load %arg26[%get3A_804, %get3A_805] {strides = array<i32>} : memref<512x128xf32, #tpu.memory_space<vmem>>, vector<16xf32>,
      %slice3A_807 = vector.extract_strided_slice %get3A_154 {offsets = [6], sizes = [1], strides = [1]} : vector<16xi32> to vector<1xi32>
      %squeeze3A_808 = vector.extract %slice3A_807[0] : i32 from vector<1xi32>
      %get3A_809 = arith.index_cast %squeeze3A_808 : i32 to index
      %get3A_810 = arith.constant 16 : index
      %get3A_811 = tpu.vector_load %arg22[%get3A_809, %get3A_810] {strides = array<i32>} : memref<12x32xf32, #tpu.memory_space<vmem>>, vector<16xf32>,
      %mul3A_812 = arith.mulf %get3A_806, %get3A_811 : vector<16xf32>
      %add3A_813 = arith.addf %add3A_765, %mul3A_812 : vector<16xf32>
      %add3A_814 = arith.constant 7 : i32
      %add3A_815 = arith.addi %mul3A_149, %add3A_814 : i32
      %get3A_816 = arith.index_cast %add3A_815 : i32 to index
      %get3A_817 = arith.constant 80 : index
      %get3A_818 = tpu.vector_load %arg26[%get3A_816, %get3A_817] {strides = array<i32>} : memref<512x128xf32, #tpu.memory_space<vmem>>, vector<16xf32>,
      %slice3A_819 = vector.extract_strided_slice %get3A_154 {offsets = [7], sizes = [1], strides = [1]} : vector<16xi32> to vector<1xi32>
      %squeeze3A_820 = vector.extract %slice3A_819[0] : i32 from vector<1xi32>
      %get3A_821 = arith.index_cast %squeeze3A_820 : i32 to index
      %get3A_822 = arith.constant 16 : index
      %get3A_823 = tpu.vector_load %arg22[%get3A_821, %get3A_822] {strides = array<i32>} : memref<12x32xf32, #tpu.memory_space<vmem>>, vector<16xf32>,
      %mul3A_824 = arith.mulf %get3A_818, %get3A_823 : vector<16xf32>
      %add3A_825 = arith.addf %add3A_777, %mul3A_824 : vector<16xf32>
      %add3A_826 = arith.constant 4 : i32
      %add3A_827 = arith.addi %mul3A_149, %add3A_826 : i32
      %get3A_828 = arith.index_cast %add3A_827 : i32 to index
      %get3A_829 = arith.constant 96 : index
      %get3A_830 = tpu.vector_load %arg26[%get3A_828, %get3A_829] {strides = array<i32>} : memref<512x128xf32, #tpu.memory_space<vmem>>, vector<16xf32>,
      %slice3A_831 = vector.extract_strided_slice %get3A_156 {offsets = [4], sizes = [1], strides = [1]} : vector<16xi32> to vector<1xi32>
      %squeeze3A_832 = vector.extract %slice3A_831[0] : i32 from vector<1xi32>
      %get3A_833 = arith.index_cast %squeeze3A_832 : i32 to index
      %get3A_834 = arith.constant 0 : index
      %get3A_835 = tpu.vector_load %arg23[%get3A_833, %get3A_834] {strides = array<i32>} : memref<31x32xf32, #tpu.memory_space<vmem>>, vector<16xf32>,
      %mul3A_836 = arith.mulf %get3A_830, %get3A_835 : vector<16xf32>
      %add3A_837 = arith.addf %add3A_789, %mul3A_836 : vector<16xf32>
      %add3A_838 = arith.constant 5 : i32
      %add3A_839 = arith.addi %mul3A_149, %add3A_838 : i32
      %get3A_840 = arith.index_cast %add3A_839 : i32 to index
      %get3A_841 = arith.constant 96 : index
      %get3A_842 = tpu.vector_load %arg26[%get3A_840, %get3A_841] {strides = array<i32>} : memref<512x128xf32, #tpu.memory_space<vmem>>, vector<16xf32>,
      %slice3A_843 = vector.extract_strided_slice %get3A_156 {offsets = [5], sizes = [1], strides = [1]} : vector<16xi32> to vector<1xi32>
      %squeeze3A_844 = vector.extract %slice3A_843[0] : i32 from vector<1xi32>
      %get3A_845 = arith.index_cast %squeeze3A_844 : i32 to index
      %get3A_846 = arith.constant 0 : index
      %get3A_847 = tpu.vector_load %arg23[%get3A_845, %get3A_846] {strides = array<i32>} : memref<31x32xf32, #tpu.memory_space<vmem>>, vector<16xf32>,
      %mul3A_848 = arith.mulf %get3A_842, %get3A_847 : vector<16xf32>
      %add3A_849 = arith.addf %add3A_801, %mul3A_848 : vector<16xf32>
      %add3A_850 = arith.constant 6 : i32
      %add3A_851 = arith.addi %mul3A_149, %add3A_850 : i32
      %get3A_852 = arith.index_cast %add3A_851 : i32 to index
      %get3A_853 = arith.constant 96 : index
      %get3A_854 = tpu.vector_load %arg26[%get3A_852, %get3A_853] {strides = array<i32>} : memref<512x128xf32, #tpu.memory_space<vmem>>, vector<16xf32>,
      %slice3A_855 = vector.extract_strided_slice %get3A_156 {offsets = [6], sizes = [1], strides = [1]} : vector<16xi32> to vector<1xi32>
      %squeeze3A_856 = vector.extract %slice3A_855[0] : i32 from vector<1xi32>
      %get3A_857 = arith.index_cast %squeeze3A_856 : i32 to index
      %get3A_858 = arith.constant 0 : index
      %get3A_859 = tpu.vector_load %arg23[%get3A_857, %get3A_858] {strides = array<i32>} : memref<31x32xf32, #tpu.memory_space<vmem>>, vector<16xf32>,
      %mul3A_860 = arith.mulf %get3A_854, %get3A_859 : vector<16xf32>
      %add3A_861 = arith.addf %add3A_813, %mul3A_860 : vector<16xf32>
      %add3A_862 = arith.constant 7 : i32
      %add3A_863 = arith.addi %mul3A_149, %add3A_862 : i32
      %get3A_864 = arith.index_cast %add3A_863 : i32 to index
      %get3A_865 = arith.constant 96 : index
      %get3A_866 = tpu.vector_load %arg26[%get3A_864, %get3A_865] {strides = array<i32>} : memref<512x128xf32, #tpu.memory_space<vmem>>, vector<16xf32>,
      %slice3A_867 = vector.extract_strided_slice %get3A_156 {offsets = [7], sizes = [1], strides = [1]} : vector<16xi32> to vector<1xi32>
      %squeeze3A_868 = vector.extract %slice3A_867[0] : i32 from vector<1xi32>
      %get3A_869 = arith.index_cast %squeeze3A_868 : i32 to index
      %get3A_870 = arith.constant 0 : index
      %get3A_871 = tpu.vector_load %arg23[%get3A_869, %get3A_870] {strides = array<i32>} : memref<31x32xf32, #tpu.memory_space<vmem>>, vector<16xf32>,
      %mul3A_872 = arith.mulf %get3A_866, %get3A_871 : vector<16xf32>
      %add3A_873 = arith.addf %add3A_825, %mul3A_872 : vector<16xf32>
      %add3A_874 = arith.constant 4 : i32
      %add3A_875 = arith.addi %mul3A_149, %add3A_874 : i32
      %get3A_876 = arith.index_cast %add3A_875 : i32 to index
      %get3A_877 = arith.constant 112 : index
      %get3A_878 = tpu.vector_load %arg26[%get3A_876, %get3A_877] {strides = array<i32>} : memref<512x128xf32, #tpu.memory_space<vmem>>, vector<16xf32>,
      %slice3A_879 = vector.extract_strided_slice %get3A_156 {offsets = [4], sizes = [1], strides = [1]} : vector<16xi32> to vector<1xi32>
      %squeeze3A_880 = vector.extract %slice3A_879[0] : i32 from vector<1xi32>
      %get3A_881 = arith.index_cast %squeeze3A_880 : i32 to index
      %get3A_882 = arith.constant 16 : index
      %get3A_883 = tpu.vector_load %arg23[%get3A_881, %get3A_882] {strides = array<i32>} : memref<31x32xf32, #tpu.memory_space<vmem>>, vector<16xf32>,
      %mul3A_884 = arith.mulf %get3A_878, %get3A_883 : vector<16xf32>
      %add3A_885 = arith.addf %add3A_837, %mul3A_884 : vector<16xf32>
      %add3A_886 = arith.constant 5 : i32
      %add3A_887 = arith.addi %mul3A_149, %add3A_886 : i32
      %get3A_888 = arith.index_cast %add3A_887 : i32 to index
      %get3A_889 = arith.constant 112 : index
      %get3A_890 = tpu.vector_load %arg26[%get3A_888, %get3A_889] {strides = array<i32>} : memref<512x128xf32, #tpu.memory_space<vmem>>, vector<16xf32>,
      %slice3A_891 = vector.extract_strided_slice %get3A_156 {offsets = [5], sizes = [1], strides = [1]} : vector<16xi32> to vector<1xi32>
      %squeeze3A_892 = vector.extract %slice3A_891[0] : i32 from vector<1xi32>
      %get3A_893 = arith.index_cast %squeeze3A_892 : i32 to index
      %get3A_894 = arith.constant 16 : index
      %get3A_895 = tpu.vector_load %arg23[%get3A_893, %get3A_894] {strides = array<i32>} : memref<31x32xf32, #tpu.memory_space<vmem>>, vector<16xf32>,
      %mul3A_896 = arith.mulf %get3A_890, %get3A_895 : vector<16xf32>
      %add3A_897 = arith.addf %add3A_849, %mul3A_896 : vector<16xf32>
      %add3A_898 = arith.constant 6 : i32
      %add3A_899 = arith.addi %mul3A_149, %add3A_898 : i32
      %get3A_900 = arith.index_cast %add3A_899 : i32 to index
      %get3A_901 = arith.constant 112 : index
      %get3A_902 = tpu.vector_load %arg26[%get3A_900, %get3A_901] {strides = array<i32>} : memref<512x128xf32, #tpu.memory_space<vmem>>, vector<16xf32>,
      %slice3A_903 = vector.extract_strided_slice %get3A_156 {offsets = [6], sizes = [1], strides = [1]} : vector<16xi32> to vector<1xi32>
      %squeeze3A_904 = vector.extract %slice3A_903[0] : i32 from vector<1xi32>
      %get3A_905 = arith.index_cast %squeeze3A_904 : i32 to index
      %get3A_906 = arith.constant 16 : index
      %get3A_907 = tpu.vector_load %arg23[%get3A_905, %get3A_906] {strides = array<i32>} : memref<31x32xf32, #tpu.memory_space<vmem>>, vector<16xf32>,
      %mul3A_908 = arith.mulf %get3A_902, %get3A_907 : vector<16xf32>
      %add3A_909 = arith.addf %add3A_861, %mul3A_908 : vector<16xf32>
      %add3A_910 = arith.constant 7 : i32
      %add3A_911 = arith.addi %mul3A_149, %add3A_910 : i32
      %get3A_912 = arith.index_cast %add3A_911 : i32 to index
      %get3A_913 = arith.constant 112 : index
      %get3A_914 = tpu.vector_load %arg26[%get3A_912, %get3A_913] {strides = array<i32>} : memref<512x128xf32, #tpu.memory_space<vmem>>, vector<16xf32>,
      %slice3A_915 = vector.extract_strided_slice %get3A_156 {offsets = [7], sizes = [1], strides = [1]} : vector<16xi32> to vector<1xi32>
      %squeeze3A_916 = vector.extract %slice3A_915[0] : i32 from vector<1xi32>
      %get3A_917 = arith.index_cast %squeeze3A_916 : i32 to index
      %get3A_918 = arith.constant 16 : index
      %get3A_919 = tpu.vector_load %arg23[%get3A_917, %get3A_918] {strides = array<i32>} : memref<31x32xf32, #tpu.memory_space<vmem>>, vector<16xf32>,
      %mul3A_920 = arith.mulf %get3A_914, %get3A_919 : vector<16xf32>
      %add3A_921 = arith.addf %add3A_873, %mul3A_920 : vector<16xf32>
      %swap3A_922 = arith.constant 68 : index
      %swap3A_923 = tpu.vector_load %arg27[%swap3A_922] {strides = array<i32>} : memref<272xf32, #tpu.memory_space<vmem>>, vector<16xf32>,
      tpu.vector_store %arg27[%swap3A_922], %add3A_885 {strides = array<i32>} : memref<272xf32, #tpu.memory_space<vmem>>, vector<16xf32>,
      %swap3A_924 = arith.constant 85 : index
      %swap3A_925 = tpu.vector_load %arg27[%swap3A_924] {strides = array<i32>} : memref<272xf32, #tpu.memory_space<vmem>>, vector<16xf32>,
      tpu.vector_store %arg27[%swap3A_924], %add3A_897 {strides = array<i32>} : memref<272xf32, #tpu.memory_space<vmem>>, vector<16xf32>,
      %swap3A_926 = arith.constant 102 : index
      %swap3A_927 = tpu.vector_load %arg27[%swap3A_926] {strides = array<i32>} : memref<272xf32, #tpu.memory_space<vmem>>, vector<16xf32>,
      tpu.vector_store %arg27[%swap3A_926], %add3A_909 {strides = array<i32>} : memref<272xf32, #tpu.memory_space<vmem>>, vector<16xf32>,
      %swap3A_928 = arith.constant 119 : index
      %swap3A_929 = tpu.vector_load %arg27[%swap3A_928] {strides = array<i32>} : memref<272xf32, #tpu.memory_space<vmem>>, vector<16xf32>,
      tpu.vector_store %arg27[%swap3A_928], %add3A_921 {strides = array<i32>} : memref<272xf32, #tpu.memory_space<vmem>>, vector<16xf32>,
      %add3A_930 = arith.constant 8 : i32
      %add3A_931 = arith.addi %mul3A_149, %add3A_930 : i32
      %get3A_932 = arith.index_cast %add3A_931 : i32 to index
      %get3A_933 = arith.constant 0 : index
      %get3A_934 = tpu.vector_load %arg26[%get3A_932, %get3A_933] {strides = array<i32>} : memref<512x128xf32, #tpu.memory_space<vmem>>, vector<16xf32>,
      %slice3A_935 = vector.extract_strided_slice %get3A_150 {offsets = [8], sizes = [1], strides = [1]} : vector<16xi32> to vector<1xi32>
      %squeeze3A_936 = vector.extract %slice3A_935[0] : i32 from vector<1xi32>
      %get3A_937 = arith.index_cast %squeeze3A_936 : i32 to index
      %get3A_938 = arith.constant 0 : index
      %get3A_939 = tpu.vector_load %arg20[%get3A_937, %get3A_938] {strides = array<i32>} : memref<7x32xf32, #tpu.memory_space<vmem>>, vector<16xf32>,
      %mul3A_940 = arith.mulf %get3A_934, %get3A_939 : vector<16xf32>
      %add3A_941 = arith.constant 9 : i32
      %add3A_942 = arith.addi %mul3A_149, %add3A_941 : i32
      %get3A_943 = arith.index_cast %add3A_942 : i32 to index
      %get3A_944 = arith.constant 0 : index
      %get3A_945 = tpu.vector_load %arg26[%get3A_943, %get3A_944] {strides = array<i32>} : memref<512x128xf32, #tpu.memory_space<vmem>>, vector<16xf32>,
      %slice3A_946 = vector.extract_strided_slice %get3A_150 {offsets = [9], sizes = [1], strides = [1]} : vector<16xi32> to vector<1xi32>
      %squeeze3A_947 = vector.extract %slice3A_946[0] : i32 from vector<1xi32>
      %get3A_948 = arith.index_cast %squeeze3A_947 : i32 to index
      %get3A_949 = arith.constant 0 : index
      %get3A_950 = tpu.vector_load %arg20[%get3A_948, %get3A_949] {strides = array<i32>} : memref<7x32xf32, #tpu.memory_space<vmem>>, vector<16xf32>,
      %mul3A_951 = arith.mulf %get3A_945, %get3A_950 : vector<16xf32>
      %add3A_952 = arith.constant 10 : i32
      %add3A_953 = arith.addi %mul3A_149, %add3A_952 : i32
      %get3A_954 = arith.index_cast %add3A_953 : i32 to index
      %get3A_955 = arith.constant 0 : index
      %get3A_956 = tpu.vector_load %arg26[%get3A_954, %get3A_955] {strides = array<i32>} : memref<512x128xf32, #tpu.memory_space<vmem>>, vector<16xf32>,
      %slice3A_957 = vector.extract_strided_slice %get3A_150 {offsets = [10], sizes = [1], strides = [1]} : vector<16xi32> to vector<1xi32>
      %squeeze3A_958 = vector.extract %slice3A_957[0] : i32 from vector<1xi32>
      %get3A_959 = arith.index_cast %squeeze3A_958 : i32 to index
      %get3A_960 = arith.constant 0 : index
      %get3A_961 = tpu.vector_load %arg20[%get3A_959, %get3A_960] {strides = array<i32>} : memref<7x32xf32, #tpu.memory_space<vmem>>, vector<16xf32>,
      %mul3A_962 = arith.mulf %get3A_956, %get3A_961 : vector<16xf32>
      %add3A_963 = arith.constant 11 : i32
      %add3A_964 = arith.addi %mul3A_149, %add3A_963 : i32
      %get3A_965 = arith.index_cast %add3A_964 : i32 to index
      %get3A_966 = arith.constant 0 : index
      %get3A_967 = tpu.vector_load %arg26[%get3A_965, %get3A_966] {strides = array<i32>} : memref<512x128xf32, #tpu.memory_space<vmem>>, vector<16xf32>,
      %slice3A_968 = vector.extract_strided_slice %get3A_150 {offsets = [11], sizes = [1], strides = [1]} : vector<16xi32> to vector<1xi32>
      %squeeze3A_969 = vector.extract %slice3A_968[0] : i32 from vector<1xi32>
      %get3A_970 = arith.index_cast %squeeze3A_969 : i32 to index
      %get3A_971 = arith.constant 0 : index
      %get3A_972 = tpu.vector_load %arg20[%get3A_970, %get3A_971] {strides = array<i32>} : memref<7x32xf32, #tpu.memory_space<vmem>>, vector<16xf32>,
      %mul3A_973 = arith.mulf %get3A_967, %get3A_972 : vector<16xf32>
      %add3A_974 = arith.constant 8 : i32
      %add3A_975 = arith.addi %mul3A_149, %add3A_974 : i32
      %get3A_976 = arith.index_cast %add3A_975 : i32 to index
      %get3A_977 = arith.constant 16 : index
      %get3A_978 = tpu.vector_load %arg26[%get3A_976, %get3A_977] {strides = array<i32>} : memref<512x128xf32, #tpu.memory_space<vmem>>, vector<16xf32>,
      %slice3A_979 = vector.extract_strided_slice %get3A_150 {offsets = [8], sizes = [1], strides = [1]} : vector<16xi32> to vector<1xi32>
      %squeeze3A_980 = vector.extract %slice3A_979[0] : i32 from vector<1xi32>
      %get3A_981 = arith.index_cast %squeeze3A_980 : i32 to index
      %get3A_982 = arith.constant 16 : index
      %get3A_983 = tpu.vector_load %arg20[%get3A_981, %get3A_982] {strides = array<i32>} : memref<7x32xf32, #tpu.memory_space<vmem>>, vector<16xf32>,
      %mul3A_984 = arith.mulf %get3A_978, %get3A_983 : vector<16xf32>
      %add3A_985 = arith.addf %mul3A_940, %mul3A_984 : vector<16xf32>
      %add3A_986 = arith.constant 9 : i32
      %add3A_987 = arith.addi %mul3A_149, %add3A_986 : i32
      %get3A_988 = arith.index_cast %add3A_987 : i32 to index
      %get3A_989 = arith.constant 16 : index
      %get3A_990 = tpu.vector_load %arg26[%get3A_988, %get3A_989] {strides = array<i32>} : memref<512x128xf32, #tpu.memory_space<vmem>>, vector<16xf32>,
      %slice3A_991 = vector.extract_strided_slice %get3A_150 {offsets = [9], sizes = [1], strides = [1]} : vector<16xi32> to vector<1xi32>
      %squeeze3A_992 = vector.extract %slice3A_991[0] : i32 from vector<1xi32>
      %get3A_993 = arith.index_cast %squeeze3A_992 : i32 to index
      %get3A_994 = arith.constant 16 : index
      %get3A_995 = tpu.vector_load %arg20[%get3A_993, %get3A_994] {strides = array<i32>} : memref<7x32xf32, #tpu.memory_space<vmem>>, vector<16xf32>,
      %mul3A_996 = arith.mulf %get3A_990, %get3A_995 : vector<16xf32>
      %add3A_997 = arith.addf %mul3A_951, %mul3A_996 : vector<16xf32>
      %add3A_998 = arith.constant 10 : i32
      %add3A_999 = arith.addi %mul3A_149, %add3A_998 : i32
      %get3A_1000 = arith.index_cast %add3A_999 : i32 to index
      %get3A_1001 = arith.constant 16 : index
      %get3A_1002 = tpu.vector_load %arg26[%get3A_1000, %get3A_1001] {strides = array<i32>} : memref<512x128xf32, #tpu.memory_space<vmem>>, vector<16xf32>,
      %slice3A_1003 = vector.extract_strided_slice %get3A_150 {offsets = [10], sizes = [1], strides = [1]} : vector<16xi32> to vector<1xi32>
      %squeeze3A_1004 = vector.extract %slice3A_1003[0] : i32 from vector<1xi32>
      %get3A_1005 = arith.index_cast %squeeze3A_1004 : i32 to index
      %get3A_1006 = arith.constant 16 : index
      %get3A_1007 = tpu.vector_load %arg20[%get3A_1005, %get3A_1006] {strides = array<i32>} : memref<7x32xf32, #tpu.memory_space<vmem>>, vector<16xf32>,
      %mul3A_1008 = arith.mulf %get3A_1002, %get3A_1007 : vector<16xf32>
      %add3A_1009 = arith.addf %mul3A_962, %mul3A_1008 : vector<16xf32>
      %add3A_1010 = arith.constant 11 : i32
      %add3A_1011 = arith.addi %mul3A_149, %add3A_1010 : i32
      %get3A_1012 = arith.index_cast %add3A_1011 : i32 to index
      %get3A_1013 = arith.constant 16 : index
      %get3A_1014 = tpu.vector_load %arg26[%get3A_1012, %get3A_1013] {strides = array<i32>} : memref<512x128xf32, #tpu.memory_space<vmem>>, vector<16xf32>,
      %slice3A_1015 = vector.extract_strided_slice %get3A_150 {offsets = [11], sizes = [1], strides = [1]} : vector<16xi32> to vector<1xi32>
      %squeeze3A_1016 = vector.extract %slice3A_1015[0] : i32 from vector<1xi32>
      %get3A_1017 = arith.index_cast %squeeze3A_1016 : i32 to index
      %get3A_1018 = arith.constant 16 : index
      %get3A_1019 = tpu.vector_load %arg20[%get3A_1017, %get3A_1018] {strides = array<i32>} : memref<7x32xf32, #tpu.memory_space<vmem>>, vector<16xf32>,
      %mul3A_1020 = arith.mulf %get3A_1014, %get3A_1019 : vector<16xf32>
      %add3A_1021 = arith.addf %mul3A_973, %mul3A_1020 : vector<16xf32>
      %add3A_1022 = arith.constant 8 : i32
      %add3A_1023 = arith.addi %mul3A_149, %add3A_1022 : i32
      %get3A_1024 = arith.index_cast %add3A_1023 : i32 to index
      %get3A_1025 = arith.constant 32 : index
      %get3A_1026 = tpu.vector_load %arg26[%get3A_1024, %get3A_1025] {strides = array<i32>} : memref<512x128xf32, #tpu.memory_space<vmem>>, vector<16xf32>,
      %slice3A_1027 = vector.extract_strided_slice %get3A_152 {offsets = [8], sizes = [1], strides = [1]} : vector<16xi32> to vector<1xi32>
      %squeeze3A_1028 = vector.extract %slice3A_1027[0] : i32 from vector<1xi32>
      %get3A_1029 = arith.index_cast %squeeze3A_1028 : i32 to index
      %get3A_1030 = arith.constant 0 : index
      %get3A_1031 = tpu.vector_load %arg21[%get3A_1029, %get3A_1030] {strides = array<i32>} : memref<24x32xf32, #tpu.memory_space<vmem>>, vector<16xf32>,
      %mul3A_1032 = arith.mulf %get3A_1026, %get3A_1031 : vector<16xf32>
      %add3A_1033 = arith.addf %add3A_985, %mul3A_1032 : vector<16xf32>
      %add3A_1034 = arith.constant 9 : i32
      %add3A_1035 = arith.addi %mul3A_149, %add3A_1034 : i32
      %get3A_1036 = arith.index_cast %add3A_1035 : i32 to index
      %get3A_1037 = arith.constant 32 : index
      %get3A_1038 = tpu.vector_load %arg26[%get3A_1036, %get3A_1037] {strides = array<i32>} : memref<512x128xf32, #tpu.memory_space<vmem>>, vector<16xf32>,
      %slice3A_1039 = vector.extract_strided_slice %get3A_152 {offsets = [9], sizes = [1], strides = [1]} : vector<16xi32> to vector<1xi32>
      %squeeze3A_1040 = vector.extract %slice3A_1039[0] : i32 from vector<1xi32>
      %get3A_1041 = arith.index_cast %squeeze3A_1040 : i32 to index
      %get3A_1042 = arith.constant 0 : index
      %get3A_1043 = tpu.vector_load %arg21[%get3A_1041, %get3A_1042] {strides = array<i32>} : memref<24x32xf32, #tpu.memory_space<vmem>>, vector<16xf32>,
      %mul3A_1044 = arith.mulf %get3A_1038, %get3A_1043 : vector<16xf32>
      %add3A_1045 = arith.addf %add3A_997, %mul3A_1044 : vector<16xf32>
      %add3A_1046 = arith.constant 10 : i32
      %add3A_1047 = arith.addi %mul3A_149, %add3A_1046 : i32
      %get3A_1048 = arith.index_cast %add3A_1047 : i32 to index
      %get3A_1049 = arith.constant 32 : index
      %get3A_1050 = tpu.vector_load %arg26[%get3A_1048, %get3A_1049] {strides = array<i32>} : memref<512x128xf32, #tpu.memory_space<vmem>>, vector<16xf32>,
      %slice3A_1051 = vector.extract_strided_slice %get3A_152 {offsets = [10], sizes = [1], strides = [1]} : vector<16xi32> to vector<1xi32>
      %squeeze3A_1052 = vector.extract %slice3A_1051[0] : i32 from vector<1xi32>
      %get3A_1053 = arith.index_cast %squeeze3A_1052 : i32 to index
      %get3A_1054 = arith.constant 0 : index
      %get3A_1055 = tpu.vector_load %arg21[%get3A_1053, %get3A_1054] {strides = array<i32>} : memref<24x32xf32, #tpu.memory_space<vmem>>, vector<16xf32>,
      %mul3A_1056 = arith.mulf %get3A_1050, %get3A_1055 : vector<16xf32>
      %add3A_1057 = arith.addf %add3A_1009, %mul3A_1056 : vector<16xf32>
      %add3A_1058 = arith.constant 11 : i32
      %add3A_1059 = arith.addi %mul3A_149, %add3A_1058 : i32
      %get3A_1060 = arith.index_cast %add3A_1059 : i32 to index
      %get3A_1061 = arith.constant 32 : index
      %get3A_1062 = tpu.vector_load %arg26[%get3A_1060, %get3A_1061] {strides = array<i32>} : memref<512x128xf32, #tpu.memory_space<vmem>>, vector<16xf32>,
      %slice3A_1063 = vector.extract_strided_slice %get3A_152 {offsets = [11], sizes = [1], strides = [1]} : vector<16xi32> to vector<1xi32>
      %squeeze3A_1064 = vector.extract %slice3A_1063[0] : i32 from vector<1xi32>
      %get3A_1065 = arith.index_cast %squeeze3A_1064 : i32 to index
      %get3A_1066 = arith.constant 0 : index
      %get3A_1067 = tpu.vector_load %arg21[%get3A_1065, %get3A_1066] {strides = array<i32>} : memref<24x32xf32, #tpu.memory_space<vmem>>, vector<16xf32>,
      %mul3A_1068 = arith.mulf %get3A_1062, %get3A_1067 : vector<16xf32>
      %add3A_1069 = arith.addf %add3A_1021, %mul3A_1068 : vector<16xf32>
      %add3A_1070 = arith.constant 8 : i32
      %add3A_1071 = arith.addi %mul3A_149, %add3A_1070 : i32
      %get3A_1072 = arith.index_cast %add3A_1071 : i32 to index
      %get3A_1073 = arith.constant 48 : index
      %get3A_1074 = tpu.vector_load %arg26[%get3A_1072, %get3A_1073] {strides = array<i32>} : memref<512x128xf32, #tpu.memory_space<vmem>>, vector<16xf32>,
      %slice3A_1075 = vector.extract_strided_slice %get3A_152 {offsets = [8], sizes = [1], strides = [1]} : vector<16xi32> to vector<1xi32>
      %squeeze3A_1076 = vector.extract %slice3A_1075[0] : i32 from vector<1xi32>
      %get3A_1077 = arith.index_cast %squeeze3A_1076 : i32 to index
      %get3A_1078 = arith.constant 16 : index
      %get3A_1079 = tpu.vector_load %arg21[%get3A_1077, %get3A_1078] {strides = array<i32>} : memref<24x32xf32, #tpu.memory_space<vmem>>, vector<16xf32>,
      %mul3A_1080 = arith.mulf %get3A_1074, %get3A_1079 : vector<16xf32>
      %add3A_1081 = arith.addf %add3A_1033, %mul3A_1080 : vector<16xf32>
      %add3A_1082 = arith.constant 9 : i32
      %add3A_1083 = arith.addi %mul3A_149, %add3A_1082 : i32
      %get3A_1084 = arith.index_cast %add3A_1083 : i32 to index
      %get3A_1085 = arith.constant 48 : index
      %get3A_1086 = tpu.vector_load %arg26[%get3A_1084, %get3A_1085] {strides = array<i32>} : memref<512x128xf32, #tpu.memory_space<vmem>>, vector<16xf32>,
      %slice3A_1087 = vector.extract_strided_slice %get3A_152 {offsets = [9], sizes = [1], strides = [1]} : vector<16xi32> to vector<1xi32>
      %squeeze3A_1088 = vector.extract %slice3A_1087[0] : i32 from vector<1xi32>
      %get3A_1089 = arith.index_cast %squeeze3A_1088 : i32 to index
      %get3A_1090 = arith.constant 16 : index
      %get3A_1091 = tpu.vector_load %arg21[%get3A_1089, %get3A_1090] {strides = array<i32>} : memref<24x32xf32, #tpu.memory_space<vmem>>, vector<16xf32>,
      %mul3A_1092 = arith.mulf %get3A_1086, %get3A_1091 : vector<16xf32>
      %add3A_1093 = arith.addf %add3A_1045, %mul3A_1092 : vector<16xf32>
      %add3A_1094 = arith.constant 10 : i32
      %add3A_1095 = arith.addi %mul3A_149, %add3A_1094 : i32
      %get3A_1096 = arith.index_cast %add3A_1095 : i32 to index
      %get3A_1097 = arith.constant 48 : index
      %get3A_1098 = tpu.vector_load %arg26[%get3A_1096, %get3A_1097] {strides = array<i32>} : memref<512x128xf32, #tpu.memory_space<vmem>>, vector<16xf32>,
      %slice3A_1099 = vector.extract_strided_slice %get3A_152 {offsets = [10], sizes = [1], strides = [1]} : vector<16xi32> to vector<1xi32>
      %squeeze3A_1100 = vector.extract %slice3A_1099[0] : i32 from vector<1xi32>
      %get3A_1101 = arith.index_cast %squeeze3A_1100 : i32 to index
      %get3A_1102 = arith.constant 16 : index
      %get3A_1103 = tpu.vector_load %arg21[%get3A_1101, %get3A_1102] {strides = array<i32>} : memref<24x32xf32, #tpu.memory_space<vmem>>, vector<16xf32>,
      %mul3A_1104 = arith.mulf %get3A_1098, %get3A_1103 : vector<16xf32>
      %add3A_1105 = arith.addf %add3A_1057, %mul3A_1104 : vector<16xf32>
      %add3A_1106 = arith.constant 11 : i32
      %add3A_1107 = arith.addi %mul3A_149, %add3A_1106 : i32
      %get3A_1108 = arith.index_cast %add3A_1107 : i32 to index
      %get3A_1109 = arith.constant 48 : index
      %get3A_1110 = tpu.vector_load %arg26[%get3A_1108, %get3A_1109] {strides = array<i32>} : memref<512x128xf32, #tpu.memory_space<vmem>>, vector<16xf32>,
      %slice3A_1111 = vector.extract_strided_slice %get3A_152 {offsets = [11], sizes = [1], strides = [1]} : vector<16xi32> to vector<1xi32>
      %squeeze3A_1112 = vector.extract %slice3A_1111[0] : i32 from vector<1xi32>
      %get3A_1113 = arith.index_cast %squeeze3A_1112 : i32 to index
      %get3A_1114 = arith.constant 16 : index
      %get3A_1115 = tpu.vector_load %arg21[%get3A_1113, %get3A_1114] {strides = array<i32>} : memref<24x32xf32, #tpu.memory_space<vmem>>, vector<16xf32>,
      %mul3A_1116 = arith.mulf %get3A_1110, %get3A_1115 : vector<16xf32>
      %add3A_1117 = arith.addf %add3A_1069, %mul3A_1116 : vector<16xf32>
      %add3A_1118 = arith.constant 8 : i32
      %add3A_1119 = arith.addi %mul3A_149, %add3A_1118 : i32
      %get3A_1120 = arith.index_cast %add3A_1119 : i32 to index
      %get3A_1121 = arith.constant 64 : index
      %get3A_1122 = tpu.vector_load %arg26[%get3A_1120, %get3A_1121] {strides = array<i32>} : memref<512x128xf32, #tpu.memory_space<vmem>>, vector<16xf32>,
      %slice3A_1123 = vector.extract_strided_slice %get3A_154 {offsets = [8], sizes = [1], strides = [1]} : vector<16xi32> to vector<1xi32>
      %squeeze3A_1124 = vector.extract %slice3A_1123[0] : i32 from vector<1xi32>
      %get3A_1125 = arith.index_cast %squeeze3A_1124 : i32 to index
      %get3A_1126 = arith.constant 0 : index
      %get3A_1127 = tpu.vector_load %arg22[%get3A_1125, %get3A_1126] {strides = array<i32>} : memref<12x32xf32, #tpu.memory_space<vmem>>, vector<16xf32>,
      %mul3A_1128 = arith.mulf %get3A_1122, %get3A_1127 : vector<16xf32>
      %add3A_1129 = arith.addf %add3A_1081, %mul3A_1128 : vector<16xf32>
      %add3A_1130 = arith.constant 9 : i32
      %add3A_1131 = arith.addi %mul3A_149, %add3A_1130 : i32
      %get3A_1132 = arith.index_cast %add3A_1131 : i32 to index
      %get3A_1133 = arith.constant 64 : index
      %get3A_1134 = tpu.vector_load %arg26[%get3A_1132, %get3A_1133] {strides = array<i32>} : memref<512x128xf32, #tpu.memory_space<vmem>>, vector<16xf32>,
      %slice3A_1135 = vector.extract_strided_slice %get3A_154 {offsets = [9], sizes = [1], strides = [1]} : vector<16xi32> to vector<1xi32>
      %squeeze3A_1136 = vector.extract %slice3A_1135[0] : i32 from vector<1xi32>
      %get3A_1137 = arith.index_cast %squeeze3A_1136 : i32 to index
      %get3A_1138 = arith.constant 0 : index
      %get3A_1139 = tpu.vector_load %arg22[%get3A_1137, %get3A_1138] {strides = array<i32>} : memref<12x32xf32, #tpu.memory_space<vmem>>, vector<16xf32>,
      %mul3A_1140 = arith.mulf %get3A_1134, %get3A_1139 : vector<16xf32>
      %add3A_1141 = arith.addf %add3A_1093, %mul3A_1140 : vector<16xf32>
      %add3A_1142 = arith.constant 10 : i32
      %add3A_1143 = arith.addi %mul3A_149, %add3A_1142 : i32
      %get3A_1144 = arith.index_cast %add3A_1143 : i32 to index
      %get3A_1145 = arith.constant 64 : index
      %get3A_1146 = tpu.vector_load %arg26[%get3A_1144, %get3A_1145] {strides = array<i32>} : memref<512x128xf32, #tpu.memory_space<vmem>>, vector<16xf32>,
      %slice3A_1147 = vector.extract_strided_slice %get3A_154 {offsets = [10], sizes = [1], strides = [1]} : vector<16xi32> to vector<1xi32>
      %squeeze3A_1148 = vector.extract %slice3A_1147[0] : i32 from vector<1xi32>
      %get3A_1149 = arith.index_cast %squeeze3A_1148 : i32 to index
      %get3A_1150 = arith.constant 0 : index
      %get3A_1151 = tpu.vector_load %arg22[%get3A_1149, %get3A_1150] {strides = array<i32>} : memref<12x32xf32, #tpu.memory_space<vmem>>, vector<16xf32>,
      %mul3A_1152 = arith.mulf %get3A_1146, %get3A_1151 : vector<16xf32>
      %add3A_1153 = arith.addf %add3A_1105, %mul3A_1152 : vector<16xf32>
      %add3A_1154 = arith.constant 11 : i32
      %add3A_1155 = arith.addi %mul3A_149, %add3A_1154 : i32
      %get3A_1156 = arith.index_cast %add3A_1155 : i32 to index
      %get3A_1157 = arith.constant 64 : index
      %get3A_1158 = tpu.vector_load %arg26[%get3A_1156, %get3A_1157] {strides = array<i32>} : memref<512x128xf32, #tpu.memory_space<vmem>>, vector<16xf32>,
      %slice3A_1159 = vector.extract_strided_slice %get3A_154 {offsets = [11], sizes = [1], strides = [1]} : vector<16xi32> to vector<1xi32>
      %squeeze3A_1160 = vector.extract %slice3A_1159[0] : i32 from vector<1xi32>
      %get3A_1161 = arith.index_cast %squeeze3A_1160 : i32 to index
      %get3A_1162 = arith.constant 0 : index
      %get3A_1163 = tpu.vector_load %arg22[%get3A_1161, %get3A_1162] {strides = array<i32>} : memref<12x32xf32, #tpu.memory_space<vmem>>, vector<16xf32>,
      %mul3A_1164 = arith.mulf %get3A_1158, %get3A_1163 : vector<16xf32>
      %add3A_1165 = arith.addf %add3A_1117, %mul3A_1164 : vector<16xf32>
      %add3A_1166 = arith.constant 8 : i32
      %add3A_1167 = arith.addi %mul3A_149, %add3A_1166 : i32
      %get3A_1168 = arith.index_cast %add3A_1167 : i32 to index
      %get3A_1169 = arith.constant 80 : index
      %get3A_1170 = tpu.vector_load %arg26[%get3A_1168, %get3A_1169] {strides = array<i32>} : memref<512x128xf32, #tpu.memory_space<vmem>>, vector<16xf32>,
      %slice3A_1171 = vector.extract_strided_slice %get3A_154 {offsets = [8], sizes = [1], strides = [1]} : vector<16xi32> to vector<1xi32>
      %squeeze3A_1172 = vector.extract %slice3A_1171[0] : i32 from vector<1xi32>
      %get3A_1173 = arith.index_cast %squeeze3A_1172 : i32 to index
      %get3A_1174 = arith.constant 16 : index
      %get3A_1175 = tpu.vector_load %arg22[%get3A_1173, %get3A_1174] {strides = array<i32>} : memref<12x32xf32, #tpu.memory_space<vmem>>, vector<16xf32>,
      %mul3A_1176 = arith.mulf %get3A_1170, %get3A_1175 : vector<16xf32>
      %add3A_1177 = arith.addf %add3A_1129, %mul3A_1176 : vector<16xf32>
      %add3A_1178 = arith.constant 9 : i32
      %add3A_1179 = arith.addi %mul3A_149, %add3A_1178 : i32
      %get3A_1180 = arith.index_cast %add3A_1179 : i32 to index
      %get3A_1181 = arith.constant 80 : index
      %get3A_1182 = tpu.vector_load %arg26[%get3A_1180, %get3A_1181] {strides = array<i32>} : memref<512x128xf32, #tpu.memory_space<vmem>>, vector<16xf32>,
      %slice3A_1183 = vector.extract_strided_slice %get3A_154 {offsets = [9], sizes = [1], strides = [1]} : vector<16xi32> to vector<1xi32>
      %squeeze3A_1184 = vector.extract %slice3A_1183[0] : i32 from vector<1xi32>
      %get3A_1185 = arith.index_cast %squeeze3A_1184 : i32 to index
      %get3A_1186 = arith.constant 16 : index
      %get3A_1187 = tpu.vector_load %arg22[%get3A_1185, %get3A_1186] {strides = array<i32>} : memref<12x32xf32, #tpu.memory_space<vmem>>, vector<16xf32>,
      %mul3A_1188 = arith.mulf %get3A_1182, %get3A_1187 : vector<16xf32>
      %add3A_1189 = arith.addf %add3A_1141, %mul3A_1188 : vector<16xf32>
      %add3A_1190 = arith.constant 10 : i32
      %add3A_1191 = arith.addi %mul3A_149, %add3A_1190 : i32
      %get3A_1192 = arith.index_cast %add3A_1191 : i32 to index
      %get3A_1193 = arith.constant 80 : index
      %get3A_1194 = tpu.vector_load %arg26[%get3A_1192, %get3A_1193] {strides = array<i32>} : memref<512x128xf32, #tpu.memory_space<vmem>>, vector<16xf32>,
      %slice3A_1195 = vector.extract_strided_slice %get3A_154 {offsets = [10], sizes = [1], strides = [1]} : vector<16xi32> to vector<1xi32>
      %squeeze3A_1196 = vector.extract %slice3A_1195[0] : i32 from vector<1xi32>
      %get3A_1197 = arith.index_cast %squeeze3A_1196 : i32 to index
      %get3A_1198 = arith.constant 16 : index
      %get3A_1199 = tpu.vector_load %arg22[%get3A_1197, %get3A_1198] {strides = array<i32>} : memref<12x32xf32, #tpu.memory_space<vmem>>, vector<16xf32>,
      %mul3A_1200 = arith.mulf %get3A_1194, %get3A_1199 : vector<16xf32>
      %add3A_1201 = arith.addf %add3A_1153, %mul3A_1200 : vector<16xf32>
      %add3A_1202 = arith.constant 11 : i32
      %add3A_1203 = arith.addi %mul3A_149, %add3A_1202 : i32
      %get3A_1204 = arith.index_cast %add3A_1203 : i32 to index
      %get3A_1205 = arith.constant 80 : index
      %get3A_1206 = tpu.vector_load %arg26[%get3A_1204, %get3A_1205] {strides = array<i32>} : memref<512x128xf32, #tpu.memory_space<vmem>>, vector<16xf32>,
      %slice3A_1207 = vector.extract_strided_slice %get3A_154 {offsets = [11], sizes = [1], strides = [1]} : vector<16xi32> to vector<1xi32>
      %squeeze3A_1208 = vector.extract %slice3A_1207[0] : i32 from vector<1xi32>
      %get3A_1209 = arith.index_cast %squeeze3A_1208 : i32 to index
      %get3A_1210 = arith.constant 16 : index
      %get3A_1211 = tpu.vector_load %arg22[%get3A_1209, %get3A_1210] {strides = array<i32>} : memref<12x32xf32, #tpu.memory_space<vmem>>, vector<16xf32>,
      %mul3A_1212 = arith.mulf %get3A_1206, %get3A_1211 : vector<16xf32>
      %add3A_1213 = arith.addf %add3A_1165, %mul3A_1212 : vector<16xf32>
      %add3A_1214 = arith.constant 8 : i32
      %add3A_1215 = arith.addi %mul3A_149, %add3A_1214 : i32
      %get3A_1216 = arith.index_cast %add3A_1215 : i32 to index
      %get3A_1217 = arith.constant 96 : index
      %get3A_1218 = tpu.vector_load %arg26[%get3A_1216, %get3A_1217] {strides = array<i32>} : memref<512x128xf32, #tpu.memory_space<vmem>>, vector<16xf32>,
      %slice3A_1219 = vector.extract_strided_slice %get3A_156 {offsets = [8], sizes = [1], strides = [1]} : vector<16xi32> to vector<1xi32>
      %squeeze3A_1220 = vector.extract %slice3A_1219[0] : i32 from vector<1xi32>
      %get3A_1221 = arith.index_cast %squeeze3A_1220 : i32 to index
      %get3A_1222 = arith.constant 0 : index
      %get3A_1223 = tpu.vector_load %arg23[%get3A_1221, %get3A_1222] {strides = array<i32>} : memref<31x32xf32, #tpu.memory_space<vmem>>, vector<16xf32>,
      %mul3A_1224 = arith.mulf %get3A_1218, %get3A_1223 : vector<16xf32>
      %add3A_1225 = arith.addf %add3A_1177, %mul3A_1224 : vector<16xf32>
      %add3A_1226 = arith.constant 9 : i32
      %add3A_1227 = arith.addi %mul3A_149, %add3A_1226 : i32
      %get3A_1228 = arith.index_cast %add3A_1227 : i32 to index
      %get3A_1229 = arith.constant 96 : index
      %get3A_1230 = tpu.vector_load %arg26[%get3A_1228, %get3A_1229] {strides = array<i32>} : memref<512x128xf32, #tpu.memory_space<vmem>>, vector<16xf32>,
      %slice3A_1231 = vector.extract_strided_slice %get3A_156 {offsets = [9], sizes = [1], strides = [1]} : vector<16xi32> to vector<1xi32>
      %squeeze3A_1232 = vector.extract %slice3A_1231[0] : i32 from vector<1xi32>
      %get3A_1233 = arith.index_cast %squeeze3A_1232 : i32 to index
      %get3A_1234 = arith.constant 0 : index
      %get3A_1235 = tpu.vector_load %arg23[%get3A_1233, %get3A_1234] {strides = array<i32>} : memref<31x32xf32, #tpu.memory_space<vmem>>, vector<16xf32>,
      %mul3A_1236 = arith.mulf %get3A_1230, %get3A_1235 : vector<16xf32>
      %add3A_1237 = arith.addf %add3A_1189, %mul3A_1236 : vector<16xf32>
      %add3A_1238 = arith.constant 10 : i32
      %add3A_1239 = arith.addi %mul3A_149, %add3A_1238 : i32
      %get3A_1240 = arith.index_cast %add3A_1239 : i32 to index
      %get3A_1241 = arith.constant 96 : index
      %get3A_1242 = tpu.vector_load %arg26[%get3A_1240, %get3A_1241] {strides = array<i32>} : memref<512x128xf32, #tpu.memory_space<vmem>>, vector<16xf32>,
      %slice3A_1243 = vector.extract_strided_slice %get3A_156 {offsets = [10], sizes = [1], strides = [1]} : vector<16xi32> to vector<1xi32>
      %squeeze3A_1244 = vector.extract %slice3A_1243[0] : i32 from vector<1xi32>
      %get3A_1245 = arith.index_cast %squeeze3A_1244 : i32 to index
      %get3A_1246 = arith.constant 0 : index
      %get3A_1247 = tpu.vector_load %arg23[%get3A_1245, %get3A_1246] {strides = array<i32>} : memref<31x32xf32, #tpu.memory_space<vmem>>, vector<16xf32>,
      %mul3A_1248 = arith.mulf %get3A_1242, %get3A_1247 : vector<16xf32>
      %add3A_1249 = arith.addf %add3A_1201, %mul3A_1248 : vector<16xf32>
      %add3A_1250 = arith.constant 11 : i32
      %add3A_1251 = arith.addi %mul3A_149, %add3A_1250 : i32
      %get3A_1252 = arith.index_cast %add3A_1251 : i32 to index
      %get3A_1253 = arith.constant 96 : index
      %get3A_1254 = tpu.vector_load %arg26[%get3A_1252, %get3A_1253] {strides = array<i32>} : memref<512x128xf32, #tpu.memory_space<vmem>>, vector<16xf32>,
      %slice3A_1255 = vector.extract_strided_slice %get3A_156 {offsets = [11], sizes = [1], strides = [1]} : vector<16xi32> to vector<1xi32>
      %squeeze3A_1256 = vector.extract %slice3A_1255[0] : i32 from vector<1xi32>
      %get3A_1257 = arith.index_cast %squeeze3A_1256 : i32 to index
      %get3A_1258 = arith.constant 0 : index
      %get3A_1259 = tpu.vector_load %arg23[%get3A_1257, %get3A_1258] {strides = array<i32>} : memref<31x32xf32, #tpu.memory_space<vmem>>, vector<16xf32>,
      %mul3A_1260 = arith.mulf %get3A_1254, %get3A_1259 : vector<16xf32>
      %add3A_1261 = arith.addf %add3A_1213, %mul3A_1260 : vector<16xf32>
      %add3A_1262 = arith.constant 8 : i32
      %add3A_1263 = arith.addi %mul3A_149, %add3A_1262 : i32
      %get3A_1264 = arith.index_cast %add3A_1263 : i32 to index
      %get3A_1265 = arith.constant 112 : index
      %get3A_1266 = tpu.vector_load %arg26[%get3A_1264, %get3A_1265] {strides = array<i32>} : memref<512x128xf32, #tpu.memory_space<vmem>>, vector<16xf32>,
      %slice3A_1267 = vector.extract_strided_slice %get3A_156 {offsets = [8], sizes = [1], strides = [1]} : vector<16xi32> to vector<1xi32>
      %squeeze3A_1268 = vector.extract %slice3A_1267[0] : i32 from vector<1xi32>
      %get3A_1269 = arith.index_cast %squeeze3A_1268 : i32 to index
      %get3A_1270 = arith.constant 16 : index
      %get3A_1271 = tpu.vector_load %arg23[%get3A_1269, %get3A_1270] {strides = array<i32>} : memref<31x32xf32, #tpu.memory_space<vmem>>, vector<16xf32>,
      %mul3A_1272 = arith.mulf %get3A_1266, %get3A_1271 : vector<16xf32>
      %add3A_1273 = arith.addf %add3A_1225, %mul3A_1272 : vector<16xf32>
      %add3A_1274 = arith.constant 9 : i32
      %add3A_1275 = arith.addi %mul3A_149, %add3A_1274 : i32
      %get3A_1276 = arith.index_cast %add3A_1275 : i32 to index
      %get3A_1277 = arith.constant 112 : index
      %get3A_1278 = tpu.vector_load %arg26[%get3A_1276, %get3A_1277] {strides = array<i32>} : memref<512x128xf32, #tpu.memory_space<vmem>>, vector<16xf32>,
      %slice3A_1279 = vector.extract_strided_slice %get3A_156 {offsets = [9], sizes = [1], strides = [1]} : vector<16xi32> to vector<1xi32>
      %squeeze3A_1280 = vector.extract %slice3A_1279[0] : i32 from vector<1xi32>
      %get3A_1281 = arith.index_cast %squeeze3A_1280 : i32 to index
      %get3A_1282 = arith.constant 16 : index
      %get3A_1283 = tpu.vector_load %arg23[%get3A_1281, %get3A_1282] {strides = array<i32>} : memref<31x32xf32, #tpu.memory_space<vmem>>, vector<16xf32>,
      %mul3A_1284 = arith.mulf %get3A_1278, %get3A_1283 : vector<16xf32>
      %add3A_1285 = arith.addf %add3A_1237, %mul3A_1284 : vector<16xf32>
      %add3A_1286 = arith.constant 10 : i32
      %add3A_1287 = arith.addi %mul3A_149, %add3A_1286 : i32
      %get3A_1288 = arith.index_cast %add3A_1287 : i32 to index
      %get3A_1289 = arith.constant 112 : index
      %get3A_1290 = tpu.vector_load %arg26[%get3A_1288, %get3A_1289] {strides = array<i32>} : memref<512x128xf32, #tpu.memory_space<vmem>>, vector<16xf32>,
      %slice3A_1291 = vector.extract_strided_slice %get3A_156 {offsets = [10], sizes = [1], strides = [1]} : vector<16xi32> to vector<1xi32>
      %squeeze3A_1292 = vector.extract %slice3A_1291[0] : i32 from vector<1xi32>
      %get3A_1293 = arith.index_cast %squeeze3A_1292 : i32 to index
      %get3A_1294 = arith.constant 16 : index
      %get3A_1295 = tpu.vector_load %arg23[%get3A_1293, %get3A_1294] {strides = array<i32>} : memref<31x32xf32, #tpu.memory_space<vmem>>, vector<16xf32>,
      %mul3A_1296 = arith.mulf %get3A_1290, %get3A_1295 : vector<16xf32>
      %add3A_1297 = arith.addf %add3A_1249, %mul3A_1296 : vector<16xf32>
      %add3A_1298 = arith.constant 11 : i32
      %add3A_1299 = arith.addi %mul3A_149, %add3A_1298 : i32
      %get3A_1300 = arith.index_cast %add3A_1299 : i32 to index
      %get3A_1301 = arith.constant 112 : index
      %get3A_1302 = tpu.vector_load %arg26[%get3A_1300, %get3A_1301] {strides = array<i32>} : memref<512x128xf32, #tpu.memory_space<vmem>>, vector<16xf32>,
      %slice3A_1303 = vector.extract_strided_slice %get3A_156 {offsets = [11], sizes = [1], strides = [1]} : vector<16xi32> to vector<1xi32>
      %squeeze3A_1304 = vector.extract %slice3A_1303[0] : i32 from vector<1xi32>
      %get3A_1305 = arith.index_cast %squeeze3A_1304 : i32 to index
      %get3A_1306 = arith.constant 16 : index
      %get3A_1307 = tpu.vector_load %arg23[%get3A_1305, %get3A_1306] {strides = array<i32>} : memref<31x32xf32, #tpu.memory_space<vmem>>, vector<16xf32>,
      %mul3A_1308 = arith.mulf %get3A_1302, %get3A_1307 : vector<16xf32>
      %add3A_1309 = arith.addf %add3A_1261, %mul3A_1308 : vector<16xf32>
      %swap3A_1310 = arith.constant 136 : index
      %swap3A_1311 = tpu.vector_load %arg27[%swap3A_1310] {strides = array<i32>} : memref<272xf32, #tpu.memory_space<vmem>>, vector<16xf32>,
      tpu.vector_store %arg27[%swap3A_1310], %add3A_1273 {strides = array<i32>} : memref<272xf32, #tpu.memory_space<vmem>>, vector<16xf32>,
      %swap3A_1312 = arith.constant 153 : index
      %swap3A_1313 = tpu.vector_load %arg27[%swap3A_1312] {strides = array<i32>} : memref<272xf32, #tpu.memory_space<vmem>>, vector<16xf32>,
      tpu.vector_store %arg27[%swap3A_1312], %add3A_1285 {strides = array<i32>} : memref<272xf32, #tpu.memory_space<vmem>>, vector<16xf32>,
      %swap3A_1314 = arith.constant 170 : index
      %swap3A_1315 = tpu.vector_load %arg27[%swap3A_1314] {strides = array<i32>} : memref<272xf32, #tpu.memory_space<vmem>>, vector<16xf32>,
      tpu.vector_store %arg27[%swap3A_1314], %add3A_1297 {strides = array<i32>} : memref<272xf32, #tpu.memory_space<vmem>>, vector<16xf32>,
      %swap3A_1316 = arith.constant 187 : index
      %swap3A_1317 = tpu.vector_load %arg27[%swap3A_1316] {strides = array<i32>} : memref<272xf32, #tpu.memory_space<vmem>>, vector<16xf32>,
      tpu.vector_store %arg27[%swap3A_1316], %add3A_1309 {strides = array<i32>} : memref<272xf32, #tpu.memory_space<vmem>>, vector<16xf32>,
      %add3A_1318 = arith.constant 12 : i32
      %add3A_1319 = arith.addi %mul3A_149, %add3A_1318 : i32
      %get3A_1320 = arith.index_cast %add3A_1319 : i32 to index
      %get3A_1321 = arith.constant 0 : index
      %get3A_1322 = tpu.vector_load %arg26[%get3A_1320, %get3A_1321] {strides = array<i32>} : memref<512x128xf32, #tpu.memory_space<vmem>>, vector<16xf32>,
      %slice3A_1323 = vector.extract_strided_slice %get3A_150 {offsets = [12], sizes = [1], strides = [1]} : vector<16xi32> to vector<1xi32>
      %squeeze3A_1324 = vector.extract %slice3A_1323[0] : i32 from vector<1xi32>
      %get3A_1325 = arith.index_cast %squeeze3A_1324 : i32 to index
      %get3A_1326 = arith.constant 0 : index
      %get3A_1327 = tpu.vector_load %arg20[%get3A_1325, %get3A_1326] {strides = array<i32>} : memref<7x32xf32, #tpu.memory_space<vmem>>, vector<16xf32>,
      %mul3A_1328 = arith.mulf %get3A_1322, %get3A_1327 : vector<16xf32>
      %add3A_1329 = arith.constant 13 : i32
      %add3A_1330 = arith.addi %mul3A_149, %add3A_1329 : i32
      %get3A_1331 = arith.index_cast %add3A_1330 : i32 to index
      %get3A_1332 = arith.constant 0 : index
      %get3A_1333 = tpu.vector_load %arg26[%get3A_1331, %get3A_1332] {strides = array<i32>} : memref<512x128xf32, #tpu.memory_space<vmem>>, vector<16xf32>,
      %slice3A_1334 = vector.extract_strided_slice %get3A_150 {offsets = [13], sizes = [1], strides = [1]} : vector<16xi32> to vector<1xi32>
      %squeeze3A_1335 = vector.extract %slice3A_1334[0] : i32 from vector<1xi32>
      %get3A_1336 = arith.index_cast %squeeze3A_1335 : i32 to index
      %get3A_1337 = arith.constant 0 : index
      %get3A_1338 = tpu.vector_load %arg20[%get3A_1336, %get3A_1337] {strides = array<i32>} : memref<7x32xf32, #tpu.memory_space<vmem>>, vector<16xf32>,
      %mul3A_1339 = arith.mulf %get3A_1333, %get3A_1338 : vector<16xf32>
      %add3A_1340 = arith.constant 14 : i32
      %add3A_1341 = arith.addi %mul3A_149, %add3A_1340 : i32
      %get3A_1342 = arith.index_cast %add3A_1341 : i32 to index
      %get3A_1343 = arith.constant 0 : index
      %get3A_1344 = tpu.vector_load %arg26[%get3A_1342, %get3A_1343] {strides = array<i32>} : memref<512x128xf32, #tpu.memory_space<vmem>>, vector<16xf32>,
      %slice3A_1345 = vector.extract_strided_slice %get3A_150 {offsets = [14], sizes = [1], strides = [1]} : vector<16xi32> to vector<1xi32>
      %squeeze3A_1346 = vector.extract %slice3A_1345[0] : i32 from vector<1xi32>
      %get3A_1347 = arith.index_cast %squeeze3A_1346 : i32 to index
      %get3A_1348 = arith.constant 0 : index
      %get3A_1349 = tpu.vector_load %arg20[%get3A_1347, %get3A_1348] {strides = array<i32>} : memref<7x32xf32, #tpu.memory_space<vmem>>, vector<16xf32>,
      %mul3A_1350 = arith.mulf %get3A_1344, %get3A_1349 : vector<16xf32>
      %add3A_1351 = arith.constant 15 : i32
      %add3A_1352 = arith.addi %mul3A_149, %add3A_1351 : i32
      %get3A_1353 = arith.index_cast %add3A_1352 : i32 to index
      %get3A_1354 = arith.constant 0 : index
      %get3A_1355 = tpu.vector_load %arg26[%get3A_1353, %get3A_1354] {strides = array<i32>} : memref<512x128xf32, #tpu.memory_space<vmem>>, vector<16xf32>,
      %slice3A_1356 = vector.extract_strided_slice %get3A_150 {offsets = [15], sizes = [1], strides = [1]} : vector<16xi32> to vector<1xi32>
      %squeeze3A_1357 = vector.extract %slice3A_1356[0] : i32 from vector<1xi32>
      %get3A_1358 = arith.index_cast %squeeze3A_1357 : i32 to index
      %get3A_1359 = arith.constant 0 : index
      %get3A_1360 = tpu.vector_load %arg20[%get3A_1358, %get3A_1359] {strides = array<i32>} : memref<7x32xf32, #tpu.memory_space<vmem>>, vector<16xf32>,
      %mul3A_1361 = arith.mulf %get3A_1355, %get3A_1360 : vector<16xf32>
      %add3A_1362 = arith.constant 12 : i32
      %add3A_1363 = arith.addi %mul3A_149, %add3A_1362 : i32
      %get3A_1364 = arith.index_cast %add3A_1363 : i32 to index
      %get3A_1365 = arith.constant 16 : index
      %get3A_1366 = tpu.vector_load %arg26[%get3A_1364, %get3A_1365] {strides = array<i32>} : memref<512x128xf32, #tpu.memory_space<vmem>>, vector<16xf32>,
      %slice3A_1367 = vector.extract_strided_slice %get3A_150 {offsets = [12], sizes = [1], strides = [1]} : vector<16xi32> to vector<1xi32>
      %squeeze3A_1368 = vector.extract %slice3A_1367[0] : i32 from vector<1xi32>
      %get3A_1369 = arith.index_cast %squeeze3A_1368 : i32 to index
      %get3A_1370 = arith.constant 16 : index
      %get3A_1371 = tpu.vector_load %arg20[%get3A_1369, %get3A_1370] {strides = array<i32>} : memref<7x32xf32, #tpu.memory_space<vmem>>, vector<16xf32>,
      %mul3A_1372 = arith.mulf %get3A_1366, %get3A_1371 : vector<16xf32>
      %add3A_1373 = arith.addf %mul3A_1328, %mul3A_1372 : vector<16xf32>
      %add3A_1374 = arith.constant 13 : i32
      %add3A_1375 = arith.addi %mul3A_149, %add3A_1374 : i32
      %get3A_1376 = arith.index_cast %add3A_1375 : i32 to index
      %get3A_1377 = arith.constant 16 : index
      %get3A_1378 = tpu.vector_load %arg26[%get3A_1376, %get3A_1377] {strides = array<i32>} : memref<512x128xf32, #tpu.memory_space<vmem>>, vector<16xf32>,
      %slice3A_1379 = vector.extract_strided_slice %get3A_150 {offsets = [13], sizes = [1], strides = [1]} : vector<16xi32> to vector<1xi32>
      %squeeze3A_1380 = vector.extract %slice3A_1379[0] : i32 from vector<1xi32>
      %get3A_1381 = arith.index_cast %squeeze3A_1380 : i32 to index
      %get3A_1382 = arith.constant 16 : index
      %get3A_1383 = tpu.vector_load %arg20[%get3A_1381, %get3A_1382] {strides = array<i32>} : memref<7x32xf32, #tpu.memory_space<vmem>>, vector<16xf32>,
      %mul3A_1384 = arith.mulf %get3A_1378, %get3A_1383 : vector<16xf32>
      %add3A_1385 = arith.addf %mul3A_1339, %mul3A_1384 : vector<16xf32>
      %add3A_1386 = arith.constant 14 : i32
      %add3A_1387 = arith.addi %mul3A_149, %add3A_1386 : i32
      %get3A_1388 = arith.index_cast %add3A_1387 : i32 to index
      %get3A_1389 = arith.constant 16 : index
      %get3A_1390 = tpu.vector_load %arg26[%get3A_1388, %get3A_1389] {strides = array<i32>} : memref<512x128xf32, #tpu.memory_space<vmem>>, vector<16xf32>,
      %slice3A_1391 = vector.extract_strided_slice %get3A_150 {offsets = [14], sizes = [1], strides = [1]} : vector<16xi32> to vector<1xi32>
      %squeeze3A_1392 = vector.extract %slice3A_1391[0] : i32 from vector<1xi32>
      %get3A_1393 = arith.index_cast %squeeze3A_1392 : i32 to index
      %get3A_1394 = arith.constant 16 : index
      %get3A_1395 = tpu.vector_load %arg20[%get3A_1393, %get3A_1394] {strides = array<i32>} : memref<7x32xf32, #tpu.memory_space<vmem>>, vector<16xf32>,
      %mul3A_1396 = arith.mulf %get3A_1390, %get3A_1395 : vector<16xf32>
      %add3A_1397 = arith.addf %mul3A_1350, %mul3A_1396 : vector<16xf32>
      %add3A_1398 = arith.constant 15 : i32
      %add3A_1399 = arith.addi %mul3A_149, %add3A_1398 : i32
      %get3A_1400 = arith.index_cast %add3A_1399 : i32 to index
      %get3A_1401 = arith.constant 16 : index
      %get3A_1402 = tpu.vector_load %arg26[%get3A_1400, %get3A_1401] {strides = array<i32>} : memref<512x128xf32, #tpu.memory_space<vmem>>, vector<16xf32>,
      %slice3A_1403 = vector.extract_strided_slice %get3A_150 {offsets = [15], sizes = [1], strides = [1]} : vector<16xi32> to vector<1xi32>
      %squeeze3A_1404 = vector.extract %slice3A_1403[0] : i32 from vector<1xi32>
      %get3A_1405 = arith.index_cast %squeeze3A_1404 : i32 to index
      %get3A_1406 = arith.constant 16 : index
      %get3A_1407 = tpu.vector_load %arg20[%get3A_1405, %get3A_1406] {strides = array<i32>} : memref<7x32xf32, #tpu.memory_space<vmem>>, vector<16xf32>,
      %mul3A_1408 = arith.mulf %get3A_1402, %get3A_1407 : vector<16xf32>
      %add3A_1409 = arith.addf %mul3A_1361, %mul3A_1408 : vector<16xf32>
      %add3A_1410 = arith.constant 12 : i32
      %add3A_1411 = arith.addi %mul3A_149, %add3A_1410 : i32
      %get3A_1412 = arith.index_cast %add3A_1411 : i32 to index
      %get3A_1413 = arith.constant 32 : index
      %get3A_1414 = tpu.vector_load %arg26[%get3A_1412, %get3A_1413] {strides = array<i32>} : memref<512x128xf32, #tpu.memory_space<vmem>>, vector<16xf32>,
      %slice3A_1415 = vector.extract_strided_slice %get3A_152 {offsets = [12], sizes = [1], strides = [1]} : vector<16xi32> to vector<1xi32>
      %squeeze3A_1416 = vector.extract %slice3A_1415[0] : i32 from vector<1xi32>
      %get3A_1417 = arith.index_cast %squeeze3A_1416 : i32 to index
      %get3A_1418 = arith.constant 0 : index
      %get3A_1419 = tpu.vector_load %arg21[%get3A_1417, %get3A_1418] {strides = array<i32>} : memref<24x32xf32, #tpu.memory_space<vmem>>, vector<16xf32>,
      %mul3A_1420 = arith.mulf %get3A_1414, %get3A_1419 : vector<16xf32>
      %add3A_1421 = arith.addf %add3A_1373, %mul3A_1420 : vector<16xf32>
      %add3A_1422 = arith.constant 13 : i32
      %add3A_1423 = arith.addi %mul3A_149, %add3A_1422 : i32
      %get3A_1424 = arith.index_cast %add3A_1423 : i32 to index
      %get3A_1425 = arith.constant 32 : index
      %get3A_1426 = tpu.vector_load %arg26[%get3A_1424, %get3A_1425] {strides = array<i32>} : memref<512x128xf32, #tpu.memory_space<vmem>>, vector<16xf32>,
      %slice3A_1427 = vector.extract_strided_slice %get3A_152 {offsets = [13], sizes = [1], strides = [1]} : vector<16xi32> to vector<1xi32>
      %squeeze3A_1428 = vector.extract %slice3A_1427[0] : i32 from vector<1xi32>
      %get3A_1429 = arith.index_cast %squeeze3A_1428 : i32 to index
      %get3A_1430 = arith.constant 0 : index
      %get3A_1431 = tpu.vector_load %arg21[%get3A_1429, %get3A_1430] {strides = array<i32>} : memref<24x32xf32, #tpu.memory_space<vmem>>, vector<16xf32>,
      %mul3A_1432 = arith.mulf %get3A_1426, %get3A_1431 : vector<16xf32>
      %add3A_1433 = arith.addf %add3A_1385, %mul3A_1432 : vector<16xf32>
      %add3A_1434 = arith.constant 14 : i32
      %add3A_1435 = arith.addi %mul3A_149, %add3A_1434 : i32
      %get3A_1436 = arith.index_cast %add3A_1435 : i32 to index
      %get3A_1437 = arith.constant 32 : index
      %get3A_1438 = tpu.vector_load %arg26[%get3A_1436, %get3A_1437] {strides = array<i32>} : memref<512x128xf32, #tpu.memory_space<vmem>>, vector<16xf32>,
      %slice3A_1439 = vector.extract_strided_slice %get3A_152 {offsets = [14], sizes = [1], strides = [1]} : vector<16xi32> to vector<1xi32>
      %squeeze3A_1440 = vector.extract %slice3A_1439[0] : i32 from vector<1xi32>
      %get3A_1441 = arith.index_cast %squeeze3A_1440 : i32 to index
      %get3A_1442 = arith.constant 0 : index
      %get3A_1443 = tpu.vector_load %arg21[%get3A_1441, %get3A_1442] {strides = array<i32>} : memref<24x32xf32, #tpu.memory_space<vmem>>, vector<16xf32>,
      %mul3A_1444 = arith.mulf %get3A_1438, %get3A_1443 : vector<16xf32>
      %add3A_1445 = arith.addf %add3A_1397, %mul3A_1444 : vector<16xf32>
      %add3A_1446 = arith.constant 15 : i32
      %add3A_1447 = arith.addi %mul3A_149, %add3A_1446 : i32
      %get3A_1448 = arith.index_cast %add3A_1447 : i32 to index
      %get3A_1449 = arith.constant 32 : index
      %get3A_1450 = tpu.vector_load %arg26[%get3A_1448, %get3A_1449] {strides = array<i32>} : memref<512x128xf32, #tpu.memory_space<vmem>>, vector<16xf32>,
      %slice3A_1451 = vector.extract_strided_slice %get3A_152 {offsets = [15], sizes = [1], strides = [1]} : vector<16xi32> to vector<1xi32>
      %squeeze3A_1452 = vector.extract %slice3A_1451[0] : i32 from vector<1xi32>
      %get3A_1453 = arith.index_cast %squeeze3A_1452 : i32 to index
      %get3A_1454 = arith.constant 0 : index
      %get3A_1455 = tpu.vector_load %arg21[%get3A_1453, %get3A_1454] {strides = array<i32>} : memref<24x32xf32, #tpu.memory_space<vmem>>, vector<16xf32>,
      %mul3A_1456 = arith.mulf %get3A_1450, %get3A_1455 : vector<16xf32>
      %add3A_1457 = arith.addf %add3A_1409, %mul3A_1456 : vector<16xf32>
      %add3A_1458 = arith.constant 12 : i32
      %add3A_1459 = arith.addi %mul3A_149, %add3A_1458 : i32
      %get3A_1460 = arith.index_cast %add3A_1459 : i32 to index
      %get3A_1461 = arith.constant 48 : index
      %get3A_1462 = tpu.vector_load %arg26[%get3A_1460, %get3A_1461] {strides = array<i32>} : memref<512x128xf32, #tpu.memory_space<vmem>>, vector<16xf32>,
      %slice3A_1463 = vector.extract_strided_slice %get3A_152 {offsets = [12], sizes = [1], strides = [1]} : vector<16xi32> to vector<1xi32>
      %squeeze3A_1464 = vector.extract %slice3A_1463[0] : i32 from vector<1xi32>
      %get3A_1465 = arith.index_cast %squeeze3A_1464 : i32 to index
      %get3A_1466 = arith.constant 16 : index
      %get3A_1467 = tpu.vector_load %arg21[%get3A_1465, %get3A_1466] {strides = array<i32>} : memref<24x32xf32, #tpu.memory_space<vmem>>, vector<16xf32>,
      %mul3A_1468 = arith.mulf %get3A_1462, %get3A_1467 : vector<16xf32>
      %add3A_1469 = arith.addf %add3A_1421, %mul3A_1468 : vector<16xf32>
      %add3A_1470 = arith.constant 13 : i32
      %add3A_1471 = arith.addi %mul3A_149, %add3A_1470 : i32
      %get3A_1472 = arith.index_cast %add3A_1471 : i32 to index
      %get3A_1473 = arith.constant 48 : index
      %get3A_1474 = tpu.vector_load %arg26[%get3A_1472, %get3A_1473] {strides = array<i32>} : memref<512x128xf32, #tpu.memory_space<vmem>>, vector<16xf32>,
      %slice3A_1475 = vector.extract_strided_slice %get3A_152 {offsets = [13], sizes = [1], strides = [1]} : vector<16xi32> to vector<1xi32>
      %squeeze3A_1476 = vector.extract %slice3A_1475[0] : i32 from vector<1xi32>
      %get3A_1477 = arith.index_cast %squeeze3A_1476 : i32 to index
      %get3A_1478 = arith.constant 16 : index
      %get3A_1479 = tpu.vector_load %arg21[%get3A_1477, %get3A_1478] {strides = array<i32>} : memref<24x32xf32, #tpu.memory_space<vmem>>, vector<16xf32>,
      %mul3A_1480 = arith.mulf %get3A_1474, %get3A_1479 : vector<16xf32>
      %add3A_1481 = arith.addf %add3A_1433, %mul3A_1480 : vector<16xf32>
      %add3A_1482 = arith.constant 14 : i32
      %add3A_1483 = arith.addi %mul3A_149, %add3A_1482 : i32
      %get3A_1484 = arith.index_cast %add3A_1483 : i32 to index
      %get3A_1485 = arith.constant 48 : index
      %get3A_1486 = tpu.vector_load %arg26[%get3A_1484, %get3A_1485] {strides = array<i32>} : memref<512x128xf32, #tpu.memory_space<vmem>>, vector<16xf32>,
      %slice3A_1487 = vector.extract_strided_slice %get3A_152 {offsets = [14], sizes = [1], strides = [1]} : vector<16xi32> to vector<1xi32>
      %squeeze3A_1488 = vector.extract %slice3A_1487[0] : i32 from vector<1xi32>
      %get3A_1489 = arith.index_cast %squeeze3A_1488 : i32 to index
      %get3A_1490 = arith.constant 16 : index
      %get3A_1491 = tpu.vector_load %arg21[%get3A_1489, %get3A_1490] {strides = array<i32>} : memref<24x32xf32, #tpu.memory_space<vmem>>, vector<16xf32>,
      %mul3A_1492 = arith.mulf %get3A_1486, %get3A_1491 : vector<16xf32>
      %add3A_1493 = arith.addf %add3A_1445, %mul3A_1492 : vector<16xf32>
      %add3A_1494 = arith.constant 15 : i32
      %add3A_1495 = arith.addi %mul3A_149, %add3A_1494 : i32
      %get3A_1496 = arith.index_cast %add3A_1495 : i32 to index
      %get3A_1497 = arith.constant 48 : index
      %get3A_1498 = tpu.vector_load %arg26[%get3A_1496, %get3A_1497] {strides = array<i32>} : memref<512x128xf32, #tpu.memory_space<vmem>>, vector<16xf32>,
      %slice3A_1499 = vector.extract_strided_slice %get3A_152 {offsets = [15], sizes = [1], strides = [1]} : vector<16xi32> to vector<1xi32>
      %squeeze3A_1500 = vector.extract %slice3A_1499[0] : i32 from vector<1xi32>
      %get3A_1501 = arith.index_cast %squeeze3A_1500 : i32 to index
      %get3A_1502 = arith.constant 16 : index
      %get3A_1503 = tpu.vector_load %arg21[%get3A_1501, %get3A_1502] {strides = array<i32>} : memref<24x32xf32, #tpu.memory_space<vmem>>, vector<16xf32>,
      %mul3A_1504 = arith.mulf %get3A_1498, %get3A_1503 : vector<16xf32>
      %add3A_1505 = arith.addf %add3A_1457, %mul3A_1504 : vector<16xf32>
      %add3A_1506 = arith.constant 12 : i32
      %add3A_1507 = arith.addi %mul3A_149, %add3A_1506 : i32
      %get3A_1508 = arith.index_cast %add3A_1507 : i32 to index
      %get3A_1509 = arith.constant 64 : index
      %get3A_1510 = tpu.vector_load %arg26[%get3A_1508, %get3A_1509] {strides = array<i32>} : memref<512x128xf32, #tpu.memory_space<vmem>>, vector<16xf32>,
      %slice3A_1511 = vector.extract_strided_slice %get3A_154 {offsets = [12], sizes = [1], strides = [1]} : vector<16xi32> to vector<1xi32>
      %squeeze3A_1512 = vector.extract %slice3A_1511[0] : i32 from vector<1xi32>
      %get3A_1513 = arith.index_cast %squeeze3A_1512 : i32 to index
      %get3A_1514 = arith.constant 0 : index
      %get3A_1515 = tpu.vector_load %arg22[%get3A_1513, %get3A_1514] {strides = array<i32>} : memref<12x32xf32, #tpu.memory_space<vmem>>, vector<16xf32>,
      %mul3A_1516 = arith.mulf %get3A_1510, %get3A_1515 : vector<16xf32>
      %add3A_1517 = arith.addf %add3A_1469, %mul3A_1516 : vector<16xf32>
      %add3A_1518 = arith.constant 13 : i32
      %add3A_1519 = arith.addi %mul3A_149, %add3A_1518 : i32
      %get3A_1520 = arith.index_cast %add3A_1519 : i32 to index
      %get3A_1521 = arith.constant 64 : index
      %get3A_1522 = tpu.vector_load %arg26[%get3A_1520, %get3A_1521] {strides = array<i32>} : memref<512x128xf32, #tpu.memory_space<vmem>>, vector<16xf32>,
      %slice3A_1523 = vector.extract_strided_slice %get3A_154 {offsets = [13], sizes = [1], strides = [1]} : vector<16xi32> to vector<1xi32>
      %squeeze3A_1524 = vector.extract %slice3A_1523[0] : i32 from vector<1xi32>
      %get3A_1525 = arith.index_cast %squeeze3A_1524 : i32 to index
      %get3A_1526 = arith.constant 0 : index
      %get3A_1527 = tpu.vector_load %arg22[%get3A_1525, %get3A_1526] {strides = array<i32>} : memref<12x32xf32, #tpu.memory_space<vmem>>, vector<16xf32>,
      %mul3A_1528 = arith.mulf %get3A_1522, %get3A_1527 : vector<16xf32>
      %add3A_1529 = arith.addf %add3A_1481, %mul3A_1528 : vector<16xf32>
      %add3A_1530 = arith.constant 14 : i32
      %add3A_1531 = arith.addi %mul3A_149, %add3A_1530 : i32
      %get3A_1532 = arith.index_cast %add3A_1531 : i32 to index
      %get3A_1533 = arith.constant 64 : index
      %get3A_1534 = tpu.vector_load %arg26[%get3A_1532, %get3A_1533] {strides = array<i32>} : memref<512x128xf32, #tpu.memory_space<vmem>>, vector<16xf32>,
      %slice3A_1535 = vector.extract_strided_slice %get3A_154 {offsets = [14], sizes = [1], strides = [1]} : vector<16xi32> to vector<1xi32>
      %squeeze3A_1536 = vector.extract %slice3A_1535[0] : i32 from vector<1xi32>
      %get3A_1537 = arith.index_cast %squeeze3A_1536 : i32 to index
      %get3A_1538 = arith.constant 0 : index
      %get3A_1539 = tpu.vector_load %arg22[%get3A_1537, %get3A_1538] {strides = array<i32>} : memref<12x32xf32, #tpu.memory_space<vmem>>, vector<16xf32>,
      %mul3A_1540 = arith.mulf %get3A_1534, %get3A_1539 : vector<16xf32>
      %add3A_1541 = arith.addf %add3A_1493, %mul3A_1540 : vector<16xf32>
      %add3A_1542 = arith.constant 15 : i32
      %add3A_1543 = arith.addi %mul3A_149, %add3A_1542 : i32
      %get3A_1544 = arith.index_cast %add3A_1543 : i32 to index
      %get3A_1545 = arith.constant 64 : index
      %get3A_1546 = tpu.vector_load %arg26[%get3A_1544, %get3A_1545] {strides = array<i32>} : memref<512x128xf32, #tpu.memory_space<vmem>>, vector<16xf32>,
      %slice3A_1547 = vector.extract_strided_slice %get3A_154 {offsets = [15], sizes = [1], strides = [1]} : vector<16xi32> to vector<1xi32>
      %squeeze3A_1548 = vector.extract %slice3A_1547[0] : i32 from vector<1xi32>
      %get3A_1549 = arith.index_cast %squeeze3A_1548 : i32 to index
      %get3A_1550 = arith.constant 0 : index
      %get3A_1551 = tpu.vector_load %arg22[%get3A_1549, %get3A_1550] {strides = array<i32>} : memref<12x32xf32, #tpu.memory_space<vmem>>, vector<16xf32>,
      %mul3A_1552 = arith.mulf %get3A_1546, %get3A_1551 : vector<16xf32>
      %add3A_1553 = arith.addf %add3A_1505, %mul3A_1552 : vector<16xf32>
      %add3A_1554 = arith.constant 12 : i32
      %add3A_1555 = arith.addi %mul3A_149, %add3A_1554 : i32
      %get3A_1556 = arith.index_cast %add3A_1555 : i32 to index
      %get3A_1557 = arith.constant 80 : index
      %get3A_1558 = tpu.vector_load %arg26[%get3A_1556, %get3A_1557] {strides = array<i32>} : memref<512x128xf32, #tpu.memory_space<vmem>>, vector<16xf32>,
      %slice3A_1559 = vector.extract_strided_slice %get3A_154 {offsets = [12], sizes = [1], strides = [1]} : vector<16xi32> to vector<1xi32>
      %squeeze3A_1560 = vector.extract %slice3A_1559[0] : i32 from vector<1xi32>
      %get3A_1561 = arith.index_cast %squeeze3A_1560 : i32 to index
      %get3A_1562 = arith.constant 16 : index
      %get3A_1563 = tpu.vector_load %arg22[%get3A_1561, %get3A_1562] {strides = array<i32>} : memref<12x32xf32, #tpu.memory_space<vmem>>, vector<16xf32>,
      %mul3A_1564 = arith.mulf %get3A_1558, %get3A_1563 : vector<16xf32>
      %add3A_1565 = arith.addf %add3A_1517, %mul3A_1564 : vector<16xf32>
      %add3A_1566 = arith.constant 13 : i32
      %add3A_1567 = arith.addi %mul3A_149, %add3A_1566 : i32
      %get3A_1568 = arith.index_cast %add3A_1567 : i32 to index
      %get3A_1569 = arith.constant 80 : index
      %get3A_1570 = tpu.vector_load %arg26[%get3A_1568, %get3A_1569] {strides = array<i32>} : memref<512x128xf32, #tpu.memory_space<vmem>>, vector<16xf32>,
      %slice3A_1571 = vector.extract_strided_slice %get3A_154 {offsets = [13], sizes = [1], strides = [1]} : vector<16xi32> to vector<1xi32>
      %squeeze3A_1572 = vector.extract %slice3A_1571[0] : i32 from vector<1xi32>
      %get3A_1573 = arith.index_cast %squeeze3A_1572 : i32 to index
      %get3A_1574 = arith.constant 16 : index
      %get3A_1575 = tpu.vector_load %arg22[%get3A_1573, %get3A_1574] {strides = array<i32>} : memref<12x32xf32, #tpu.memory_space<vmem>>, vector<16xf32>,
      %mul3A_1576 = arith.mulf %get3A_1570, %get3A_1575 : vector<16xf32>
      %add3A_1577 = arith.addf %add3A_1529, %mul3A_1576 : vector<16xf32>
      %add3A_1578 = arith.constant 14 : i32
      %add3A_1579 = arith.addi %mul3A_149, %add3A_1578 : i32
      %get3A_1580 = arith.index_cast %add3A_1579 : i32 to index
      %get3A_1581 = arith.constant 80 : index
      %get3A_1582 = tpu.vector_load %arg26[%get3A_1580, %get3A_1581] {strides = array<i32>} : memref<512x128xf32, #tpu.memory_space<vmem>>, vector<16xf32>,
      %slice3A_1583 = vector.extract_strided_slice %get3A_154 {offsets = [14], sizes = [1], strides = [1]} : vector<16xi32> to vector<1xi32>
      %squeeze3A_1584 = vector.extract %slice3A_1583[0] : i32 from vector<1xi32>
      %get3A_1585 = arith.index_cast %squeeze3A_1584 : i32 to index
      %get3A_1586 = arith.constant 16 : index
      %get3A_1587 = tpu.vector_load %arg22[%get3A_1585, %get3A_1586] {strides = array<i32>} : memref<12x32xf32, #tpu.memory_space<vmem>>, vector<16xf32>,
      %mul3A_1588 = arith.mulf %get3A_1582, %get3A_1587 : vector<16xf32>
      %add3A_1589 = arith.addf %add3A_1541, %mul3A_1588 : vector<16xf32>
      %add3A_1590 = arith.constant 15 : i32
      %add3A_1591 = arith.addi %mul3A_149, %add3A_1590 : i32
      %get3A_1592 = arith.index_cast %add3A_1591 : i32 to index
      %get3A_1593 = arith.constant 80 : index
      %get3A_1594 = tpu.vector_load %arg26[%get3A_1592, %get3A_1593] {strides = array<i32>} : memref<512x128xf32, #tpu.memory_space<vmem>>, vector<16xf32>,
      %slice3A_1595 = vector.extract_strided_slice %get3A_154 {offsets = [15], sizes = [1], strides = [1]} : vector<16xi32> to vector<1xi32>
      %squeeze3A_1596 = vector.extract %slice3A_1595[0] : i32 from vector<1xi32>
      %get3A_1597 = arith.index_cast %squeeze3A_1596 : i32 to index
      %get3A_1598 = arith.constant 16 : index
      %get3A_1599 = tpu.vector_load %arg22[%get3A_1597, %get3A_1598] {strides = array<i32>} : memref<12x32xf32, #tpu.memory_space<vmem>>, vector<16xf32>,
      %mul3A_1600 = arith.mulf %get3A_1594, %get3A_1599 : vector<16xf32>
      %add3A_1601 = arith.addf %add3A_1553, %mul3A_1600 : vector<16xf32>
      %add3A_1602 = arith.constant 12 : i32
      %add3A_1603 = arith.addi %mul3A_149, %add3A_1602 : i32
      %get3A_1604 = arith.index_cast %add3A_1603 : i32 to index
      %get3A_1605 = arith.constant 96 : index
      %get3A_1606 = tpu.vector_load %arg26[%get3A_1604, %get3A_1605] {strides = array<i32>} : memref<512x128xf32, #tpu.memory_space<vmem>>, vector<16xf32>,
      %slice3A_1607 = vector.extract_strided_slice %get3A_156 {offsets = [12], sizes = [1], strides = [1]} : vector<16xi32> to vector<1xi32>
      %squeeze3A_1608 = vector.extract %slice3A_1607[0] : i32 from vector<1xi32>
      %get3A_1609 = arith.index_cast %squeeze3A_1608 : i32 to index
      %get3A_1610 = arith.constant 0 : index
      %get3A_1611 = tpu.vector_load %arg23[%get3A_1609, %get3A_1610] {strides = array<i32>} : memref<31x32xf32, #tpu.memory_space<vmem>>, vector<16xf32>,
      %mul3A_1612 = arith.mulf %get3A_1606, %get3A_1611 : vector<16xf32>
      %add3A_1613 = arith.addf %add3A_1565, %mul3A_1612 : vector<16xf32>
      %add3A_1614 = arith.constant 13 : i32
      %add3A_1615 = arith.addi %mul3A_149, %add3A_1614 : i32
      %get3A_1616 = arith.index_cast %add3A_1615 : i32 to index
      %get3A_1617 = arith.constant 96 : index
      %get3A_1618 = tpu.vector_load %arg26[%get3A_1616, %get3A_1617] {strides = array<i32>} : memref<512x128xf32, #tpu.memory_space<vmem>>, vector<16xf32>,
      %slice3A_1619 = vector.extract_strided_slice %get3A_156 {offsets = [13], sizes = [1], strides = [1]} : vector<16xi32> to vector<1xi32>
      %squeeze3A_1620 = vector.extract %slice3A_1619[0] : i32 from vector<1xi32>
      %get3A_1621 = arith.index_cast %squeeze3A_1620 : i32 to index
      %get3A_1622 = arith.constant 0 : index
      %get3A_1623 = tpu.vector_load %arg23[%get3A_1621, %get3A_1622] {strides = array<i32>} : memref<31x32xf32, #tpu.memory_space<vmem>>, vector<16xf32>,
      %mul3A_1624 = arith.mulf %get3A_1618, %get3A_1623 : vector<16xf32>
      %add3A_1625 = arith.addf %add3A_1577, %mul3A_1624 : vector<16xf32>
      %add3A_1626 = arith.constant 14 : i32
      %add3A_1627 = arith.addi %mul3A_149, %add3A_1626 : i32
      %get3A_1628 = arith.index_cast %add3A_1627 : i32 to index
      %get3A_1629 = arith.constant 96 : index
      %get3A_1630 = tpu.vector_load %arg26[%get3A_1628, %get3A_1629] {strides = array<i32>} : memref<512x128xf32, #tpu.memory_space<vmem>>, vector<16xf32>,
      %slice3A_1631 = vector.extract_strided_slice %get3A_156 {offsets = [14], sizes = [1], strides = [1]} : vector<16xi32> to vector<1xi32>
      %squeeze3A_1632 = vector.extract %slice3A_1631[0] : i32 from vector<1xi32>
      %get3A_1633 = arith.index_cast %squeeze3A_1632 : i32 to index
      %get3A_1634 = arith.constant 0 : index
      %get3A_1635 = tpu.vector_load %arg23[%get3A_1633, %get3A_1634] {strides = array<i32>} : memref<31x32xf32, #tpu.memory_space<vmem>>, vector<16xf32>,
      %mul3A_1636 = arith.mulf %get3A_1630, %get3A_1635 : vector<16xf32>
      %add3A_1637 = arith.addf %add3A_1589, %mul3A_1636 : vector<16xf32>
      %add3A_1638 = arith.constant 15 : i32
      %add3A_1639 = arith.addi %mul3A_149, %add3A_1638 : i32
      %get3A_1640 = arith.index_cast %add3A_1639 : i32 to index
      %get3A_1641 = arith.constant 96 : index
      %get3A_1642 = tpu.vector_load %arg26[%get3A_1640, %get3A_1641] {strides = array<i32>} : memref<512x128xf32, #tpu.memory_space<vmem>>, vector<16xf32>,
      %slice3A_1643 = vector.extract_strided_slice %get3A_156 {offsets = [15], sizes = [1], strides = [1]} : vector<16xi32> to vector<1xi32>
      %squeeze3A_1644 = vector.extract %slice3A_1643[0] : i32 from vector<1xi32>
      %get3A_1645 = arith.index_cast %squeeze3A_1644 : i32 to index
      %get3A_1646 = arith.constant 0 : index
      %get3A_1647 = tpu.vector_load %arg23[%get3A_1645, %get3A_1646] {strides = array<i32>} : memref<31x32xf32, #tpu.memory_space<vmem>>, vector<16xf32>,
      %mul3A_1648 = arith.mulf %get3A_1642, %get3A_1647 : vector<16xf32>
      %add3A_1649 = arith.addf %add3A_1601, %mul3A_1648 : vector<16xf32>
      %add3A_1650 = arith.constant 12 : i32
      %add3A_1651 = arith.addi %mul3A_149, %add3A_1650 : i32
      %get3A_1652 = arith.index_cast %add3A_1651 : i32 to index
      %get3A_1653 = arith.constant 112 : index
      %get3A_1654 = tpu.vector_load %arg26[%get3A_1652, %get3A_1653] {strides = array<i32>} : memref<512x128xf32, #tpu.memory_space<vmem>>, vector<16xf32>,
      %slice3A_1655 = vector.extract_strided_slice %get3A_156 {offsets = [12], sizes = [1], strides = [1]} : vector<16xi32> to vector<1xi32>
      %squeeze3A_1656 = vector.extract %slice3A_1655[0] : i32 from vector<1xi32>
      %get3A_1657 = arith.index_cast %squeeze3A_1656 : i32 to index
      %get3A_1658 = arith.constant 16 : index
      %get3A_1659 = tpu.vector_load %arg23[%get3A_1657, %get3A_1658] {strides = array<i32>} : memref<31x32xf32, #tpu.memory_space<vmem>>, vector<16xf32>,
      %mul3A_1660 = arith.mulf %get3A_1654, %get3A_1659 : vector<16xf32>
      %add3A_1661 = arith.addf %add3A_1613, %mul3A_1660 : vector<16xf32>
      %add3A_1662 = arith.constant 13 : i32
      %add3A_1663 = arith.addi %mul3A_149, %add3A_1662 : i32
      %get3A_1664 = arith.index_cast %add3A_1663 : i32 to index
      %get3A_1665 = arith.constant 112 : index
      %get3A_1666 = tpu.vector_load %arg26[%get3A_1664, %get3A_1665] {strides = array<i32>} : memref<512x128xf32, #tpu.memory_space<vmem>>, vector<16xf32>,
      %slice3A_1667 = vector.extract_strided_slice %get3A_156 {offsets = [13], sizes = [1], strides = [1]} : vector<16xi32> to vector<1xi32>
      %squeeze3A_1668 = vector.extract %slice3A_1667[0] : i32 from vector<1xi32>
      %get3A_1669 = arith.index_cast %squeeze3A_1668 : i32 to index
      %get3A_1670 = arith.constant 16 : index
      %get3A_1671 = tpu.vector_load %arg23[%get3A_1669, %get3A_1670] {strides = array<i32>} : memref<31x32xf32, #tpu.memory_space<vmem>>, vector<16xf32>,
      %mul3A_1672 = arith.mulf %get3A_1666, %get3A_1671 : vector<16xf32>
      %add3A_1673 = arith.addf %add3A_1625, %mul3A_1672 : vector<16xf32>
      %add3A_1674 = arith.constant 14 : i32
      %add3A_1675 = arith.addi %mul3A_149, %add3A_1674 : i32
      %get3A_1676 = arith.index_cast %add3A_1675 : i32 to index
      %get3A_1677 = arith.constant 112 : index
      %get3A_1678 = tpu.vector_load %arg26[%get3A_1676, %get3A_1677] {strides = array<i32>} : memref<512x128xf32, #tpu.memory_space<vmem>>, vector<16xf32>,
      %slice3A_1679 = vector.extract_strided_slice %get3A_156 {offsets = [14], sizes = [1], strides = [1]} : vector<16xi32> to vector<1xi32>
      %squeeze3A_1680 = vector.extract %slice3A_1679[0] : i32 from vector<1xi32>
      %get3A_1681 = arith.index_cast %squeeze3A_1680 : i32 to index
      %get3A_1682 = arith.constant 16 : index
      %get3A_1683 = tpu.vector_load %arg23[%get3A_1681, %get3A_1682] {strides = array<i32>} : memref<31x32xf32, #tpu.memory_space<vmem>>, vector<16xf32>,
      %mul3A_1684 = arith.mulf %get3A_1678, %get3A_1683 : vector<16xf32>
      %add3A_1685 = arith.addf %add3A_1637, %mul3A_1684 : vector<16xf32>
      %add3A_1686 = arith.constant 15 : i32
      %add3A_1687 = arith.addi %mul3A_149, %add3A_1686 : i32
      %get3A_1688 = arith.index_cast %add3A_1687 : i32 to index
      %get3A_1689 = arith.constant 112 : index
      %get3A_1690 = tpu.vector_load %arg26[%get3A_1688, %get3A_1689] {strides = array<i32>} : memref<512x128xf32, #tpu.memory_space<vmem>>, vector<16xf32>,
      %slice3A_1691 = vector.extract_strided_slice %get3A_156 {offsets = [15], sizes = [1], strides = [1]} : vector<16xi32> to vector<1xi32>
      %squeeze3A_1692 = vector.extract %slice3A_1691[0] : i32 from vector<1xi32>
      %get3A_1693 = arith.index_cast %squeeze3A_1692 : i32 to index
      %get3A_1694 = arith.constant 16 : index
      %get3A_1695 = tpu.vector_load %arg23[%get3A_1693, %get3A_1694] {strides = array<i32>} : memref<31x32xf32, #tpu.memory_space<vmem>>, vector<16xf32>,
      %mul3A_1696 = arith.mulf %get3A_1690, %get3A_1695 : vector<16xf32>
      %add3A_1697 = arith.addf %add3A_1649, %mul3A_1696 : vector<16xf32>
      %swap3A_1698 = arith.constant 204 : index
      %swap3A_1699 = tpu.vector_load %arg27[%swap3A_1698] {strides = array<i32>} : memref<272xf32, #tpu.memory_space<vmem>>, vector<16xf32>,
      tpu.vector_store %arg27[%swap3A_1698], %add3A_1661 {strides = array<i32>} : memref<272xf32, #tpu.memory_space<vmem>>, vector<16xf32>,
      %swap3A_1700 = arith.constant 221 : index
      %swap3A_1701 = tpu.vector_load %arg27[%swap3A_1700] {strides = array<i32>} : memref<272xf32, #tpu.memory_space<vmem>>, vector<16xf32>,
      tpu.vector_store %arg27[%swap3A_1700], %add3A_1673 {strides = array<i32>} : memref<272xf32, #tpu.memory_space<vmem>>, vector<16xf32>,
      %swap3A_1702 = arith.constant 238 : index
      %swap3A_1703 = tpu.vector_load %arg27[%swap3A_1702] {strides = array<i32>} : memref<272xf32, #tpu.memory_space<vmem>>, vector<16xf32>,
      tpu.vector_store %arg27[%swap3A_1702], %add3A_1685 {strides = array<i32>} : memref<272xf32, #tpu.memory_space<vmem>>, vector<16xf32>,
      %swap3A_1704 = arith.constant 255 : index
      %swap3A_1705 = tpu.vector_load %arg27[%swap3A_1704] {strides = array<i32>} : memref<272xf32, #tpu.memory_space<vmem>>, vector<16xf32>,
      tpu.vector_store %arg27[%swap3A_1704], %add3A_1697 {strides = array<i32>} : memref<272xf32, #tpu.memory_space<vmem>>, vector<16xf32>,
      %add3A_1706 = arith.constant 0 : i32
      %add3A_1707 = vector.broadcast %add3A_1706 : i32 to vector<16xi32>
      %add3A_1708 = arith.addi %mul3A_101, %add3A_1707 : vector<16xi32>
      %gather3A_1709 = tpu.vector_load_idx %arg27[%add3A_1708] : memref<272xf32, #tpu.memory_space<vmem>>[vector<16xi32>], vector<16xf32>,
      %add3A_1710 = arith.constant 1 : i32
      %add3A_1711 = vector.broadcast %add3A_1710 : i32 to vector<16xi32>
      %add3A_1712 = arith.addi %mul3A_101, %add3A_1711 : vector<16xi32>
      %gather3A_1713 = tpu.vector_load_idx %arg27[%add3A_1712] : memref<272xf32, #tpu.memory_space<vmem>>[vector<16xi32>], vector<16xf32>,
      %add3A_1714 = arith.constant 2 : i32
      %add3A_1715 = vector.broadcast %add3A_1714 : i32 to vector<16xi32>
      %add3A_1716 = arith.addi %mul3A_101, %add3A_1715 : vector<16xi32>
      %gather3A_1717 = tpu.vector_load_idx %arg27[%add3A_1716] : memref<272xf32, #tpu.memory_space<vmem>>[vector<16xi32>], vector<16xf32>,
      %add3A_1718 = arith.constant 3 : i32
      %add3A_1719 = vector.broadcast %add3A_1718 : i32 to vector<16xi32>
      %add3A_1720 = arith.addi %mul3A_101, %add3A_1719 : vector<16xi32>
      %gather3A_1721 = tpu.vector_load_idx %arg27[%add3A_1720] : memref<272xf32, #tpu.memory_space<vmem>>[vector<16xi32>], vector<16xf32>,
      %add3A_1722 = arith.constant 4 : i32
      %add3A_1723 = vector.broadcast %add3A_1722 : i32 to vector<16xi32>
      %add3A_1724 = arith.addi %mul3A_101, %add3A_1723 : vector<16xi32>
      %gather3A_1725 = tpu.vector_load_idx %arg27[%add3A_1724] : memref<272xf32, #tpu.memory_space<vmem>>[vector<16xi32>], vector<16xf32>,
      %add3A_1726 = arith.constant 5 : i32
      %add3A_1727 = vector.broadcast %add3A_1726 : i32 to vector<16xi32>
      %add3A_1728 = arith.addi %mul3A_101, %add3A_1727 : vector<16xi32>
      %gather3A_1729 = tpu.vector_load_idx %arg27[%add3A_1728] : memref<272xf32, #tpu.memory_space<vmem>>[vector<16xi32>], vector<16xf32>,
      %add3A_1730 = arith.constant 6 : i32
      %add3A_1731 = vector.broadcast %add3A_1730 : i32 to vector<16xi32>
      %add3A_1732 = arith.addi %mul3A_101, %add3A_1731 : vector<16xi32>
      %gather3A_1733 = tpu.vector_load_idx %arg27[%add3A_1732] : memref<272xf32, #tpu.memory_space<vmem>>[vector<16xi32>], vector<16xf32>,
      %add3A_1734 = arith.constant 7 : i32
      %add3A_1735 = vector.broadcast %add3A_1734 : i32 to vector<16xi32>
      %add3A_1736 = arith.addi %mul3A_101, %add3A_1735 : vector<16xi32>
      %gather3A_1737 = tpu.vector_load_idx %arg27[%add3A_1736] : memref<272xf32, #tpu.memory_space<vmem>>[vector<16xi32>], vector<16xf32>,
      %add3A_1738 = arith.constant 8 : i32
      %add3A_1739 = vector.broadcast %add3A_1738 : i32 to vector<16xi32>
      %add3A_1740 = arith.addi %mul3A_101, %add3A_1739 : vector<16xi32>
      %gather3A_1741 = tpu.vector_load_idx %arg27[%add3A_1740] : memref<272xf32, #tpu.memory_space<vmem>>[vector<16xi32>], vector<16xf32>,
      %add3A_1742 = arith.constant 9 : i32
      %add3A_1743 = vector.broadcast %add3A_1742 : i32 to vector<16xi32>
      %add3A_1744 = arith.addi %mul3A_101, %add3A_1743 : vector<16xi32>
      %gather3A_1745 = tpu.vector_load_idx %arg27[%add3A_1744] : memref<272xf32, #tpu.memory_space<vmem>>[vector<16xi32>], vector<16xf32>,
      %add3A_1746 = arith.constant 10 : i32
      %add3A_1747 = vector.broadcast %add3A_1746 : i32 to vector<16xi32>
      %add3A_1748 = arith.addi %mul3A_101, %add3A_1747 : vector<16xi32>
      %gather3A_1749 = tpu.vector_load_idx %arg27[%add3A_1748] : memref<272xf32, #tpu.memory_space<vmem>>[vector<16xi32>], vector<16xf32>,
      %add3A_1750 = arith.constant 11 : i32
      %add3A_1751 = vector.broadcast %add3A_1750 : i32 to vector<16xi32>
      %add3A_1752 = arith.addi %mul3A_101, %add3A_1751 : vector<16xi32>
      %gather3A_1753 = tpu.vector_load_idx %arg27[%add3A_1752] : memref<272xf32, #tpu.memory_space<vmem>>[vector<16xi32>], vector<16xf32>,
      %add3A_1754 = arith.constant 12 : i32
      %add3A_1755 = vector.broadcast %add3A_1754 : i32 to vector<16xi32>
      %add3A_1756 = arith.addi %mul3A_101, %add3A_1755 : vector<16xi32>
      %gather3A_1757 = tpu.vector_load_idx %arg27[%add3A_1756] : memref<272xf32, #tpu.memory_space<vmem>>[vector<16xi32>], vector<16xf32>,
      %add3A_1758 = arith.constant 13 : i32
      %add3A_1759 = vector.broadcast %add3A_1758 : i32 to vector<16xi32>
      %add3A_1760 = arith.addi %mul3A_101, %add3A_1759 : vector<16xi32>
      %gather3A_1761 = tpu.vector_load_idx %arg27[%add3A_1760] : memref<272xf32, #tpu.memory_space<vmem>>[vector<16xi32>], vector<16xf32>,
      %add3A_1762 = arith.constant 14 : i32
      %add3A_1763 = vector.broadcast %add3A_1762 : i32 to vector<16xi32>
      %add3A_1764 = arith.addi %mul3A_101, %add3A_1763 : vector<16xi32>
      %gather3A_1765 = tpu.vector_load_idx %arg27[%add3A_1764] : memref<272xf32, #tpu.memory_space<vmem>>[vector<16xi32>], vector<16xf32>,
      %add3A_1766 = arith.constant 15 : i32
      %add3A_1767 = vector.broadcast %add3A_1766 : i32 to vector<16xi32>
      %add3A_1768 = arith.addi %mul3A_101, %add3A_1767 : vector<16xi32>
      %gather3A_1769 = tpu.vector_load_idx %arg27[%add3A_1768] : memref<272xf32, #tpu.memory_space<vmem>>[vector<16xi32>], vector<16xf32>,
      %add3A_1770 = arith.addf %gather3A_1709, %gather3A_1713 : vector<16xf32>
      %add3A_1771 = arith.addf %gather3A_1717, %gather3A_1721 : vector<16xf32>
      %add3A_1772 = arith.addf %gather3A_1725, %gather3A_1729 : vector<16xf32>
      %add3A_1773 = arith.addf %gather3A_1733, %gather3A_1737 : vector<16xf32>
      %add3A_1774 = arith.addf %gather3A_1741, %gather3A_1745 : vector<16xf32>
      %add3A_1775 = arith.addf %gather3A_1749, %gather3A_1753 : vector<16xf32>
      %add3A_1776 = arith.addf %gather3A_1757, %gather3A_1761 : vector<16xf32>
      %add3A_1777 = arith.addf %gather3A_1765, %gather3A_1769 : vector<16xf32>
      %add3A_1778 = arith.addf %add3A_1770, %add3A_1771 : vector<16xf32>
      %add3A_1779 = arith.addf %add3A_1772, %add3A_1773 : vector<16xf32>
      %add3A_1780 = arith.addf %add3A_1774, %add3A_1775 : vector<16xf32>
      %add3A_1781 = arith.addf %add3A_1776, %add3A_1777 : vector<16xf32>
      %add3A_1782 = arith.addf %add3A_1778, %add3A_1779 : vector<16xf32>
      %add3A_1783 = arith.addf %add3A_1780, %add3A_1781 : vector<16xf32>
      %add3A_1784 = arith.addf %add3A_1782, %add3A_1783 : vector<16xf32>
      %add3A_1785 = arith.addf %add3A_1784, %gather3A_98 : vector<16xf32>
      %ge3A = arith.constant 0.000000e+00 : f32
      %ge3A_1786 = vector.broadcast %ge3A : f32 to vector<16xf32>
      %ge3A_1787 = arith.cmpf oge, %add3A_1785, %ge3A_1786 : vector<16xf32>
      %mul3A_1788 = arith.constant 0.00999999977 : f32
      %mul3A_1789 = vector.broadcast %mul3A_1788 : f32 to vector<16xf32>
      %mul3A_1790 = arith.mulf %add3A_1785, %mul3A_1789 : vector<16xf32>
      %select_n3A_1791 = arith.select %ge3A_1787, %add3A_1785, %mul3A_1790 : vector<16xi1>, vector<16xf32>
      %swap3A_1792 = arith.index_cast %mul3A_149 : i32 to index
      %swap3A_1793 = tpu.vector_load %arg28[%swap3A_1792] {strides = array<i32>} : memref<512xf32, #tpu.memory_space<vmem>>, vector<16xf32>,
      tpu.vector_store %arg28[%swap3A_1792], %select_n3A_1791 {strides = array<i32>} : memref<512xf32, #tpu.memory_space<vmem>>, vector<16xf32>,
    }
    %scan3A_134 = arith.constant 32 : i32
    "tpu.region"() ({
      %run_scoped3A_135 = tpu.sem_alloc : memref<!tpu.dma_semaphore, #tpu.memory_space<semaphore_mem>>
      %dma_start3A_136 = tpu.memref_slice %arg14[%mul3A_2] : memref<16384xf32, #tpu.memory_space<hbm>> -> memref<512xf32, #tpu.memory_space<hbm>>
      %dma_start3A_137 = tpu.memref_slice %arg14[%mul3A_2] : memref<16384xf32, #tpu.memory_space<hbm>> -> memref<512xf32, #tpu.memory_space<hbm>>
      tpu.enqueue_dma source(%arg28 : memref<512xf32, #tpu.memory_space<vmem>>) target(%dma_start3A_137 : memref<512xf32, #tpu.memory_space<hbm>>) target_semaphore(%run_scoped3A_135 : memref<!tpu.dma_semaphore, #tpu.memory_space<semaphore_mem>>)
      %dma_wait3A_138 = tpu.memref_slice %arg14[%mul3A_2] : memref<16384xf32, #tpu.memory_space<hbm>> -> memref<512xf32, #tpu.memory_space<hbm>>
      %dma_wait3A_139 = tpu.memref_slice %arg14[%mul3A_2] : memref<16384xf32, #tpu.memory_space<hbm>> -> memref<512xf32, #tpu.memory_space<hbm>>
      tpu.wait_dma2 semaphore(%run_scoped3A_135 : memref<!tpu.dma_semaphore, #tpu.memory_space<semaphore_mem>>) src(%arg28 : memref<512xf32, #tpu.memory_space<vmem>>) dst(%dma_wait3A_139 : memref<512xf32, #tpu.memory_space<hbm>>)
      tpu.yield
    }) : () -> ()
    return
  }
}

</mosaic_0001>

<sc_bundles>
// kernel: _run.3.cloned.1.call-start
scs
__scs_entry_jumppad:
0x0: {  	(pc) =	sbr.rel $0x88, $3  }
0x1: {  	(tag) =	ssettag $0x0;
	lr =	simm.s32 $0x1  }
0x2: {  	[smem:$0x3F95] =	sst lr;
	_ =	strace $0xD0000000  }
0x3: {  	_ = 	snop  }
0x4: {  	_ = 	snop  }
0x5: {  	_ = 	snop  }
0x6: {  	_ = 	snop  }
0x7: {  	_ = 	snop  }
__scs_overlays_trampoline_lowered:
0x8: {  	[smem:$0x3FA4] =	sst s0  }
0x9: {  	[smem:$0x3FA5] =	sst s1  }
0xa: {  	[smem:$0x3FA6] =	sst s2  }
0xb: {  	[smem:$0x3FA7] =	sst s3  }
0xc: {  	[smem:$0x3FA8] =	sst s4  }
0xd: {  	[smem:$0x3FA9] =	sst s5  }
0xe: {  	[smem:$0x3FAA] =	sst s6  }
0xf: {  	[smem:$0x3FAB] =	sst s7  }
0x10: {  	[smem:$0x3FAC] =	sst s8  }
0x11: {  	[smem:$0x3FAD] =	sst s9;
	s0 =	simm.s32 @!p0 $0x0  }
0x12: {  	s1 =	sld [smem:$0x3F93];
	s0 =	simm.s32 @p0 $0x1  }
0x13: {  	[smem:$0x3FAE] =	sst s0;
	s0 =	simm.s32 @!p1 $0x0  }
0x14: {  	s2 =	sld [smem:$0x3F92];
	s0 =	simm.s32 @p1 $0x1  }
0x15: {  	[smem:$0x3FAF] =	sst s0;
	s0 =	simm.s32 @!p2 $0x0  }
0x16: {  	s3 =	sld [smem:$0x3FDB];
	s0 =	simm.s32 @p2 $0x1  }
0x17: {  	s4 =	simm.s32 $0x1BF5;
	[smem:$0x3FB1] =	sst s0  }
0x18: {  	s0 =	sld [smem:$0x3F94];
	_ =	swait.ge [sflag:s4], $0x0  }
0x19: {  	s7 =	sld [smem:$0x3F95]  }
0x1a: {  	s8 =	sadd.s32 $0xFFFFE003, lr  }
0x1b: {  	s9 =	sadd.s32 $0xFFFFFEF7, lr;
	s5 =	simm.s32 $0xFFFFFFFF;
	p2 =	slt.u32 s8, $0xFFFFF086  }
0x1c: {  	p1 =	slt.u32 s9, $0xF7A;
	s5 =	simm.s32 @!p2 $0x0  }
0x1d: {  	s5 =	simm.s32 @p1 $0x1;
	p0 =	seq.s32 s7, s2  }
0x1e: {  	s7 =	smul.u32 @!p0 $0xF7A, s2;
	p2 =	seq.s32 @!p0 s5, $0x0  }
0x1f: {  	s9 =	smul.u32 $0xF7A, s1;
	s8 =	simm.s32 @!p0 $0x1BF5;
	p2 =	por !p2, p0  }
0x20: {  	[sflag:s8] =	ssyncset.s32 @!p0 $0xFFFFF086;
	s6 =	sadd.s32 @!p0 s3, s7;
	s7 =	simm.s32 @!p0 $0x108  }
0x21: {  	s3 =	sadd.s32 s3, s9;
	s6 =	sadd.s32 @!p0 $0x88, s6;
	s7 =	simm.s32 @p2 $0x1082  }
0x22: {  	[simem:s7], [sflag:s8] =	dma.local @!p0 [hbm:s6], $0xF7A  }
0x23: {  	s9 =	sor.u32 $0xD0000000, s2;
	s6 =	simm.s32 $0x108;
	_ =	swait.ge @!p0 [sflag:s8], $0x0  }
0x24: {  	s3 =	sadd.s32 $0x88, s3;
	s6 =	simm.s32 @!p1 $0x1082;
	[sflag:s4] =	ssyncset.s32 $0xFFFFF086  }
0x25: {  	[simem:s6], [sflag:s4] =	dma.local [hbm:s3], $0xF7A  }
0x26: {  	[smem:$0x3F95] =	sst s1;
	(tag) =	ssettag s2;
	_ =	strace s9  }
0x27: {  	s1 =	sld [smem:$0x3FA5]  }
0x28: {  	s2 =	sld [smem:$0x3FA6]  }
0x29: {  	s4 =	sld [smem:$0x3FA8]  }
0x2a: {  	p0 =	seq.s32 s5, $0x0;
	s5 =	sld [smem:$0x3FA9]  }
0x2b: {  	s6 =	sld [smem:$0x3FAA]  }
0x2c: {  	s7 =	sld [smem:$0x3FAB]  }
0x2d: {  	s3 =	simm.s32 $0x108;
	s8 =	sld [smem:$0x3FAC]  }
0x2e: {  	s3 =	simm.s32 @!p0 $0x1082;
	s9 =	sld [smem:$0x3FAD]  }
0x2f: {  	lr =	sadd.s32 s0, s3;
	s0 =	sld [smem:$0x3FA4]  }
0x30: {  	s3 =	sld [smem:$0x3FA7]  }
0x31: {  	[smem:$0x3FB0] =	sst s10  }
0x32: {  	s10 =	sld [smem:$0x3FAE];
	_ =	sdelay $0x3  }
0x33: {  	p0 =	seq.s32 s10, $0x1;
	s10 =	sld [smem:$0x3FB0];
	_ =	sdelay $0x3  }
0x34: {  	[smem:$0x3FB0] =	sst s10  }
0x35: {  	s10 =	sld [smem:$0x3FAF];
	_ =	sdelay $0x3  }
0x36: {  	p1 =	seq.s32 s10, $0x1;
	s10 =	sld [smem:$0x3FB0];
	_ =	sdelay $0x3  }
0x37: {  	[smem:$0x3FB0] =	sst s10  }
0x38: {  	s10 =	sld [smem:$0x3FB1]  }
0x39: {  	_ = 	snop;
	(pc) =	sbr.ind lr, $3  }
0x3a: {  	_ = 	snop  }
0x3b: {  	_ = 	snop  }
0x3c: {  	p2 =	seq.s32 s10, $0x1;
	s10 =	sld [smem:$0x3FB0]  }
0x3d: {  	_ =	shalt  }
0x3e: {  	_ =	shalt  }
0x3f: {  	_ =	shalt  }
0x40: {  	_ =	shalt  }
0x41: {  	_ =	shalt  }
0x42: {  	_ =	shalt  }
0x43: {  	_ =	shalt  }
0x44: {  	_ =	shalt  }
0x45: {  	_ =	shalt  }
0x46: {  	_ =	shalt  }
0x47: {  	_ =	shalt  }
0x48: {  	_ =	shalt  }
0x49: {  	_ =	shalt  }
0x4a: {  	_ =	shalt  }
0x4b: {  	_ =	shalt  }
0x4c: {  	_ =	shalt  }
0x4d: {  	_ =	shalt  }
0x4e: {  	_ =	shalt  }
0x4f: {  	_ =	shalt  }
0x50: {  	_ =	shalt  }
0x51: {  	_ =	shalt  }
0x52: {  	_ =	shalt  }
0x53: {  	_ =	shalt  }
0x54: {  	_ =	shalt  }
0x55: {  	_ =	shalt  }
0x56: {  	_ =	shalt  }
0x57: {  	_ =	shalt  }
0x58: {  	_ =	shalt  }
0x59: {  	_ =	shalt  }
0x5a: {  	_ =	shalt  }
0x5b: {  	_ =	shalt  }
0x5c: {  	_ =	shalt  }
0x5d: {  	_ =	shalt  }
0x5e: {  	_ =	shalt  }
0x5f: {  	_ =	shalt  }
0x60: {  	_ =	shalt  }
0x61: {  	_ =	shalt  }
0x62: {  	_ =	shalt  }
0x63: {  	_ =	shalt  }
0x64: {  	_ =	shalt  }
0x65: {  	_ =	shalt  }
0x66: {  	_ =	shalt  }
0x67: {  	_ =	shalt  }
0x68: {  	_ =	shalt  }
0x69: {  	_ =	shalt  }
0x6a: {  	_ =	shalt  }
0x6b: {  	_ =	shalt  }
0x6c: {  	_ =	shalt  }
0x6d: {  	_ =	shalt  }
0x6e: {  	_ =	shalt  }
0x6f: {  	_ =	shalt  }
0x70: {  	_ =	shalt  }
0x71: {  	_ =	shalt  }
0x72: {  	_ =	shalt  }
0x73: {  	_ =	shalt  }
0x74: {  	_ =	shalt  }
0x75: {  	_ =	shalt  }
0x76: {  	_ =	shalt  }
0x77: {  	_ =	shalt  }
0x78: {  	_ =	shalt  }
0x79: {  	_ =	shalt  }
0x7a: {  	_ =	shalt  }
0x7b: {  	_ =	shalt  }
0x7c: {  	_ =	shalt  }
0x7d: {  	_ =	shalt  }
0x7e: {  	_ =	shalt  }
0x7f: {  	_ =	shalt  }
0x80: {  	_ =	shalt  }
0x81: {  	_ =	shalt  }
0x82: {  	_ =	shalt  }
0x83: {  	_ =	shalt  }
0x84: {  	_ =	shalt  }
0x85: {  	_ =	shalt  }
0x86: {  	_ =	shalt  }
0x87: {  	_ =	shalt  }
.Lfunc_end0:
.L_simem_size_0:
called_computation_lowered:
.L_overlay_start_0:
0x88: {  	s2 =	sld [smem:$0x3FD9]  }
0x89: {  	s3 =	sld [smem:$0x3FFE];
	_ =	sdelay $0x1  }
0x8a: {  	s1 =	srdreg.scid  }
0x8b: {  	s0 =	sand.u32 $0x1, s1  }
0x8c: {  	s30 =	sshll.u32 s0, $0xA;
	s2 =	sadd.s32 s3, s2  }
0x8d: {  	s2 =	sadd.s32 s2, s30  }
0x8e: {  	[smem:$0x3FBC] =	sst s2  }
0x8f: {  	_ = 	snop  }
0x90: {  	s2 =	sld [smem:$0x3FC9]  }
0x91: {  	s31 =	sld [smem:$0x3FC8]  }
0x92: {  	s4 =	sld [smem:$0x3FC7]  }
0x93: {  	s5 =	sld [smem:$0x3FC6]  }
0x94: {  	s6 =	sld [smem:$0x3FC5]  }
0x95: {  	s7 =	sld [smem:$0x3FC4]  }
0x96: {  	s8 =	sld [smem:$0x3FC3]  }
0x97: {  	s9 =	sld [smem:$0x3FC2]  }
0x98: {  	s10 =	sld [smem:$0x3FC1]  }
0x99: {  	s11 =	sld [smem:$0x3FC0]  }
0x9a: {  	s12 =	sld [smem:$0x3FBE]  }
0x9b: {  	s13 =	sld [smem:$0x3FD0];
	(tm) =	ssettm $0x1  }
0x9c: {  	s14 =	sld [smem:$0x3FFB];
	_ =	sdelay $0x3  }
0x9d: {  	_ =	strace s14  }
0x9e: {  	s14 =	sld [smem:$0x3FFC];
	_ =	sdelay $0x3  }
0x9f: {  	_ =	strace s14  }
0xa0: {  	s14 =	sld [smem:$0x3FFD];
	_ =	sdelay $0x3  }
0xa1: {  	_ =	strace s14  }
0xa2: {  	_ =	strace $0x8FFFFFFF  }
0xa3: {  	s19 =	sld [smem:$0x3FDB];
	_ =	sdelay $0x1  }
0xa4: {  	s15 =	simm.s32 $_scs_section_size  }
0xa5: {  	s16 =	simm.s32 $_size__tile_overlayer_lowered;
	s17 =	simm.s32 $_tile_overlayer_lowered  }
0xa6: {  	s22 =	simm.s32 $0x1BFF;
	s21 =	sshll.u32 s17, $0x1;
	s14 =	sadd.s32 s15, s19  }
0xa7: {  	s18 =	simm.s32 $0x0;
	s20 =	sshll.u32 s16, $0x1;
	s16 =	sadd.s32 s21, s14  }
0xa8: {  	[timem:s18], [sflag:s22] =	dma.local [hbm:s16], s20  }
0xa9: {  	_ =	swait.ge [sflag:s22], s20  }
0xaa: {  	s15 =	ssub.s32 $0x0, s20;
	[sflag:s22] =	ssyncset.done $0x0  }
0xab: {  	[sflag:s22] =	ssyncadd.s32 s15;
	_ =	sdelay $0x1  }
0xac: {  	s23 =	simm.s32 $0x1B8B  }
0xad: {  	_ =	swait.ge [sflag:s23], $0x1  }
0xae: {  	[sflag:s23] =	ssyncset.done $0x0  }
0xaf: {  	s25 =	simm.s32 $0x1B8E;
	s24 =	sld [smem:$0x3FFE];
	[sflag:s23] =	ssyncadd.s32 $0xFFFFFFFF  }
0xb0: {  	s26 =	simm.s32 $execute0_lowered;
	[smem:$0x3FD2] =	sst s25  }
0xb1: {  	s16 =	sshll.u32 s26, $0x1;
	_ =	strace $0x80000046;
	[dreg:$0x1] =	wrdreg $0xFFFFFFFF  }
0xb2: {  	s28 =	simm.s32 $_size_execute0_lowered;
	s14 =	sadd.s32 s14, s16;
	[dreg:$0x0] =	wrdreg $0x0  }
0xb3: {  	s16 =	sshll.u32 s28, $0x1;
	[dreg:$0x2] =	wrdreg s14  }
0xb4: {  	[dreg:$0x3] =	wrdreg s16  }
0xb5: {  	[dreg:$0x4] =	wrdreg $0xC0  }
0xb6: {  	_ =	task [dreg:s18], $0x5FFFF  }
0xb7: {  	[dreg:$0x1] =	wrdreg $0xFFFFFFFF  }
0xb8: {  	[dreg:$0x0] =	wrdreg $0x60  }
0xb9: {  	[dreg:$0x2] =	wrdreg s2  }
0xba: {  	[dreg:$0x3] =	wrdreg s31  }
0xbb: {  	[dreg:$0x4] =	wrdreg s4  }
0xbc: {  	[dreg:$0x5] =	wrdreg s5  }
0xbd: {  	[dreg:$0x6] =	wrdreg s6  }
0xbe: {  	[dreg:$0x7] =	wrdreg s7  }
0xbf: {  	[dreg:$0x8] =	wrdreg s8  }
0xc0: {  	[dreg:$0x9] =	wrdreg s9  }
0xc1: {  	[dreg:$0xa] =	wrdreg s10  }
0xc2: {  	[dreg:$0xb] =	wrdreg s11  }
0xc3: {  	[dreg:$0xc] =	wrdreg s24  }
0xc4: {  	[dreg:$0xd] =	wrdreg s12  }
0xc5: {  	[dreg:$0xe] =	wrdreg s13  }
0xc6: {  	[dreg:$0xf] =	wrdreg $0x9  }
0xc7: {  	_ =	task.clear_ibuf [dreg:s18], $0x10FFFF;
	_ =	strace $0x90000046  }
0xc8: {  	s29 =	simm.s32 $0x9;
	_ =	strace $0x80000048  }
0xc9: {  	_ =	swait.ge [sflag:s29], $0x1  }
0xca: {  	[sflag:s29] =	ssyncadd.s32 $0xFFFFFFFF  }
0xcb: {  	_ =	strace $0x90000048  }
0xcc: {  	_ =	sfence  }
0xcd: {  	s30 =	sld [smem:$0x0];
	_ =	sdelay $0x2  }
0xce: {  	s31 =	sshll.u32 s1, $0xD;
	s1 =	sshrl.u32 s1, $0x2  }
0xcf: {  	s3 =	sand.u32 $0x4000, s31;
	s1 =	sadd.s32 s1, s30  }
0xd0: {  	s0 =	sor.u32 s3, s0;
	s1 =	sshll.u32 s1, $0x11  }
0xd1: {  	s0 =	sor.u32 s1, s0  }
0xd2: {  	s0 =	sadd.s32 $0x8F2B, s0  }
0xd3: {  	[sflag:s0] =	ssyncadd.remote.s32 $0x1  }
0xd4: {  	_ =	sfence.sel $0xFFFF  }
0xd5: {  	[dreg:$0x0] =	wrdreg $0xFFFFFFFF;
	(pc) =	sbr.abs _section_cstart, $3  }
0xd6: {  	[dreg:$0x1] =	wrdreg $0xFFFFFFFF  }
0xd7: {  	_ =	task.clear_ibuf [dreg:s18], $0x2FFFF;
	_ =	strace $0x9FFFFFFF  }
0xd8: {  	(tm) =	ssettm $0x7FFFFFFF  }
0xd9: {  	_ =	shalt  }
tec
execute0_lowered:
.L_overlay_start_1:
0x0: {  	(tag) =	ssettag $0x1  }
0x1: {  	s0 =	rddreg [dreg:$0x0]  }
0x2: {  	s1 =	rddreg [dreg:$0x1]  }
0x3: {  	s2 =	rddreg [dreg:$0x2]  }
0x4: {  	s3 =	rddreg [dreg:$0x3]  }
0x5: {  	s4 =	rddreg [dreg:$0x4]  }
0x6: {  	s5 =	rddreg [dreg:$0x9];
	v5 =	vlaneseq.u32  }
0x7: {  	s6 =	rddreg [dreg:$0xa];
	s8 =	simm.s32 $0x0;
	v0 =	vmul.u32 $0x80, v5  }
0x8: {  	[smem:$0x7FF] =	sst s8  }
0x9: {  	s7 =	rddreg [dreg:$0xc];
	_ =	strace $0x80000047;
	v1 =	vor.u32 $0x800, v0;
	[tilespmem:$0x1FFA0] =	vst v0  }
0xa: {  	s9 =	srdreg.scid;
	s11 =	stileid.u32;
	v55 =	vor.u32 $0x1000, v0;
	[tilespmem:$0x1FF40] =	vst v1  }
0xb: {  	s20 =	simm.s32 $0x6;
	s21 =	simm.s32 $0x80;
	s22 =	simm.s32 $0x1;
	v56 =	vor.u32 $0x1800, v0;
	[tilespmem:$0x1FF50] =	vst v55  }
0xc: {  	s23 =	simm.s32 $0x17280;
	s25 =	simm.s32 $0x0;
	s9 =	sand.u32 $0x1, s9;
	v57 =	vor.u32 $0x2000, v0;
	[tilespmem:$0x1FF60] =	vst v56  }
0xd: {  	s11 =	sshll.u32 s11, $0x7;
	s10 =	ssub.s32 $0x2, s9;
	s12 =	sshll.u32 s9, $0x6;
	v58 =	vor.u32 $0x2800, v0;
	[tilespmem:$0x1FF70] =	vst v57  }
0xe: {  	s6 =	sadd.s32 $0x400, s6;
	v5 =	vmul.u32 $0x11, v5;
	s31 =	sshrl.u32 s10, $0x1;
	s18 =	sor.u32 s12, s11;
	v59 =	vor.u32 $0x3000, v0;
	[tilespmem:$0x1FF80] =	vst v58  }
0xf: {  	[dreg:$0xe] =	wrdreg s6;
	v0 =	vor.u32 $0x3800, v0;
	s6 =	ssub.s32 s10, s31;
	s10 =	sadd.s32 s4, s18;
	[tilespmem:$0x1FF90] =	vst v59  }
.Ltmp0:
0x10: {  	v60 =	vadd.s32 $0x1, v5;
	v61 =	vadd.s32 $0x2, v5;
	v62 =	vadd.s32 $0x3, v5;
	s0 =	sadd.s32 s0, s18;
	s12 =	sadd.s32 s1, s18;
	[tilespmem:$0x1FFB0] =	vst v0;
	(pc) =	sbr.rel .LBB2_1-.Ltmp0, $4  }
0x11: {  	v63 =	vadd.s32 $0x4, v5;
	v13 =	vadd.s32 $0x5, v5;
	v14 =	vadd.s32 $0x6, v5;
	s13 =	sadd.s32 s2, s18;
	s14 =	sadd.s32 s3, s18;
	s18 =	sadd.s32 s7, s18;
	[tilespmem:$0x1FFC0] =	vst v60  }
0x12: {  	v15 =	vadd.s32 $0x7, v5;
	v16 =	vadd.s32 $0x8, v5;
	v17 =	vadd.s32 $0x9, v5;
	[tilespmem:$0x1FFD0] =	vst v61;
	s2 =	simm.s32 $0x3200;
	s7 =	simm.s32 $0x7200;
	s1 =	simm.s32 $0x100  }
0x13: {  	v18 =	vadd.s32 $0xA, v5;
	v19 =	vadd.s32 $0xB, v5;
	v20 =	vadd.s32 $0xC, v5;
	[tilespmem:$0x1FFE0] =	vst v62;
	s4 =	simm.s32 $0x180;
	[dreg:$0xf] =	wrdreg s0;
	s15 =	sadd.s32 $0x10, s10  }
0x14: {  	v21 =	vadd.s32 $0xD, v5;
	v22 =	vadd.s32 $0xE, v5;
	v23 =	vadd.s32 $0xF, v5;
	[tilespmem:$0x1FFF0] =	vst v63;
	s16 =	sadd.s32 $0x20, s10;
	s17 =	sadd.s32 $0x30, s10;
	s19 =	smax.u32 s6, $0x1  }
.LBB2_18:
0x15: {  	s25 =	sadd.s32 $0x1, s25  }
0x16: {  	p0 =	sne.s32 s25, s19  }
.Ltmp1:
0x17: {  	s0 =	simm.s32 $0x17400;
	(pc) =	sbr.rel @!p0 .LBB2_19-.Ltmp1, $4  }
0x18: {  	[hbm4b:s18+s8] =	stream.linear.scatter [tilespmem:s0], [sflag:$0x6], $0x200, $0x38;
	[tilespmem:$0x17600] =	vst v63  }
0x19: {  	_ =	swait.ge [sflag:s20], $0x200  }
0x1a: {  	[sflag:s20] =	ssyncset.done $0x0  }
0x1b: {  	[sflag:s20] =	ssyncadd.s32 $0xFFFFFE00  }
.LBB2_1:
0x1c: {  	[tilespmem:s8], [sflag:$0x6] =	stream.linear.gather [hbm4b:s10+s8], $0x80, $0x38;
	[tilespmem:$0x17600] =	vst v63  }
0x1d: {  	_ =	swait.ge [sflag:s20], $0x80  }
0x1e: {  	[sflag:s20] =	ssyncset.done $0x0  }
0x1f: {  	s0 =	simm.s32 $0x7280;
	[sflag:s20] =	ssyncadd.s32 $0xFFFFFF80  }
0x20: {  	[tilespmem:s0], [sflag:$0x2] =	stream.indirect.gather [hbm4b:s5+s21], $0x80, s8, s21, $0xb8;
	[tilespmem:$0x17600] =	vst v63  }
0x21: {  	s3 =	simm.s32 $0x200;
	s9 =	rddreg [dreg:$0xf]  }
0x22: {  	[tilespmem:s3], [sflag:$0x1] =	stream.linear.gather [hbm4b:s9+s8], $0x200, $0x38;
	[tilespmem:$0x17600] =	vst v63  }
0x23: {  	s11 =	simm.s32 $0x400  }
0x24: {  	[tilespmem:s11], [sflag:$0x1] =	stream.linear.gather [hbm4b:s12+s8], $0x200, $0x38;
	[tilespmem:$0x17600] =	vst v63  }
0x25: {  	s24 =	simm.s32 $0x600  }
0x26: {  	[tilespmem:s24], [sflag:$0x1] =	stream.linear.gather [hbm4b:s13+s8], $0x200, $0x38;
	[tilespmem:$0x17600] =	vst v63  }
0x27: {  	s26 =	simm.s32 $0x800  }
0x28: {  	[tilespmem:s26], [sflag:$0x1] =	stream.linear.gather [hbm4b:s14+s8], $0x200, $0x38;
	[tilespmem:$0x17600] =	vst v63  }
0x29: {  	s29 =	simm.s32 $0xA00;
	s28 =	rddreg [dreg:$0x5]  }
0x2a: {  	[tilespmem:s29], [sflag:$0x1] =	stream.linear.gather [hbm4b:s28+s8], $0x380, $0x38;
	[tilespmem:$0x17600] =	vst v63  }
0x2b: {  	s31 =	simm.s32 $0xE00;
	s30 =	rddreg [dreg:$0x6]  }
0x2c: {  	[tilespmem:s31], [sflag:$0x1] =	stream.linear.gather [hbm4b:s30+s8], $0xC00, $0x38;
	[tilespmem:$0x17600] =	vst v63  }
0x2d: {  	s6 =	rddreg [dreg:$0x7];
	s9 =	simm.s32 $0x1A00  }
0x2e: {  	[tilespmem:s9], [sflag:$0x1] =	stream.linear.gather [hbm4b:s6+s8], $0x600, $0x38;
	[tilespmem:$0x17600] =	vst v63  }
0x2f: {  	s11 =	rddreg [dreg:$0x8];
	s24 =	simm.s32 $0x2200  }
0x30: {  	[tilespmem:s24], [sflag:$0x1] =	stream.linear.gather [hbm4b:s11+s8], $0xF80, $0x38;
	[tilespmem:$0x17600] =	vst v63  }
0x31: {  	s26 =	rddreg [dreg:$0xe]  }
0x32: {  	[tilespmem:s2], [sflag:$0x1] =	stream.linear.gather [hbm4b:s26+s8], $0x4000, $0x38;
	[tilespmem:$0x17600] =	vst v63  }
0x33: {  	s28 =	rddreg [dreg:$0xb]  }
0x34: {  	[tilespmem:s7], [sflag:$0x1] =	stream.linear.gather [hbm4b:s28+s8], $0x80, $0x38;
	[tilespmem:$0x17600] =	vst v63  }
0x35: {  	_ = 	snop  }
0x36: {  	[tilespmem:s21], [sflag:$0x6] =	stream.linear.gather [hbm4b:s15+s8], $0x80, $0x38;
	[tilespmem:$0x17600] =	vst v63  }
0x37: {  	_ =	swait.ge [sflag:s20], $0x80  }
0x38: {  	[sflag:s20] =	ssyncset.done $0x0  }
0x39: {  	s29 =	simm.s32 $0xB280;
	[sflag:s20] =	ssyncadd.s32 $0xFFFFFF80  }
0x3a: {  	[tilespmem:s29], [sflag:$0x3] =	stream.indirect.gather [hbm4b:s5+s21], $0x80, s21, s21, $0xb8;
	[tilespmem:$0x17600] =	vst v63  }
0x3b: {  	_ = 	snop  }
0x3c: {  	[tilespmem:s1], [sflag:$0x6] =	stream.linear.gather [hbm4b:s16+s8], $0x80, $0x38;
	[tilespmem:$0x17600] =	vst v63  }
0x3d: {  	_ =	swait.ge [sflag:s20], $0x80  }
0x3e: {  	[sflag:s20] =	ssyncset.done $0x0  }
0x3f: {  	s30 =	simm.s32 $0xF280;
	[sflag:s20] =	ssyncadd.s32 $0xFFFFFF80  }
0x40: {  	[tilespmem:s30], [sflag:$0x4] =	stream.indirect.gather [hbm4b:s5+s21], $0x80, s1, s21, $0xb8;
	[tilespmem:$0x17600] =	vst v63  }
0x41: {  	_ = 	snop  }
0x42: {  	[tilespmem:s4], [sflag:$0x6] =	stream.linear.gather [hbm4b:s17+s8], $0x80, $0x38;
	[tilespmem:$0x17600] =	vst v63  }
0x43: {  	_ =	swait.ge [sflag:s20], $0x80  }
0x44: {  	[sflag:s20] =	ssyncset.done $0x0  }
0x45: {  	s31 =	simm.s32 $0x13280;
	[sflag:s20] =	ssyncadd.s32 $0xFFFFFF80  }
0x46: {  	[tilespmem:s31], [sflag:$0x5] =	stream.indirect.gather [hbm4b:s5+s21], $0x80, s4, s21, $0xb8;
	[tilespmem:$0x17600] =	vst v63  }
0x47: {  	_ =	swait.ge [sflag:s22], $0x200  }
0x48: {  	[sflag:s22] =	ssyncset.done $0x0  }
0x49: {  	[sflag:s22] =	ssyncadd.s32 $0xFFFFFE00  }
0x4a: {  	_ =	swait.ge [sflag:s22], $0x200  }
0x4b: {  	[sflag:s22] =	ssyncset.done $0x0  }
0x4c: {  	[sflag:s22] =	ssyncadd.s32 $0xFFFFFE00  }
0x4d: {  	_ =	swait.ge [sflag:s22], $0x200  }
0x4e: {  	[sflag:s22] =	ssyncset.done $0x0  }
0x4f: {  	[sflag:s22] =	ssyncadd.s32 $0xFFFFFE00  }
0x50: {  	_ =	swait.ge [sflag:s22], $0x200  }
0x51: {  	[sflag:s22] =	ssyncset.done $0x0  }
0x52: {  	[sflag:s22] =	ssyncadd.s32 $0xFFFFFE00  }
0x53: {  	_ =	swait.ge [sflag:s22], $0x380  }
0x54: {  	[sflag:s22] =	ssyncset.done $0x0  }
0x55: {  	[sflag:s22] =	ssyncadd.s32 $0xFFFFFC80  }
0x56: {  	_ =	swait.ge [sflag:s22], $0xC00  }
0x57: {  	[sflag:s22] =	ssyncset.done $0x0  }
0x58: {  	[sflag:s22] =	ssyncadd.s32 $0xFFFFF400  }
0x59: {  	_ =	swait.ge [sflag:s22], $0x600  }
0x5a: {  	[sflag:s22] =	ssyncset.done $0x0  }
0x5b: {  	[sflag:s22] =	ssyncadd.s32 $0xFFFFFA00  }
0x5c: {  	_ =	swait.ge [sflag:s22], $0xF80  }
0x5d: {  	[sflag:s22] =	ssyncset.done $0x0  }
0x5e: {  	[sflag:s22] =	ssyncadd.s32 $0xFFFFF080  }
0x5f: {  	_ =	swait.ge [sflag:s22], $0x4000  }
0x60: {  	[sflag:s22] =	ssyncset.done $0x0  }
0x61: {  	[sflag:s22] =	ssyncadd.s32 $0xFFFFC000  }
0x62: {  	_ =	swait.ge [sflag:s22], $0x80  }
0x63: {  	v0 =	vld [tilespmem:$0x1FFA0]  }
0x64: {  	v40 =	vld [tilespmem:$0x1FF40]  }
0x65: {  	v41 =	vld [tilespmem:$0x1FF50]  }
0x66: {  	v42 =	vld [tilespmem:$0x1FF60]  }
0x67: {  	v43 =	vld [tilespmem:$0x1FF70]  }
0x68: {  	v44 =	vld [tilespmem:$0x1FF80]  }
0x69: {  	[sflag:s22] =	ssyncset.done $0x0;
	v45 =	vld [tilespmem:$0x1FF90]  }
0x6a: {  	v46 =	vld [tilespmem:$0x1FFB0];
	[sflag:s22] =	ssyncadd.s32 $0xFFFFFF80  }
0x6b: {  	v24 =	vld.msk [tilespmem:s7+$0x0], $0xffff  }
0x6c: {  	v33 =	vld [tilespmem:$0xA00]  }
0x6d: {  	v34 =	vld [tilespmem:$0xA10]  }
0x6e: {  	v35 =	vld [tilespmem:$0xA80]  }
0x6f: {  	v36 =	vld [tilespmem:$0xA90]  }
0x70: {  	v37 =	vld [tilespmem:$0xB00]  }
0x71: {  	v38 =	vld [tilespmem:$0xB10]  }
0x72: {  	v39 =	vld [tilespmem:$0xB80]  }
0x73: {  	v48 =	vld [tilespmem:$0xB90]  }
0x74: {  	v31 =	vld.idx.msk [tilespmem:v0+s2+$0x0], $0xffff  }
0x75: {  	v32 =	vld.idx.msk [tilespmem:v40+s2+$0x0], $0xffff  }
0x76: {  	v29 =	vld.idx.msk [tilespmem:v41+s2+$0x0], $0xffff  }
0x77: {  	v30 =	vld.idx.msk [tilespmem:v42+s2+$0x0], $0xffff  }
0x78: {  	v28 =	vld.idx.msk [tilespmem:v43+s2+$0x0], $0xffff  }
0x79: {  	v27 =	vld.idx.msk [tilespmem:v44+s2+$0x0], $0xffff;
	v33 =	vmul.f32 v33, v31  }
0x7a: {  	v25 =	vld.idx.msk [tilespmem:v45+s2+$0x0], $0xffff;
	v34 =	vmul.f32 v34, v32  }
0x7b: {  	v26 =	vld.idx.msk [tilespmem:v46+s2+$0x0], $0xffff;
	v47 =	vmul.f32 v35, v31;
	[tilespmem:$0xA00] =	vst v33  }
0x7c: {  	v50 =	vld [tilespmem:$0xC00];
	v49 =	vmul.f32 v36, v32;
	[tilespmem:$0xA10] =	vst v34  }
0x7d: {  	v52 =	vld [tilespmem:$0xC10];
	v51 =	vmul.f32 v37, v31;
	[tilespmem:$0xA80] =	vst v47  }
0x7e: {  	v54 =	vld [tilespmem:$0xC80];
	v53 =	vmul.f32 v38, v32;
	[tilespmem:$0xA90] =	vst v49  }
0x7f: {  	v56 =	vld [tilespmem:$0xC90];
	v55 =	vmul.f32 v39, v31;
	[tilespmem:$0xB00] =	vst v51  }
0x80: {  	v58 =	vld [tilespmem:$0xD00];
	v57 =	vmul.f32 v48, v32;
	[tilespmem:$0xB10] =	vst v53  }
0x81: {  	v60 =	vld [tilespmem:$0xD10];
	v59 =	vmul.f32 v50, v31;
	[tilespmem:$0xB80] =	vst v55  }
0x82: {  	v61 =	vmul.f32 v52, v32;
	[tilespmem:$0xB90] =	vst v57  }
0x83: {  	v62 =	vmul.f32 v54, v31;
	[tilespmem:$0xC00] =	vst v59  }
0x84: {  	v63 =	vmul.f32 v56, v32;
	[tilespmem:$0xC10] =	vst v61  }
0x85: {  	v31 =	vmul.f32 v58, v31;
	[tilespmem:$0xC80] =	vst v62  }
0x86: {  	v32 =	vmul.f32 v60, v32;
	[tilespmem:$0xC90] =	vst v63  }
0x87: {  	[tilespmem:$0xD00] =	vst v31  }
0x88: {  	s0 =	simm.s32 $0x0;
	[tilespmem:$0xD10] =	vst v32  }
0x89: {  	s3 =	simm.s32 $0x200;
	v31 =	vld [tilespmem:s0+$0xE00]  }
.LBB2_2:
0x8a: {  	p0 =	sne.s32 s3, $0x2E00;
	v32 =	vld [tilespmem:s0+$0xE10];
	_ =	sdelay $0x2  }
.Ltmp2:
0x8b: {  	(pc) =	sbr.rel @p0 .LBB2_2-.Ltmp2, $4  }
0x8c: {  	v31 =	vmul.f32 v31, v29  }
0x8d: {  	v32 =	vmul.f32 v32, v30  }
0x8e: {  	s6 =	sshra.s32 s3, $0x2;
	[tilespmem:s0+$0xE00] =	vst v31  }
0x8f: {  	s3 =	sadd.s32 $0x200, s3;
	v31 =	vld [tilespmem:s6+$0xE00];
	[tilespmem:s0+$0xE10] =	vst v32;
	s0 =	smov.u32 s6  }
0x90: {  	v32 =	vld [tilespmem:s0+$0xE10];
	_ =	sdelay $0x3  }
0x91: {  	v29 =	vmul.f32 v31, v29  }
0x92: {  	v30 =	vmul.f32 v32, v30  }
0x93: {  	[tilespmem:s0+$0xE00] =	vst v29  }
0x94: {  	[tilespmem:s0+$0xE10] =	vst v30  }
0x95: {  	v29 =	vld [tilespmem:$0x1A00]  }
0x96: {  	v30 =	vld [tilespmem:$0x1A10]  }
0x97: {  	v36 =	vld [tilespmem:$0x1A90]  }
0x98: {  	v34 =	vld [tilespmem:$0x1B10]  }
0x99: {  	v11 =	vld [tilespmem:$0x1A80]  }
0x9a: {  	v37 =	vld [tilespmem:$0x1B90];
	v29 =	vmul.f32 v29, v28  }
0x9b: {  	v33 =	vld [tilespmem:$0x1B00];
	v30 =	vmul.f32 v30, v27  }
0x9c: {  	v40 =	vld [tilespmem:$0x1C10];
	v38 =	vmul.f32 v36, v27;
	[tilespmem:$0x1A00] =	vst v29  }
0x9d: {  	v35 =	vld [tilespmem:$0x1B80];
	v41 =	vmul.f32 v34, v27;
	[tilespmem:$0x1A10] =	vst v30  }
0x9e: {  	v43 =	vld [tilespmem:$0x1C90];
	v29 =	vmul.f32 v11, v28;
	[tilespmem:$0x1A90] =	vst v38  }
0x9f: {  	v39 =	vld [tilespmem:$0x1C00];
	v44 =	vmul.f32 v37, v27;
	[tilespmem:$0x1B10] =	vst v41  }
0xa0: {  	v46 =	vld [tilespmem:$0x1D10];
	[tilespmem:$0x1A80] =	vst v29;
	v29 =	vmul.f32 v33, v28  }
0xa1: {  	v42 =	vld [tilespmem:$0x1C80];
	v47 =	vmul.f32 v40, v27;
	[tilespmem:$0x1B90] =	vst v44  }
0xa2: {  	v49 =	vld [tilespmem:$0x1D90];
	[tilespmem:$0x1B00] =	vst v29;
	v29 =	vmul.f32 v35, v28  }
0xa3: {  	v45 =	vld [tilespmem:$0x1D00];
	v50 =	vmul.f32 v43, v27;
	[tilespmem:$0x1C10] =	vst v47  }
0xa4: {  	v52 =	vld [tilespmem:$0x1E10];
	[tilespmem:$0x1B80] =	vst v29;
	v29 =	vmul.f32 v39, v28  }
0xa5: {  	v48 =	vld [tilespmem:$0x1D80];
	v53 =	vmul.f32 v46, v27;
	[tilespmem:$0x1C90] =	vst v50  }
0xa6: {  	v55 =	vld [tilespmem:$0x1E90];
	[tilespmem:$0x1C00] =	vst v29;
	v29 =	vmul.f32 v42, v28  }
0xa7: {  	v51 =	vld [tilespmem:$0x1E00];
	v56 =	vmul.f32 v49, v27;
	[tilespmem:$0x1D10] =	vst v53  }
0xa8: {  	v58 =	vld [tilespmem:$0x1F10];
	[tilespmem:$0x1C80] =	vst v29;
	v29 =	vmul.f32 v45, v28  }
0xa9: {  	v54 =	vld [tilespmem:$0x1E80];
	v59 =	vmul.f32 v52, v27;
	[tilespmem:$0x1D90] =	vst v56  }
0xaa: {  	v61 =	vld [tilespmem:$0x1F90];
	[tilespmem:$0x1D00] =	vst v29;
	v29 =	vmul.f32 v48, v28  }
0xab: {  	v57 =	vld [tilespmem:$0x1F00];
	v62 =	vmul.f32 v55, v27;
	[tilespmem:$0x1E10] =	vst v59  }
0xac: {  	v60 =	vld [tilespmem:$0x1F80];
	[tilespmem:$0x1D80] =	vst v29;
	v29 =	vmul.f32 v51, v28  }
0xad: {  	v63 =	vmul.f32 v58, v27;
	[tilespmem:$0x1E90] =	vst v62  }
0xae: {  	[tilespmem:$0x1E00] =	vst v29;
	v29 =	vmul.f32 v54, v28  }
0xaf: {  	v27 =	vmul.f32 v61, v27;
	[tilespmem:$0x1F10] =	vst v63  }
0xb0: {  	[tilespmem:$0x1E80] =	vst v29;
	v29 =	vmul.f32 v57, v28  }
0xb1: {  	[tilespmem:$0x1F90] =	vst v27;
	v28 =	vmul.f32 v60, v28  }
0xb2: {  	[tilespmem:$0x1F00] =	vst v29  }
0xb3: {  	s0 =	simm.s32 $0x0;
	[tilespmem:$0x1F80] =	vst v28  }
0xb4: {  	s26 =	simm.s32 $0x0;
	s3 =	simm.s32 $0x200;
	v27 =	vld [tilespmem:s0+$0x2200]  }
.LBB2_4:
0xb5: {  	p0 =	sne.s32 s3, $0x3C00;
	v28 =	vld [tilespmem:s0+$0x2210];
	_ =	sdelay $0x2  }
.Ltmp3:
0xb6: {  	(pc) =	sbr.rel @p0 .LBB2_4-.Ltmp3, $4  }
0xb7: {  	v27 =	vmul.f32 v27, v25  }
0xb8: {  	v28 =	vmul.f32 v28, v26  }
0xb9: {  	s6 =	sshra.s32 s3, $0x2;
	[tilespmem:s0+$0x2200] =	vst v27  }
0xba: {  	s3 =	sadd.s32 $0x200, s3;
	v27 =	vld [tilespmem:s6+$0x2200];
	[tilespmem:s0+$0x2210] =	vst v28;
	s0 =	smov.u32 s6  }
0xbb: {  	v28 =	vld [tilespmem:s0+$0x2210];
	_ =	sdelay $0x2  }
.Ltmp4:
0xbc: {  	_ = 	snop;
	(pc) =	sbr.rel .LBB2_6-.Ltmp4, $4  }
0xbd: {  	v25 =	vmul.f32 v27, v25  }
0xbe: {  	v26 =	vmul.f32 v28, v26  }
0xbf: {  	s28 =	simm.s32 $0x200;
	s29 =	simm.s32 $0x400;
	s30 =	simm.s32 $0x600;
	[tilespmem:s0+$0x2200] =	vst v25  }
0xc0: {  	s31 =	simm.s32 $0x800;
	s3 =	simm.s32 $0x7680;
	[tilespmem:s0+$0x2210] =	vst v26;
	s0 =	simm.s32 $0x17400  }
.LBB2_15:
0xc1: {  	s6 =	simm.s32 $0x4  }
.LBB2_16:
0xc2: {  	_ =	swait.ge [sflag:s6], $0x4000  }
0xc3: {  	[sflag:s6] =	ssyncset.done $0x0  }
0xc4: {  	[sflag:s6] =	ssyncadd.s32 $0xFFFFC000  }
.LBB2_17:
0xc5: {  	v25 =	vld [tilespmem:s28+$0x0];
	_ =	sdelay $0x4  }
0xc6: {  	v25 =	vshll.u32 v25, $0x9  }
0xc7: {  	v28 =	vshra.s32 v25, $0x2  }
0xc8: {  	(v2sf) =	vpush v28, $0x0;
	_ =	sdelay $0x1  }
0xc9: {  	v26 =	vld [tilespmem:s30+$0x0];
	(v2sf) =	vpush v28, $0x1  }
0xca: {  	v27 =	vld [tilespmem:s31+$0x0]  }
0xcb: {  	v29 =	vld [tilespmem:s3+$0xFFFFFC00];
	(v2sf) =	vpush v28, $0x2  }
0xcc: {  	v31 =	vld [tilespmem:s3+$0xFFFFFC80];
	(v2sf) =	vpush v28, $0x3  }
0xcd: {  	v33 =	vld [tilespmem:s3+$0xFFFFFD00]  }
0xce: {  	v35 =	vld [tilespmem:s3+$0xFFFFFD80]  }
0xcf: {  	v25 =	vld [tilespmem:s29+$0x0]  }
0xd0: {  	v37 =	vld [tilespmem:s3+$0xFFFFFC10]  }
0xd1: {  	v39 =	vld [tilespmem:s3+$0xFFFFFC90]  }
0xd2: {  	v41 =	vld [tilespmem:s3+$0xFFFFFD10]  }
0xd3: {  	v43 =	vld [tilespmem:s3+$0xFFFFFD90]  }
0xd4: {  	v45 =	vld [tilespmem:s3+$0xFFFFFC20];
	v25 =	vshll.u32 v25, $0x9  }
0xd5: {  	v47 =	vld [tilespmem:s3+$0xFFFFFCA0];
	v25 =	vshra.s32 v25, $0x2  }
0xd6: {  	v49 =	vld [tilespmem:s3+$0xFFFFFD20];
	s6 =	spop (v2sf);
	(v2sf) =	vpush v25, $0x0  }
0xd7: {  	v51 =	vld [tilespmem:s3+$0xFFFFFDA0]  }
0xd8: {  	v53 =	vld [tilespmem:s3+$0xFFFFFC30];
	s24 =	spop (v2sf);
	(v2sf) =	vpush v25, $0x1  }
0xd9: {  	v55 =	vld [tilespmem:s3+$0xFFFFFCB0]  }
0xda: {  	v57 =	vld [tilespmem:s3+$0xFFFFFD30];
	s9 =	spop (v2sf);
	(v2sf) =	vpush v25, $0x2  }
0xdb: {  	v59 =	vld [tilespmem:s3+$0xFFFFFDB0];
	s11 =	spop (v2sf);
	(v2sf) =	vpush v25, $0x3  }
0xdc: {  	v61 =	vld [tilespmem:s3+$0xFFFFFC40]  }
0xdd: {  	v63 =	vld [tilespmem:s3+$0xFFFFFCC0]  }
0xde: {  	v2 =	vld [tilespmem:s3+$0xFFFFFD40]  }
0xdf: {  	v4 =	vld [tilespmem:s3+$0xFFFFFDC0]  }
0xe0: {  	v7 =	vld [tilespmem:s3+$0xFFFFFC50]  }
0xe1: {  	v30 =	vld [tilespmem:s6+$0xA00]  }
0xe2: {  	v38 =	vld [tilespmem:s6+$0xA10]  }
0xe3: {  	v26 =	vshll.u32 v26, $0x9;
	v32 =	vld [tilespmem:s24+$0xA00]  }
0xe4: {  	v26 =	vshra.s32 v26, $0x2;
	v40 =	vld [tilespmem:s24+$0xA10]  }
0xe5: {  	v34 =	vld [tilespmem:s9+$0xA00];
	s6 =	spop (v2sf);
	(v2sf) =	vpush v26, $0x0  }
0xe6: {  	v42 =	vld [tilespmem:s9+$0xA10]  }
0xe7: {  	v36 =	vld [tilespmem:s11+$0xA00];
	s9 =	spop (v2sf);
	(v2sf) =	vpush v26, $0x1  }
0xe8: {  	v44 =	vld [tilespmem:s11+$0xA10]  }
0xe9: {  	v0 =	vld [tilespmem:s3+$0xFFFFFCD0];
	s11 =	spop (v2sf);
	(v2sf) =	vpush v26, $0x2  }
0xea: {  	v10 =	vld [tilespmem:s3+$0xFFFFFD50];
	s24 =	spop (v2sf);
	(v2sf) =	vpush v26, $0x3  }
0xeb: {  	v12 =	vld [tilespmem:s3+$0xFFFFFDD0];
	v29 =	vmul.f32 v30, v29;
	v30 =	vmul.f32 v32, v31  }
0xec: {  	v32 =	vmul.f32 v34, v33;
	v34 =	vld [tilespmem:s3+$0xFFFFFC60];
	v33 =	vmul.f32 v36, v35  }
0xed: {  	v36 =	vmul.f32 v40, v39;
	v44 =	vmul.f32 v44, v43;
	v40 =	vld [tilespmem:s3+$0xFFFFFCE0]  }
0xee: {  	v39 =	vld [tilespmem:s3+$0xFFFFFD60]  }
0xef: {  	v33 =	vadd.f32 v44, v33;
	v44 =	vld [tilespmem:s3+$0xFFFFFDE0]  }
0xf0: {  	v46 =	vld [tilespmem:s6+$0xE00]  }
0xf1: {  	v54 =	vld [tilespmem:s6+$0xE10]  }
0xf2: {  	v27 =	vshll.u32 v27, $0x9;
	v48 =	vld [tilespmem:s9+$0xE00]  }
0xf3: {  	v27 =	vshra.s32 v27, $0x2;
	v35 =	vmul.f32 v38, v37;
	v52 =	vld [tilespmem:s24+$0xE00]  }
0xf4: {  	v56 =	vld [tilespmem:s9+$0xE10];
	s6 =	spop (v2sf);
	(v2sf) =	vpush v27, $0x0  }
0xf5: {  	v29 =	vadd.f32 v35, v29;
	v50 =	vld [tilespmem:s11+$0xE00];
	v46 =	vmul.f32 v46, v45  }
0xf6: {  	v58 =	vld [tilespmem:s11+$0xE10];
	s9 =	spop (v2sf);
	(v2sf) =	vpush v27, $0x1  }
0xf7: {  	v60 =	vld [tilespmem:s24+$0xE10];
	v54 =	vmul.f32 v54, v53;
	v29 =	vadd.f32 v46, v29  }
0xf8: {  	v52 =	vmul.f32 v52, v51;
	v51 =	vld [tilespmem:s3+$0xFFFFFC70];
	s11 =	spop (v2sf);
	(v2sf) =	vpush v27, $0x2  }
0xf9: {  	v29 =	vadd.f32 v54, v29;
	v54 =	vld [tilespmem:s3+$0xFFFFFD70];
	s24 =	spop (v2sf);
	(v2sf) =	vpush v27, $0x3  }
0xfa: {  	v62 =	vld [tilespmem:s6+$0x1A00]  }
0xfb: {  	v8 =	vld [tilespmem:s6+$0x1A10]  }
0xfc: {  	v1 =	vld [tilespmem:s9+$0x1A00]  }
0xfd: {  	v3 =	vld [tilespmem:s11+$0x1A00]  }
0xfe: {  	v31 =	vld [tilespmem:s24+$0x1A10]  }
0xff: {  	v9 =	vld [tilespmem:s9+$0x1A10]  }
0x100: {  	v38 =	vmul.f32 v42, v41;
	v11 =	vld [tilespmem:s11+$0x1A10]  }
0x101: {  	v30 =	vadd.f32 v36, v30;
	v48 =	vmul.f32 v48, v47;
	v6 =	vld [tilespmem:s24+$0x1A00]  }
0x102: {  	v32 =	vadd.f32 v38, v32;
	v50 =	vmul.f32 v50, v49;
	v2 =	vmul.f32 v3, v2;
	v3 =	vld [tilespmem:s3+$0xFFFFFCF0]  }
0x103: {  	v30 =	vadd.f32 v48, v30;
	v48 =	vmul.f32 v58, v57;
	v57 =	vmul.f32 v31, v12;
	v12 =	vld [tilespmem:s3+$0xFFFFFDF0];
	s6 =	spop (v2sf)  }
0x104: {  	v37 =	vld [tilespmem:s6+$0x2200]  }
0x105: {  	v56 =	vmul.f32 v56, v55;
	v32 =	vadd.f32 v50, v32;
	v50 =	vmul.f32 v60, v59;
	s9 =	spop (v2sf);
	v53 =	vld [tilespmem:s6+$0x2210]  }
0x106: {  	v33 =	vadd.f32 v52, v33;
	v52 =	vmul.f32 v62, v61;
	(v2sf) =	vpush v28, $0x4;
	v36 =	vld [tilespmem:s9+$0x2200]  }
0x107: {  	v30 =	vadd.f32 v56, v30;
	v1 =	vmul.f32 v1, v63;
	v4 =	vmul.f32 v6, v4;
	s11 =	spop (v2sf);
	v6 =	vld [tilespmem:s9+$0x2210]  }
0x108: {  	v32 =	vadd.f32 v48, v32;
	v33 =	vadd.f32 v50, v33;
	v7 =	vmul.f32 v8, v7;
	v42 =	vld [tilespmem:s11+$0x2200];
	s24 =	spop (v2sf)  }
0x109: {  	v0 =	vmul.f32 v9, v0;
	v29 =	vadd.f32 v52, v29;
	v1 =	vadd.f32 v1, v30;
	v49 =	vld [tilespmem:s24+$0x2200]  }
0x10a: {  	v55 =	vmul.f32 v11, v10;
	v2 =	vadd.f32 v2, v32;
	v4 =	vadd.f32 v4, v33;
	v56 =	vld [tilespmem:s11+$0x2210]  }
0x10b: {  	v7 =	vadd.f32 v7, v29;
	v0 =	vadd.f32 v0, v1;
	v60 =	vld [tilespmem:s24+$0x2210];
	v59 =	vmul.f32 v37, v34  }
0x10c: {  	v58 =	vadd.f32 v55, v2;
	v4 =	vadd.f32 v57, v4;
	v61 =	vmul.f32 v36, v40  }
0x10d: {  	v62 =	vmul.f32 v53, v51;
	v2 =	vadd.f32 v59, v7;
	v7 =	vmul.f32 v42, v39  }
0x10e: {  	v3 =	vmul.f32 v6, v3;
	v0 =	vadd.f32 v61, v0;
	v63 =	vmul.f32 v49, v44  }
0x10f: {  	v6 =	vmul.f32 v56, v54;
	v1 =	vadd.f32 v7, v58;
	v2 =	vadd.f32 v62, v2  }
0x110: {  	v4 =	vadd.f32 v63, v4;
	v0 =	vadd.f32 v3, v0;
	v3 =	vmul.f32 v60, v12  }
0x111: {  	v1 =	vadd.f32 v6, v1;
	[tilespmem:$0x17280] =	vst v2  }
0x112: {  	(v2sf) =	vpush v28, $0x5;
	v29 =	vadd.f32 v3, v4;
	[tilespmem:$0x17291] =	vst v0  }
0x113: {  	[tilespmem:$0x172A2] =	vst v1  }
0x114: {  	(v2sf) =	vpush v28, $0x6;
	[tilespmem:$0x172B3] =	vst v29  }
0x115: {  	(v2sf) =	vpush v28, $0x7;
	s6 =	spop (v2sf);
	v0 =	vld [tilespmem:s3+$0xFFFFFE00]  }
0x116: {  	v1 =	vld [tilespmem:s6+$0xA00]  }
0x117: {  	v2 =	vld [tilespmem:s3+$0xFFFFFE80]  }
0x118: {  	v4 =	vld [tilespmem:s3+$0xFFFFFF00]  }
0x119: {  	v7 =	vld [tilespmem:s3+$0xFFFFFF80]  }
0x11a: {  	v9 =	vld [tilespmem:s3+$0xFFFFFE10]  }
0x11b: {  	v10 =	vld [tilespmem:s6+$0xA10]  }
0x11c: {  	v11 =	vld [tilespmem:s3+$0xFFFFFE90]  }
0x11d: {  	v29 =	vld [tilespmem:s3+$0xFFFFFF10]  }
0x11e: {  	v31 =	vld [tilespmem:s3+$0xFFFFFF90]  }
0x11f: {  	(v2sf) =	vpush v25, $0x4;
	v33 =	vld [tilespmem:s3+$0xFFFFFE20]  }
0x120: {  	v35 =	vld [tilespmem:s3+$0xFFFFFEA0]  }
0x121: {  	s9 =	spop (v2sf);
	(v2sf) =	vpush v25, $0x5;
	v37 =	vld [tilespmem:s3+$0xFFFFFF20]  }
0x122: {  	v39 =	vld [tilespmem:s3+$0xFFFFFFA0]  }
0x123: {  	v41 =	vld [tilespmem:s3+$0xFFFFFE30];
	s11 =	spop (v2sf);
	(v2sf) =	vpush v25, $0x6  }
0x124: {  	v43 =	vld [tilespmem:s3+$0xFFFFFEB0];
	s24 =	spop (v2sf);
	(v2sf) =	vpush v25, $0x7  }
0x125: {  	v45 =	vld [tilespmem:s3+$0xFFFFFF30]  }
0x126: {  	v47 =	vld [tilespmem:s3+$0xFFFFFFB0]  }
0x127: {  	v49 =	vld [tilespmem:s3+$0xFFFFFE40]  }
0x128: {  	v51 =	vld [tilespmem:s3+$0xFFFFFEC0]  }
0x129: {  	v53 =	vld [tilespmem:s3+$0xFFFFFF40]  }
0x12a: {  	v55 =	vld [tilespmem:s3+$0xFFFFFFC0]  }
0x12b: {  	v57 =	vld [tilespmem:s3+$0xFFFFFE50]  }
0x12c: {  	v59 =	vld [tilespmem:s3+$0xFFFFFED0]  }
0x12d: {  	v61 =	vld [tilespmem:s3+$0xFFFFFF50]  }
0x12e: {  	v3 =	vld [tilespmem:s9+$0xA00];
	s6 =	spop (v2sf);
	(v2sf) =	vpush v26, $0x4  }
0x12f: {  	v12 =	vld [tilespmem:s9+$0xA10]  }
0x130: {  	v6 =	vld [tilespmem:s11+$0xA00];
	s9 =	spop (v2sf);
	(v2sf) =	vpush v26, $0x5  }
0x131: {  	v8 =	vld [tilespmem:s24+$0xA00]  }
0x132: {  	v30 =	vld [tilespmem:s11+$0xA10];
	s11 =	spop (v2sf);
	(v2sf) =	vpush v26, $0x6  }
0x133: {  	v32 =	vld [tilespmem:s24+$0xA10];
	s24 =	spop (v2sf);
	(v2sf) =	vpush v26, $0x7  }
0x134: {  	v63 =	vld [tilespmem:s3+$0xFFFFFFD0];
	v0 =	vmul.f32 v1, v0  }
0x135: {  	v1 =	vmul.f32 v3, v2;
	v3 =	vmul.f32 v6, v4;
	v6 =	vld [tilespmem:s3+$0xFFFFFE60]  }
0x136: {  	v4 =	vmul.f32 v8, v7;
	v8 =	vmul.f32 v12, v11;
	v12 =	vld [tilespmem:s3+$0xFFFFFEE0]  }
0x137: {  	v11 =	vld [tilespmem:s3+$0xFFFFFF60]  }
0x138: {  	v34 =	vld [tilespmem:s6+$0xE00]  }
0x139: {  	v42 =	vld [tilespmem:s6+$0xE10]  }
0x13a: {  	v36 =	vld [tilespmem:s9+$0xE00]  }
0x13b: {  	v44 =	vld [tilespmem:s9+$0xE10]  }
0x13c: {  	v48 =	vld [tilespmem:s24+$0xE10]  }
0x13d: {  	v38 =	vld [tilespmem:s11+$0xE00];
	s6 =	spop (v2sf);
	(v2sf) =	vpush v27, $0x4  }
0x13e: {  	v46 =	vld [tilespmem:s11+$0xE10]  }
0x13f: {  	v40 =	vld [tilespmem:s24+$0xE00];
	s9 =	spop (v2sf);
	(v2sf) =	vpush v27, $0x5  }
0x140: {  	v7 =	vmul.f32 v10, v9;
	v43 =	vmul.f32 v44, v43;
	v44 =	vld [tilespmem:s3+$0xFFFFFFE0]  }
0x141: {  	v30 =	vmul.f32 v30, v29;
	v47 =	vmul.f32 v48, v47;
	v48 =	vld [tilespmem:s3+$0xFFFFFE70];
	s11 =	spop (v2sf);
	(v2sf) =	vpush v27, $0x6  }
0x142: {  	v0 =	vadd.f32 v7, v0;
	v7 =	vmul.f32 v34, v33;
	v50 =	vld [tilespmem:s6+$0x1A00];
	s24 =	spop (v2sf);
	(v2sf) =	vpush v27, $0x7  }
0x143: {  	v32 =	vmul.f32 v32, v31;
	v58 =	vld [tilespmem:s6+$0x1A10]  }
0x144: {  	v3 =	vadd.f32 v30, v3;
	v0 =	vadd.f32 v7, v0;
	v7 =	vmul.f32 v38, v37;
	v60 =	vld [tilespmem:s9+$0x1A10]  }
0x145: {  	v4 =	vadd.f32 v32, v4;
	v39 =	vmul.f32 v40, v39;
	v56 =	vld [tilespmem:s24+$0x1A00]  }
0x146: {  	v42 =	vmul.f32 v42, v41;
	v3 =	vadd.f32 v7, v3;
	v7 =	vmul.f32 v46, v45;
	v54 =	vld [tilespmem:s11+$0x1A00]  }
0x147: {  	v4 =	vadd.f32 v39, v4;
	v62 =	vld [tilespmem:s11+$0x1A10]  }
0x148: {  	v0 =	vadd.f32 v42, v0;
	v3 =	vadd.f32 v7, v3;
	v52 =	vld [tilespmem:s9+$0x1A00];
	v7 =	vmul.f32 v50, v49  }
0x149: {  	v4 =	vadd.f32 v47, v4;
	v2 =	vld [tilespmem:s24+$0x1A10]  }
0x14a: {  	v57 =	vmul.f32 v58, v57;
	v58 =	vld [tilespmem:s3+$0xFFFFFF70];
	v0 =	vadd.f32 v7, v0;
	v7 =	vmul.f32 v56, v55  }
0x14b: {  	v1 =	vadd.f32 v8, v1;
	v36 =	vmul.f32 v36, v35;
	v53 =	vmul.f32 v54, v53;
	v54 =	vld [tilespmem:s3+$0xFFFFFEF0]  }
0x14c: {  	v4 =	vadd.f32 v7, v4;
	v7 =	vmul.f32 v60, v59;
	v59 =	vmul.f32 v62, v61;
	v61 =	vld [tilespmem:s3+$0xFFFFFFF0];
	s6 =	spop (v2sf)  }
0x14d: {  	v9 =	vld [tilespmem:s6+$0x2200]  }
0x14e: {  	v1 =	vadd.f32 v36, v1;
	v51 =	vmul.f32 v52, v51;
	s9 =	spop (v2sf);
	v52 =	vld [tilespmem:s6+$0x2210]  }
0x14f: {  	(v2sf) =	vpush v28, $0x8;
	v8 =	vld [tilespmem:s9+$0x2200]  }
0x150: {  	v1 =	vadd.f32 v43, v1;
	s11 =	spop (v2sf);
	v56 =	vld [tilespmem:s9+$0x2210]  }
0x151: {  	v40 =	vld [tilespmem:s11+$0x2200];
	s24 =	spop (v2sf)  }
0x152: {  	v1 =	vadd.f32 v51, v1;
	v46 =	vld [tilespmem:s24+$0x2200]  }
0x153: {  	v2 =	vmul.f32 v2, v63;
	v3 =	vadd.f32 v53, v3;
	v60 =	vld [tilespmem:s11+$0x2210]  }
0x154: {  	v0 =	vadd.f32 v57, v0;
	v1 =	vadd.f32 v7, v1;
	v7 =	vld [tilespmem:s24+$0x2210];
	v6 =	vmul.f32 v9, v6  }
0x155: {  	v3 =	vadd.f32 v59, v3;
	v2 =	vadd.f32 v2, v4;
	v4 =	vmul.f32 v8, v12  }
0x156: {  	v62 =	vmul.f32 v52, v48;
	v0 =	vadd.f32 v6, v0;
	v6 =	vmul.f32 v40, v11  }
0x157: {  	v63 =	vmul.f32 v56, v54;
	v1 =	vadd.f32 v4, v1;
	v4 =	vmul.f32 v46, v44  }
0x158: {  	v3 =	vadd.f32 v6, v3;
	v0 =	vadd.f32 v62, v0;
	v6 =	vmul.f32 v60, v58  }
0x159: {  	v2 =	vadd.f32 v4, v2;
	v1 =	vadd.f32 v63, v1;
	v4 =	vmul.f32 v7, v61  }
0x15a: {  	v3 =	vadd.f32 v6, v3;
	[tilespmem:$0x172C4] =	vst v0  }
0x15b: {  	(v2sf) =	vpush v28, $0x9;
	v29 =	vadd.f32 v4, v2;
	[tilespmem:$0x172D5] =	vst v1  }
0x15c: {  	[tilespmem:$0x172E6] =	vst v3  }
0x15d: {  	(v2sf) =	vpush v28, $0xA;
	[tilespmem:$0x172F7] =	vst v29  }
0x15e: {  	(v2sf) =	vpush v28, $0xB;
	s6 =	spop (v2sf);
	v0 =	vld [tilespmem:s3+$0x0]  }
0x15f: {  	v1 =	vld [tilespmem:s6+$0xA00]  }
0x160: {  	v2 =	vld [tilespmem:s3+$0x80]  }
0x161: {  	v4 =	vld [tilespmem:s3+$0x100]  }
0x162: {  	v7 =	vld [tilespmem:s3+$0x180]  }
0x163: {  	v9 =	vld [tilespmem:s3+$0x10]  }
0x164: {  	v10 =	vld [tilespmem:s6+$0xA10]  }
0x165: {  	v11 =	vld [tilespmem:s3+$0x90]  }
0x166: {  	v29 =	vld [tilespmem:s3+$0x110]  }
0x167: {  	v31 =	vld [tilespmem:s3+$0x190]  }
0x168: {  	(v2sf) =	vpush v25, $0x8;
	v33 =	vld [tilespmem:s3+$0x20]  }
0x169: {  	v35 =	vld [tilespmem:s3+$0xA0]  }
0x16a: {  	s9 =	spop (v2sf);
	(v2sf) =	vpush v25, $0x9;
	v37 =	vld [tilespmem:s3+$0x120]  }
0x16b: {  	v39 =	vld [tilespmem:s3+$0x1A0]  }
0x16c: {  	v41 =	vld [tilespmem:s3+$0x30];
	s11 =	spop (v2sf);
	(v2sf) =	vpush v25, $0xA  }
0x16d: {  	v43 =	vld [tilespmem:s3+$0xB0];
	s24 =	spop (v2sf);
	(v2sf) =	vpush v25, $0xB  }
0x16e: {  	v45 =	vld [tilespmem:s3+$0x130]  }
0x16f: {  	v47 =	vld [tilespmem:s3+$0x1B0]  }
0x170: {  	v49 =	vld [tilespmem:s3+$0x40]  }
0x171: {  	v51 =	vld [tilespmem:s3+$0xC0]  }
0x172: {  	v53 =	vld [tilespmem:s3+$0x140]  }
0x173: {  	v55 =	vld [tilespmem:s3+$0x1C0]  }
0x174: {  	v57 =	vld [tilespmem:s3+$0x50]  }
0x175: {  	v59 =	vld [tilespmem:s3+$0xD0]  }
0x176: {  	v61 =	vld [tilespmem:s3+$0x150]  }
0x177: {  	v3 =	vld [tilespmem:s9+$0xA00];
	s6 =	spop (v2sf);
	(v2sf) =	vpush v26, $0x8  }
0x178: {  	v12 =	vld [tilespmem:s9+$0xA10]  }
0x179: {  	v6 =	vld [tilespmem:s11+$0xA00];
	s9 =	spop (v2sf);
	(v2sf) =	vpush v26, $0x9  }
0x17a: {  	v8 =	vld [tilespmem:s24+$0xA00]  }
0x17b: {  	v30 =	vld [tilespmem:s11+$0xA10];
	s11 =	spop (v2sf);
	(v2sf) =	vpush v26, $0xA  }
0x17c: {  	v32 =	vld [tilespmem:s24+$0xA10];
	s24 =	spop (v2sf);
	(v2sf) =	vpush v26, $0xB  }
0x17d: {  	v63 =	vld [tilespmem:s3+$0x1D0];
	v0 =	vmul.f32 v1, v0  }
0x17e: {  	v1 =	vmul.f32 v3, v2;
	v3 =	vmul.f32 v6, v4;
	v6 =	vld [tilespmem:s3+$0x60]  }
0x17f: {  	v4 =	vmul.f32 v8, v7;
	v8 =	vmul.f32 v12, v11;
	v12 =	vld [tilespmem:s3+$0xE0]  }
0x180: {  	v11 =	vld [tilespmem:s3+$0x160]  }
0x181: {  	v34 =	vld [tilespmem:s6+$0xE00]  }
0x182: {  	v42 =	vld [tilespmem:s6+$0xE10]  }
0x183: {  	v36 =	vld [tilespmem:s9+$0xE00]  }
0x184: {  	v44 =	vld [tilespmem:s9+$0xE10]  }
0x185: {  	v48 =	vld [tilespmem:s24+$0xE10]  }
0x186: {  	v38 =	vld [tilespmem:s11+$0xE00];
	s6 =	spop (v2sf);
	(v2sf) =	vpush v27, $0x8  }
0x187: {  	v46 =	vld [tilespmem:s11+$0xE10]  }
0x188: {  	v40 =	vld [tilespmem:s24+$0xE00];
	s9 =	spop (v2sf);
	(v2sf) =	vpush v27, $0x9  }
0x189: {  	v7 =	vmul.f32 v10, v9;
	v43 =	vmul.f32 v44, v43;
	v44 =	vld [tilespmem:s3+$0x1E0]  }
0x18a: {  	v30 =	vmul.f32 v30, v29;
	v47 =	vmul.f32 v48, v47;
	v48 =	vld [tilespmem:s3+$0x70];
	s11 =	spop (v2sf);
	(v2sf) =	vpush v27, $0xA  }
0x18b: {  	v0 =	vadd.f32 v7, v0;
	v7 =	vmul.f32 v34, v33;
	v50 =	vld [tilespmem:s6+$0x1A00];
	s24 =	spop (v2sf);
	(v2sf) =	vpush v27, $0xB  }
0x18c: {  	v32 =	vmul.f32 v32, v31;
	v52 =	vld [tilespmem:s9+$0x1A00]  }
0x18d: {  	v3 =	vadd.f32 v30, v3;
	v0 =	vadd.f32 v7, v0;
	v7 =	vmul.f32 v38, v37;
	v54 =	vld [tilespmem:s11+$0x1A00]  }
0x18e: {  	v4 =	vadd.f32 v32, v4;
	v39 =	vmul.f32 v40, v39;
	v56 =	vld [tilespmem:s24+$0x1A00]  }
0x18f: {  	v42 =	vmul.f32 v42, v41;
	v3 =	vadd.f32 v7, v3;
	v7 =	vmul.f32 v46, v45;
	v58 =	vld [tilespmem:s6+$0x1A10]  }
0x190: {  	v4 =	vadd.f32 v39, v4;
	v60 =	vld [tilespmem:s9+$0x1A10]  }
0x191: {  	v0 =	vadd.f32 v42, v0;
	v3 =	vadd.f32 v7, v3;
	v62 =	vld [tilespmem:s11+$0x1A10];
	v7 =	vmul.f32 v50, v49  }
0x192: {  	v4 =	vadd.f32 v47, v4;
	v2 =	vld [tilespmem:s24+$0x1A10];
	v50 =	vmul.f32 v52, v51  }
0x193: {  	v52 =	vmul.f32 v54, v53;
	v53 =	vld [tilespmem:s3+$0xF0];
	v0 =	vadd.f32 v7, v0;
	v7 =	vmul.f32 v56, v55  }
0x194: {  	v1 =	vadd.f32 v8, v1;
	v56 =	vld [tilespmem:s3+$0x170]  }
0x195: {  	v36 =	vmul.f32 v36, v35;
	v4 =	vadd.f32 v7, v4;
	v7 =	vmul.f32 v60, v59;
	v59 =	vld [tilespmem:s3+$0x1F0];
	s6 =	spop (v2sf)  }
0x196: {  	v9 =	vld [tilespmem:s6+$0x2200]  }
0x197: {  	v1 =	vadd.f32 v36, v1;
	s9 =	spop (v2sf);
	v51 =	vld [tilespmem:s6+$0x2210]  }
0x198: {  	(v2sf) =	vpush v28, $0xC;
	v8 =	vld [tilespmem:s9+$0x2200]  }
0x199: {  	v1 =	vadd.f32 v43, v1;
	s11 =	spop (v2sf);
	v54 =	vld [tilespmem:s9+$0x2210]  }
0x19a: {  	v40 =	vld [tilespmem:s11+$0x2200];
	s24 =	spop (v2sf)  }
0x19b: {  	v1 =	vadd.f32 v50, v1;
	v55 =	vmul.f32 v58, v57;
	v46 =	vld [tilespmem:s24+$0x2200]  }
0x19c: {  	v57 =	vmul.f32 v62, v61;
	v2 =	vmul.f32 v2, v63;
	v3 =	vadd.f32 v52, v3;
	v58 =	vld [tilespmem:s11+$0x2210]  }
0x19d: {  	v0 =	vadd.f32 v55, v0;
	v1 =	vadd.f32 v7, v1;
	v7 =	vld [tilespmem:s24+$0x2210];
	v6 =	vmul.f32 v9, v6  }
0x19e: {  	v3 =	vadd.f32 v57, v3;
	v2 =	vadd.f32 v2, v4;
	v4 =	vmul.f32 v8, v12  }
0x19f: {  	v60 =	vmul.f32 v51, v48;
	v0 =	vadd.f32 v6, v0;
	v6 =	vmul.f32 v40, v11  }
0x1a0: {  	v61 =	vmul.f32 v54, v53;
	v1 =	vadd.f32 v4, v1;
	v4 =	vmul.f32 v46, v44  }
0x1a1: {  	v3 =	vadd.f32 v6, v3;
	v0 =	vadd.f32 v60, v0;
	v6 =	vmul.f32 v58, v56  }
0x1a2: {  	v2 =	vadd.f32 v4, v2;
	v1 =	vadd.f32 v61, v1;
	v4 =	vmul.f32 v7, v59  }
0x1a3: {  	v3 =	vadd.f32 v6, v3;
	[tilespmem:$0x17308] =	vst v0  }
0x1a4: {  	(v2sf) =	vpush v28, $0xD;
	v62 =	vadd.f32 v4, v2;
	[tilespmem:$0x17319] =	vst v1  }
0x1a5: {  	[tilespmem:$0x1732A] =	vst v3  }
0x1a6: {  	(v2sf) =	vpush v28, $0xE;
	[tilespmem:$0x1733B] =	vst v62  }
0x1a7: {  	(v2sf) =	vpush v28, $0xF;
	s6 =	spop (v2sf);
	v0 =	vld [tilespmem:s3+$0x200]  }
0x1a8: {  	v1 =	vld [tilespmem:s6+$0xA00]  }
0x1a9: {  	v2 =	vld [tilespmem:s3+$0x280]  }
0x1aa: {  	v4 =	vld [tilespmem:s3+$0x300]  }
0x1ab: {  	v7 =	vld [tilespmem:s3+$0x380]  }
0x1ac: {  	v9 =	vld [tilespmem:s3+$0x210]  }
0x1ad: {  	v10 =	vld [tilespmem:s6+$0xA10]  }
0x1ae: {  	v11 =	vld [tilespmem:s3+$0x290]  }
0x1af: {  	v29 =	vld [tilespmem:s3+$0x390]  }
0x1b0: {  	v31 =	vld [tilespmem:s3+$0x220]  }
0x1b1: {  	(v2sf) =	vpush v25, $0xC;
	v33 =	vld [tilespmem:s3+$0x2A0]  }
0x1b2: {  	v35 =	vld [tilespmem:s3+$0x320]  }
0x1b3: {  	s9 =	spop (v2sf);
	(v2sf) =	vpush v25, $0xD;
	v37 =	vld [tilespmem:s3+$0x3A0]  }
0x1b4: {  	v40 =	vld [tilespmem:s3+$0x2B0]  }
0x1b5: {  	v42 =	vld [tilespmem:s3+$0x330];
	s11 =	spop (v2sf);
	(v2sf) =	vpush v25, $0xE  }
0x1b6: {  	v44 =	vld [tilespmem:s3+$0x3B0];
	s24 =	spop (v2sf);
	(v2sf) =	vpush v25, $0xF  }
0x1b7: {  	v46 =	vld [tilespmem:s3+$0x240]  }
0x1b8: {  	v48 =	vld [tilespmem:s3+$0x2C0]  }
0x1b9: {  	v50 =	vld [tilespmem:s3+$0x340]  }
0x1ba: {  	v52 =	vld [tilespmem:s3+$0x3C0]  }
0x1bb: {  	v55 =	vld [tilespmem:s3+$0x2D0]  }
0x1bc: {  	v57 =	vld [tilespmem:s3+$0x350]  }
0x1bd: {  	v59 =	vld [tilespmem:s3+$0x3D0]  }
0x1be: {  	v3 =	vld [tilespmem:s9+$0xA00]  }
0x1bf: {  	v12 =	vld [tilespmem:s9+$0xA10]  }
0x1c0: {  	v6 =	vld [tilespmem:s11+$0xA00];
	s6 =	spop (v2sf);
	(v2sf) =	vpush v26, $0xC  }
0x1c1: {  	v25 =	vld [tilespmem:s3+$0x310]  }
0x1c2: {  	v28 =	vld [tilespmem:s11+$0xA10];
	s9 =	spop (v2sf);
	(v2sf) =	vpush v26, $0xD  }
0x1c3: {  	v30 =	vld [tilespmem:s24+$0xA10]  }
0x1c4: {  	v8 =	vld [tilespmem:s24+$0xA00];
	s11 =	spop (v2sf);
	(v2sf) =	vpush v26, $0xE  }
0x1c5: {  	v0 =	vmul.f32 v1, v0;
	v1 =	vld [tilespmem:s3+$0x260];
	v2 =	vmul.f32 v3, v2;
	s24 =	spop (v2sf);
	(v2sf) =	vpush v26, $0xF  }
0x1c6: {  	v3 =	vmul.f32 v6, v4;
	v6 =	vmul.f32 v10, v9;
	v10 =	vld [tilespmem:s3+$0x2E0]  }
0x1c7: {  	v9 =	vld [tilespmem:s3+$0x360]  }
0x1c8: {  	v0 =	vadd.f32 v6, v0;
	v6 =	vmul.f32 v30, v29;
	v29 =	vld [tilespmem:s3+$0x3E0]  }
0x1c9: {  	v32 =	vld [tilespmem:s6+$0xE00]  }
0x1ca: {  	v39 =	vld [tilespmem:s6+$0xE10]  }
0x1cb: {  	v36 =	vld [tilespmem:s11+$0xE00]  }
0x1cc: {  	v26 =	vld [tilespmem:s3+$0x230]  }
0x1cd: {  	v38 =	vld [tilespmem:s24+$0xE00]  }
0x1ce: {  	v63 =	vmul.f32 v12, v11;
	v45 =	vld [tilespmem:s24+$0xE10]  }
0x1cf: {  	v28 =	vmul.f32 v28, v25;
	v41 =	vld [tilespmem:s9+$0xE10];
	s6 =	spop (v2sf);
	(v2sf) =	vpush v27, $0xC  }
0x1d0: {  	v7 =	vmul.f32 v8, v7;
	v2 =	vadd.f32 v63, v2;
	v34 =	vld [tilespmem:s9+$0xE00]  }
0x1d1: {  	v3 =	vadd.f32 v28, v3;
	v43 =	vld [tilespmem:s11+$0xE10];
	s9 =	spop (v2sf);
	(v2sf) =	vpush v27, $0xD  }
0x1d2: {  	v6 =	vadd.f32 v6, v7;
	v7 =	vmul.f32 v36, v35;
	v61 =	vmul.f32 v39, v26;
	v26 =	vld [tilespmem:s3+$0x270]  }
0x1d3: {  	v38 =	vmul.f32 v38, v37;
	v63 =	vmul.f32 v45, v44;
	v45 =	vld [tilespmem:s3+$0x3F0];
	s11 =	spop (v2sf);
	(v2sf) =	vpush v27, $0xE  }
0x1d4: {  	v3 =	vadd.f32 v7, v3;
	v7 =	vmul.f32 v41, v40;
	v41 =	vld [tilespmem:s3+$0x370];
	s24 =	spop (v2sf);
	(v2sf) =	vpush v27, $0xF  }
0x1d5: {  	v6 =	vadd.f32 v38, v6;
	v38 =	vld [tilespmem:s3+$0x2F0]  }
0x1d6: {  	v47 =	vld [tilespmem:s6+$0x1A00]  }
0x1d7: {  	v54 =	vld [tilespmem:s6+$0x1A10]  }
0x1d8: {  	v49 =	vld [tilespmem:s9+$0x1A00]  }
0x1d9: {  	v56 =	vld [tilespmem:s9+$0x1A10]  }
0x1da: {  	v51 =	vld [tilespmem:s11+$0x1A00]  }
0x1db: {  	v27 =	vld [tilespmem:s3+$0x250]  }
0x1dc: {  	v32 =	vmul.f32 v32, v31;
	v58 =	vld [tilespmem:s11+$0x1A10]  }
0x1dd: {  	v12 =	vmul.f32 v34, v33;
	v53 =	vld [tilespmem:s24+$0x1A00]  }
0x1de: {  	v0 =	vadd.f32 v32, v0;
	v60 =	vld [tilespmem:s24+$0x1A10];
	s6 =	spop (v2sf)  }
0x1df: {  	v62 =	vmul.f32 v43, v42;
	v2 =	vadd.f32 v12, v2;
	v4 =	vld [tilespmem:s6+$0x2200]  }
0x1e0: {  	v0 =	vadd.f32 v61, v0;
	s9 =	spop (v2sf);
	v36 =	vld [tilespmem:s6+$0x2210]  }
0x1e1: {  	v2 =	vadd.f32 v7, v2;
	v3 =	vadd.f32 v62, v3;
	v7 =	vmul.f32 v47, v46;
	v11 =	vld [tilespmem:s9+$0x2200]  }
0x1e2: {  	v6 =	vadd.f32 v63, v6;
	v37 =	vmul.f32 v49, v48;
	v39 =	vmul.f32 v51, v50;
	s11 =	spop (v2sf);
	v40 =	vld [tilespmem:s9+$0x2210]  }
0x1e3: {  	v0 =	vadd.f32 v7, v0;
	v42 =	vmul.f32 v54, v27;
	v7 =	vmul.f32 v53, v52;
	v25 =	vld [tilespmem:s11+$0x2200];
	s24 =	spop (v2sf)  }
0x1e4: {  	v27 =	vmul.f32 v56, v55;
	v2 =	vadd.f32 v37, v2;
	v44 =	vmul.f32 v60, v59;
	v12 =	vld [tilespmem:s24+$0x2200]  }
0x1e5: {  	v3 =	vadd.f32 v39, v3;
	v6 =	vadd.f32 v7, v6;
	v7 =	vmul.f32 v58, v57;
	v43 =	vld [tilespmem:s11+$0x2210]  }
0x1e6: {  	v0 =	vadd.f32 v42, v0;
	v2 =	vadd.f32 v27, v2;
	v1 =	vmul.f32 v4, v1;
	v4 =	vld [tilespmem:s24+$0x2210]  }
0x1e7: {  	v3 =	vadd.f32 v7, v3;
	v6 =	vadd.f32 v44, v6;
	v7 =	vmul.f32 v11, v10  }
0x1e8: {  	v47 =	vmul.f32 v36, v26;
	v0 =	vadd.f32 v1, v0;
	v46 =	vmul.f32 v25, v9  }
0x1e9: {  	v50 =	vld [tilespmem:$0x1FFC0];
	v48 =	vmul.f32 v40, v38;
	v2 =	vadd.f32 v7, v2;
	v7 =	vmul.f32 v12, v29  }
0x1ea: {  	v51 =	vld [tilespmem:$0x1FFD0];
	v1 =	vadd.f32 v46, v3;
	v0 =	vadd.f32 v47, v0;
	v3 =	vmul.f32 v43, v41  }
0x1eb: {  	v6 =	vadd.f32 v7, v6;
	v2 =	vadd.f32 v48, v2;
	v4 =	vmul.f32 v4, v45  }
0x1ec: {  	v1 =	vadd.f32 v3, v1;
	[tilespmem:$0x1734C] =	vst v0  }
0x1ed: {  	v49 =	vadd.f32 v4, v6;
	[tilespmem:$0x1735D] =	vst v2  }
0x1ee: {  	v3 =	vld [tilespmem:$0x1FFE0];
	[tilespmem:$0x1736E] =	vst v1  }
0x1ef: {  	v4 =	vld [tilespmem:$0x1FFF0];
	[tilespmem:$0x1737F] =	vst v49  }
0x1f0: {  	v0 =	vld.idx.msk [tilespmem:v5+s23+$0x0], $0xffff  }
0x1f1: {  	v1 =	vld.idx.msk [tilespmem:v50+s23+$0x0], $0xffff  }
0x1f2: {  	v2 =	vld.idx.msk [tilespmem:v51+s23+$0x0], $0xffff  }
0x1f3: {  	v6 =	vld.idx.msk [tilespmem:v13+s23+$0x0], $0xffff  }
0x1f4: {  	v7 =	vld.idx.msk [tilespmem:v14+s23+$0x0], $0xffff  }
0x1f5: {  	v52 =	vld.idx.msk [tilespmem:v15+s23+$0x0], $0xffff  }
0x1f6: {  	v53 =	vld.idx.msk [tilespmem:v16+s23+$0x0], $0xffff  }
0x1f7: {  	v54 =	vld.idx.msk [tilespmem:v17+s23+$0x0], $0xffff  }
0x1f8: {  	v55 =	vld.idx.msk [tilespmem:v18+s23+$0x0], $0xffff  }
0x1f9: {  	v25 =	vld.idx.msk [tilespmem:v20+s23+$0x0], $0xffff  }
0x1fa: {  	v26 =	vld.idx.msk [tilespmem:v21+s23+$0x0], $0xffff  }
0x1fb: {  	v27 =	vld.idx.msk [tilespmem:v22+s23+$0x0], $0xffff  }
0x1fc: {  	v56 =	vld.idx.msk [tilespmem:v23+s23+$0x0], $0xffff  }
0x1fd: {  	v3 =	vld.idx.msk [tilespmem:v3+s23+$0x0], $0xffff  }
0x1fe: {  	v4 =	vld.idx.msk [tilespmem:v4+s23+$0x0], $0xffff  }
0x1ff: {  	v12 =	vld.idx.msk [tilespmem:v19+s23+$0x0], $0xffff;
	_ =	sdelay $0x1  }
0x200: {  	v0 =	vadd.f32 v1, v0;
	v59 =	vadd.f32 v56, v27  }
0x201: {  	v57 =	vadd.f32 v3, v2;
	v3 =	vadd.f32 v52, v7  }
0x202: {  	v7 =	vadd.f32 v26, v25;
	v58 =	vadd.f32 v6, v4  }
0x203: {  	v4 =	vadd.f32 v54, v53;
	v6 =	vadd.f32 v12, v55  }
0x204: {  	v0 =	vadd.f32 v57, v0;
	v60 =	vadd.f32 v3, v58  }
0x205: {  	v61 =	vadd.f32 v6, v4;
	v3 =	vadd.f32 v59, v7;
	_ =	sdelay $0x1  }
0x206: {  	v0 =	vadd.f32 v60, v0;
	v62 =	vadd.f32 v3, v61;
	_ =	sdelay $0x1  }
0x207: {  	v0 =	vadd.f32 v62, v0  }
0x208: {  	s26 =	sadd.s32 $0x1, s26  }
0x209: {  	p0 =	sne.s32 s26, $0x20;
	v0 =	vadd.f32 v0, v24  }
.Ltmp5:
0x20a: {  	_ = 	snop;
	(pc) =	sbr.rel @!p0 .LBB2_18-.Ltmp5, $4  }
0x20b: {  	v63 =	vmul.f32 $9.999999770e-03, v0  }
0x20c: {  	vm0 =	vge.f32 v0, $0.0e+00  }
0x20d: {  	s28 =	sadd.s32 $0x10, s28;
	s30 =	sadd.s32 $0x10, s30;
	s31 =	sadd.s32 $0x10, s31;
	v0 =	vsel vm0, v0, v63  }
0x20e: {  	s29 =	sadd.s32 $0x10, s29;
	s3 =	sadd.s32 $0x800, s3;
	[tilespmem:s0+$0x0] =	vst v0;
	s0 =	sadd.s32 $0x10, s0  }
.LBB2_6:
0x20f: {  	s6 =	sand.u32 $0x7, s26  }
0x210: {  	p0 =	sne.s32 s6, $0x0  }
.Ltmp6:
0x211: {  	_ = 	snop;
	(pc) =	sbr.rel @p0 .LBB2_17-.Ltmp6, $1  }
0x212: {  	_ =	sdelay $0x3  }
0x213: {  	p0 =	sgt.s32 s26, $0xF  }
.Ltmp7:
0x214: {  	_ = 	snop;
	(pc) =	sbr.rel @p0 .LBB2_10-.Ltmp7, $1  }
0x215: {  	_ =	sdelay $0x3  }
0x216: {  	p0 =	seq.s32 s26, $0x0  }
.Ltmp8:
0x217: {  	_ = 	snop;
	(pc) =	sbr.rel @p0 .LBB2_9-.Ltmp8, $1  }
0x218: {  	_ =	sdelay $0x3  }
0x219: {  	p0 =	seq.s32 s26, $0x8  }
.Ltmp9:
0x21a: {  	_ = 	snop;
	(pc) =	sbr.rel @!p0 .LBB2_17-.Ltmp9, $1  }
0x21b: {  	_ =	sdelay $0x3  }
.Ltmp10:
0x21c: {  	(pc) =	sbr.rel .LBB2_16-.Ltmp10, $2  }
0x21d: {  	_ =	sdelay $0x2  }
0x21e: {  	s6 =	simm.s32 $0x3  }
.LBB2_10:
0x21f: {  	p0 =	seq.s32 s26, $0x10  }
.Ltmp11:
0x220: {  	_ = 	snop;
	(pc) =	sbr.rel @p0 .LBB2_15-.Ltmp11, $1  }
0x221: {  	_ =	sdelay $0x3  }
0x222: {  	p0 =	seq.s32 s26, $0x18  }
.Ltmp12:
0x223: {  	_ = 	snop;
	(pc) =	sbr.rel @!p0 .LBB2_17-.Ltmp12, $1  }
0x224: {  	_ =	sdelay $0x3  }
.Ltmp13:
0x225: {  	(pc) =	sbr.rel .LBB2_16-.Ltmp13, $2  }
0x226: {  	_ =	sdelay $0x2  }
0x227: {  	s6 =	simm.s32 $0x5  }
.LBB2_9:
.Ltmp14:
0x228: {  	(pc) =	sbr.rel .LBB2_16-.Ltmp14, $2  }
0x229: {  	_ =	sdelay $0x2  }
0x22a: {  	s6 =	simm.s32 $0x2  }
.LBB2_19:
0x22b: {  	_ =	sfence.sel $0x180000  }
0x22c: {  	[bflag:$0x0] =	sbarrier.arrive $0xFFFF  }
0x22d: {  	_ =	strace $0x90000047  }
0x22e: {  	s0 =	stileid.u32;
	[bflag:$0x2] =	sbarrier.arrive $0xFFFF  }
0x22f: {  	p0 =	sne.s32 s0, $0x0;
	s0 =	rddreg [dreg:$0xd]  }
0x230: {  	s0 =	sadd.s32 @!p0 $0x100000, s0  }
0x231: {  	[sflag:s0] =	ssyncadd.tile.s32 @!p0 $0x1;
	_ =	shalt  }
.Lfunc_end2:
_tile_overlayer_lowered:
.L_overlay_start_2:
0x232: {  	(tag) =	ssettag $0x2  }
0x233: {  	s0 =	rddreg [dreg:$0x0];
	s2 =	stileid.u32  }
0x234: {  	s1 =	rddreg [dreg:$0x1];
	p0 =	sne.s32 s2, $0x0  }
0x235: {  	s3 =	rddreg [dreg:$0x2];
	[bflag:$0x3] =	sbarrier.arrive $0xFFFF;
	s2 =	simm.s32 @!p0 $0x1C06  }
0x236: {  	[timem:s3], [sflag:s2] =	dma.local @!p0 [hbm:s0], s1  }
0x237: {  	s0 =	simm.s32 @!p0 $0x6  }
0x238: {  	_ =	swait.ge @!p0 [sflag:s0], s1  }
0x239: {  	s1 =	ssub.s32 @!p0 $0x0, s1;
	[sflag:s0] =	ssyncset.done @!p0 $0x0  }
0x23a: {  	[sflag:s0] =	ssyncadd.s32 @!p0 s1  }
0x23b: {  	[bflag:$0x3] =	sbarrier.arrive $0xFFFF  }
0x23c: {  	_ =	shalt  }

</sc_bundles>
